<compile_context>
chip_gen: v7x
topology: tpu7x:2x2x1
jax: 0.10.2.dev20260603
libtpu: 0.0.44.dev20260713+nightly
codegen_flags: <defaults>
</compile_context>

<pallas_src>
import math

import jax
import jax.numpy as jnp
from jax import lax
from jax.experimental import pallas as pl
from jax.experimental.pallas import tpu as pltpu
from jax.experimental.pallas import tpu_sc as plsc

D_MODEL = 128
SEQ = 50
SCALE = math.sqrt(128.0)

NC, NS = 2, 16
NW = NC * NS
C = 128
NCHUNK = SEQ
NB = 5
LEAD = 4
BATCH = NW * C


def _scale_chunk(buf):
    def row(i, carry):
        for h in range(D_MODEL // 16):
            sl = (i, pl.ds(h * 16, 16))
            buf[sl] = buf[sl] * SCALE
        return carry
    lax.fori_loop(0, C, row, 0, unroll=2)


def _sc_body(x_hbm, table_hbm, out_hbm, idx_v, rows, *sems):
    gs = sems[:NB]
    ss = sems[NB:]
    wid = lax.axis_index("s") * NC + lax.axis_index("c")
    base = wid * C

    pltpu.sync_copy(x_hbm.at[:, pl.ds(base, C)], idx_v)

    def gather(j, b):
        return pltpu.make_async_copy(
            table_hbm.at[idx_v.at[j]], rows.at[b], gs[b])

    def scatter(j, b):
        return pltpu.make_async_copy(
            rows.at[b], out_hbm.at[j, pl.ds(base, C)], ss[b])

    for b in range(NB):
        gather(b, b).start()

    def outer(g, carry):
        for b in range(NB):
            j = g * NB + b
            k = j + LEAD
            bk = (b + LEAD) % NB

            @pl.when(jnp.logical_and(k >= NB, k < NCHUNK))
            def _():
                scatter(k - NB, bk).wait()
                gather(k, bk).start()

            gather(j, b).wait()
            _scale_chunk(rows.at[b])
            scatter(j, b).start()
        return carry

    lax.fori_loop(0, NCHUNK // NB, outer, 0)

    for b in range(NB):
        scatter(0, b).wait()


@jax.jit
def _embed_scaled(x_t, table):
    k = pl.kernel(
        _sc_body,
        out_type=jax.ShapeDtypeStruct((SEQ, BATCH, D_MODEL), jnp.float32),
        mesh=plsc.VectorSubcoreMesh(core_axis_name="c", subcore_axis_name="s"),
        scratch_types=(
            [pltpu.VMEM((NCHUNK, C), jnp.int32),
             pltpu.VMEM((NB, C, D_MODEL), jnp.float32)]
            + [pltpu.SemaphoreType.DMA] * (2 * NB)
        ),
    )
    return k(x_t, table)


def kernel(x, target_vec, table, W, b):
    bsz, seq = x.shape
    out_sm = _embed_scaled(x.astype(jnp.int32).T, table)
    return jnp.transpose(out_sm, (1, 0, 2))

# --- scband reference (transcript-rebuilt; emitter-appended) ---
"""Pipeline reference for scband-embeddings-24816321036532 (READ-ONLY COPY).

The authoritative reference and input builder live on the scoring server;
editing this copy changes nothing except your own understanding.
"""

import jax, jax.numpy as jnp
import numpy as np
import math

D_MODEL = 128
VOCAB = 100000
ESM_SIZE = 128


def setup_inputs(seed: int = 0) -> dict:
    key = jax.random.key(seed)
    k1, k2, k3, k4 = jax.random.split(key, 4)
    x = jax.random.randint(k1, (4096, 50), 0, VOCAB)
    target_vec = jax.random.normal(k2, (4096, ESM_SIZE), dtype=jnp.float32)
    # learned params
    table = jax.random.normal(k3, (VOCAB, D_MODEL), dtype=jnp.float32) * 0.02
    # nn.Linear(esm_size + d_model, d_model): weight [out, in] = [128, 256]
    W = jax.random.normal(k4, (D_MODEL, ESM_SIZE + D_MODEL), dtype=jnp.float32) * 0.05
    b = jnp.zeros((D_MODEL,), dtype=jnp.float32)
    return {"x": x, "target_vec": target_vec, "table": table, "W": W, "b": b}


def reference(x, target_vec, table, W, b):
    # data_type == Data_Type.base (default): only the scaled embedding lookup is returned.
    torch_embed = jnp.take(table, x, axis=0) * math.sqrt(D_MODEL)
    return torch_embed

if __name__ == "__main__":
    import jax
    _d = setup_inputs()
    print(jax.jit(kernel)(*tuple(_d.values())))

</pallas_src>

<mosaic_0001>
#map = affine_map<(d0, d1) -> (0, 0)>
#map1 = affine_map<(d0, d1) -> (0, 0, 0)>
module attributes {stable_mosaic.version = 14 : i64} {
  func.func @_sc_body(%arg0: i32, %arg1: i32, %arg2: memref<50x4096xi32, #tpu.memory_space<hbm>>, %arg3: memref<100000x128xf32, #tpu.memory_space<hbm>>, %arg4: memref<50x4096x128xf32, #tpu.memory_space<hbm>>, %arg5: memref<50x128xi32, #tpu.memory_space<vmem>>, %arg6: memref<5x128x128xf32, #tpu.memory_space<vmem>>, %arg7: memref<!tpu.dma_semaphore, #tpu.memory_space<semaphore_mem>>, %arg8: memref<!tpu.dma_semaphore, #tpu.memory_space<semaphore_mem>>, %arg9: memref<!tpu.dma_semaphore, #tpu.memory_space<semaphore_mem>>, %arg10: memref<!tpu.dma_semaphore, #tpu.memory_space<semaphore_mem>>, %arg11: memref<!tpu.dma_semaphore, #tpu.memory_space<semaphore_mem>>, %arg12: memref<!tpu.dma_semaphore, #tpu.memory_space<semaphore_mem>>, %arg13: memref<!tpu.dma_semaphore, #tpu.memory_space<semaphore_mem>>, %arg14: memref<!tpu.dma_semaphore, #tpu.memory_space<semaphore_mem>>, %arg15: memref<!tpu.dma_semaphore, #tpu.memory_space<semaphore_mem>>, %arg16: memref<!tpu.dma_semaphore, #tpu.memory_space<semaphore_mem>>) attributes {dimension_semantics = [#tpu.dimension_semantics<core_parallel>, #tpu.dimension_semantics<subcore_parallel>], iteration_bounds = array<i64: 2, 16>, scalar_prefetch = 0 : i64, scratch_operands = 12 : i64, tpu.core_type = #tpu.core_type<sc_vector_subcore>, window_params = [{transform_indices = #map}, {transform_indices = #map}, {transform_indices = #map1}]} {
    %mul3A = arith.constant 2 : i32
    %mul3A_0 = arith.muli %arg1, %mul3A : i32
    %add3A = arith.addi %mul3A_0, %arg0 : i32
    %mul3A_1 = arith.constant 128 : i32
    %mul3A_2 = arith.muli %add3A, %mul3A_1 : i32
    "tpu.region"() ({
      %run_scoped3A = tpu.sem_alloc : memref<!tpu.dma_semaphore, #tpu.memory_space<semaphore_mem>>
      %dma_start3A_146 = arith.constant 0 : i32
      %dma_start3A_147 = tpu.memref_slice %arg2[%dma_start3A_146, %mul3A_2] : memref<50x4096xi32, #tpu.memory_space<hbm>> -> memref<50x128xi32, #tpu.memory_space<hbm>>
      %dma_start3A_148 = arith.constant 0 : i32
      %dma_start3A_149 = tpu.memref_slice %arg2[%dma_start3A_148, %mul3A_2] : memref<50x4096xi32, #tpu.memory_space<hbm>> -> memref<50x128xi32, #tpu.memory_space<hbm>>
      tpu.enqueue_dma source(%dma_start3A_149 : memref<50x128xi32, #tpu.memory_space<hbm>>) target(%arg5 : memref<50x128xi32, #tpu.memory_space<vmem>>) target_semaphore(%run_scoped3A : memref<!tpu.dma_semaphore, #tpu.memory_space<semaphore_mem>>)
      %dma_wait3A_150 = arith.constant 0 : i32
      %dma_wait3A_151 = tpu.memref_slice %arg2[%dma_wait3A_150, %mul3A_2] : memref<50x4096xi32, #tpu.memory_space<hbm>> -> memref<50x128xi32, #tpu.memory_space<hbm>>
      %dma_wait3A_152 = arith.constant 0 : i32
      %dma_wait3A_153 = tpu.memref_slice %arg2[%dma_wait3A_152, %mul3A_2] : memref<50x4096xi32, #tpu.memory_space<hbm>> -> memref<50x128xi32, #tpu.memory_space<hbm>>
      tpu.wait_dma2 semaphore(%run_scoped3A : memref<!tpu.dma_semaphore, #tpu.memory_space<semaphore_mem>>) src(%dma_wait3A_153 : memref<50x128xi32, #tpu.memory_space<hbm>>) dst(%arg5 : memref<50x128xi32, #tpu.memory_space<vmem>>)
      tpu.yield
    }) : () -> ()
    %dma_start3A = arith.constant 0 : i32
    %dma_start3A_3 = arith.constant 0 : i32
    %dma_start3A_4 = arith.constant 0 : i32
    %dma_start3A_5 = arith.constant 0 : i32
    %dma_start3A_6 = tpu.memref_slice %arg6[%dma_start3A_3, %dma_start3A_4, %dma_start3A_5] : memref<5x128x128xf32, #tpu.memory_space<vmem>> -> memref<1x128x128xf32, #tpu.memory_space<vmem>>
    %dma_start3A_7 = tpu.memref_squeeze %dma_start3A_6 : memref<1x128x128xf32, #tpu.memory_space<vmem>> -> memref<128x128xf32, #tpu.memory_space<vmem>>
    %dma_start3A_8 = arith.constant 0 : i32
    %dma_start3A_9 = tpu.memref_slice %arg5[%dma_start3A, %dma_start3A_8] : memref<50x128xi32, #tpu.memory_space<vmem>> -> memref<1x128xi32, #tpu.memory_space<vmem>>
    %dma_start3A_10 = tpu.memref_squeeze %dma_start3A_9 : memref<1x128xi32, #tpu.memory_space<vmem>> -> memref<128xi32, #tpu.memory_space<vmem>>
    %dma_start3A_11 = arith.constant 0 : i32
    %dma_start3A_12 = arith.constant 0 : i32
    %dma_start3A_13 = tpu.memref_slice %arg3[%dma_start3A_11, %dma_start3A_12] : memref<100000x128xf32, #tpu.memory_space<hbm>> -> memref<100000x128xf32, #tpu.memory_space<hbm>>
    tpu.enqueue_indirect_dma source(%dma_start3A_13 : memref<100000x128xf32, #tpu.memory_space<hbm>>) target(%dma_start3A_7 : memref<128x128xf32, #tpu.memory_space<vmem>>) offsets(%dma_start3A_10 : memref<128xi32, #tpu.memory_space<vmem>>) semaphore(%arg7 : memref<!tpu.dma_semaphore, #tpu.memory_space<semaphore_mem>>)
    %dma_start3A_14 = arith.constant 1 : i32
    %dma_start3A_15 = arith.constant 1 : i32
    %dma_start3A_16 = arith.constant 0 : i32
    %dma_start3A_17 = arith.constant 0 : i32
    %dma_start3A_18 = tpu.memref_slice %arg6[%dma_start3A_15, %dma_start3A_16, %dma_start3A_17] : memref<5x128x128xf32, #tpu.memory_space<vmem>> -> memref<1x128x128xf32, #tpu.memory_space<vmem>>
    %dma_start3A_19 = tpu.memref_squeeze %dma_start3A_18 : memref<1x128x128xf32, #tpu.memory_space<vmem>> -> memref<128x128xf32, #tpu.memory_space<vmem>>
    %dma_start3A_20 = arith.constant 0 : i32
    %dma_start3A_21 = tpu.memref_slice %arg5[%dma_start3A_14, %dma_start3A_20] : memref<50x128xi32, #tpu.memory_space<vmem>> -> memref<1x128xi32, #tpu.memory_space<vmem>>
    %dma_start3A_22 = tpu.memref_squeeze %dma_start3A_21 : memref<1x128xi32, #tpu.memory_space<vmem>> -> memref<128xi32, #tpu.memory_space<vmem>>
    %dma_start3A_23 = arith.constant 0 : i32
    %dma_start3A_24 = arith.constant 0 : i32
    %dma_start3A_25 = tpu.memref_slice %arg3[%dma_start3A_23, %dma_start3A_24] : memref<100000x128xf32, #tpu.memory_space<hbm>> -> memref<100000x128xf32, #tpu.memory_space<hbm>>
    tpu.enqueue_indirect_dma source(%dma_start3A_25 : memref<100000x128xf32, #tpu.memory_space<hbm>>) target(%dma_start3A_19 : memref<128x128xf32, #tpu.memory_space<vmem>>) offsets(%dma_start3A_22 : memref<128xi32, #tpu.memory_space<vmem>>) semaphore(%arg8 : memref<!tpu.dma_semaphore, #tpu.memory_space<semaphore_mem>>)
    %dma_start3A_26 = arith.constant 2 : i32
    %dma_start3A_27 = arith.constant 2 : i32
    %dma_start3A_28 = arith.constant 0 : i32
    %dma_start3A_29 = arith.constant 0 : i32
    %dma_start3A_30 = tpu.memref_slice %arg6[%dma_start3A_27, %dma_start3A_28, %dma_start3A_29] : memref<5x128x128xf32, #tpu.memory_space<vmem>> -> memref<1x128x128xf32, #tpu.memory_space<vmem>>
    %dma_start3A_31 = tpu.memref_squeeze %dma_start3A_30 : memref<1x128x128xf32, #tpu.memory_space<vmem>> -> memref<128x128xf32, #tpu.memory_space<vmem>>
    %dma_start3A_32 = arith.constant 0 : i32
    %dma_start3A_33 = tpu.memref_slice %arg5[%dma_start3A_26, %dma_start3A_32] : memref<50x128xi32, #tpu.memory_space<vmem>> -> memref<1x128xi32, #tpu.memory_space<vmem>>
    %dma_start3A_34 = tpu.memref_squeeze %dma_start3A_33 : memref<1x128xi32, #tpu.memory_space<vmem>> -> memref<128xi32, #tpu.memory_space<vmem>>
    %dma_start3A_35 = arith.constant 0 : i32
    %dma_start3A_36 = arith.constant 0 : i32
    %dma_start3A_37 = tpu.memref_slice %arg3[%dma_start3A_35, %dma_start3A_36] : memref<100000x128xf32, #tpu.memory_space<hbm>> -> memref<100000x128xf32, #tpu.memory_space<hbm>>
    tpu.enqueue_indirect_dma source(%dma_start3A_37 : memref<100000x128xf32, #tpu.memory_space<hbm>>) target(%dma_start3A_31 : memref<128x128xf32, #tpu.memory_space<vmem>>) offsets(%dma_start3A_34 : memref<128xi32, #tpu.memory_space<vmem>>) semaphore(%arg9 : memref<!tpu.dma_semaphore, #tpu.memory_space<semaphore_mem>>)
    %dma_start3A_38 = arith.constant 3 : i32
    %dma_start3A_39 = arith.constant 3 : i32
    %dma_start3A_40 = arith.constant 0 : i32
    %dma_start3A_41 = arith.constant 0 : i32
    %dma_start3A_42 = tpu.memref_slice %arg6[%dma_start3A_39, %dma_start3A_40, %dma_start3A_41] : memref<5x128x128xf32, #tpu.memory_space<vmem>> -> memref<1x128x128xf32, #tpu.memory_space<vmem>>
    %dma_start3A_43 = tpu.memref_squeeze %dma_start3A_42 : memref<1x128x128xf32, #tpu.memory_space<vmem>> -> memref<128x128xf32, #tpu.memory_space<vmem>>
    %dma_start3A_44 = arith.constant 0 : i32
    %dma_start3A_45 = tpu.memref_slice %arg5[%dma_start3A_38, %dma_start3A_44] : memref<50x128xi32, #tpu.memory_space<vmem>> -> memref<1x128xi32, #tpu.memory_space<vmem>>
    %dma_start3A_46 = tpu.memref_squeeze %dma_start3A_45 : memref<1x128xi32, #tpu.memory_space<vmem>> -> memref<128xi32, #tpu.memory_space<vmem>>
    %dma_start3A_47 = arith.constant 0 : i32
    %dma_start3A_48 = arith.constant 0 : i32
    %dma_start3A_49 = tpu.memref_slice %arg3[%dma_start3A_47, %dma_start3A_48] : memref<100000x128xf32, #tpu.memory_space<hbm>> -> memref<100000x128xf32, #tpu.memory_space<hbm>>
    tpu.enqueue_indirect_dma source(%dma_start3A_49 : memref<100000x128xf32, #tpu.memory_space<hbm>>) target(%dma_start3A_43 : memref<128x128xf32, #tpu.memory_space<vmem>>) offsets(%dma_start3A_46 : memref<128xi32, #tpu.memory_space<vmem>>) semaphore(%arg10 : memref<!tpu.dma_semaphore, #tpu.memory_space<semaphore_mem>>)
    %dma_start3A_50 = arith.constant 4 : i32
    %dma_start3A_51 = arith.constant 4 : i32
    %dma_start3A_52 = arith.constant 0 : i32
    %dma_start3A_53 = arith.constant 0 : i32
    %dma_start3A_54 = tpu.memref_slice %arg6[%dma_start3A_51, %dma_start3A_52, %dma_start3A_53] : memref<5x128x128xf32, #tpu.memory_space<vmem>> -> memref<1x128x128xf32, #tpu.memory_space<vmem>>
    %dma_start3A_55 = tpu.memref_squeeze %dma_start3A_54 : memref<1x128x128xf32, #tpu.memory_space<vmem>> -> memref<128x128xf32, #tpu.memory_space<vmem>>
    %dma_start3A_56 = arith.constant 0 : i32
    %dma_start3A_57 = tpu.memref_slice %arg5[%dma_start3A_50, %dma_start3A_56] : memref<50x128xi32, #tpu.memory_space<vmem>> -> memref<1x128xi32, #tpu.memory_space<vmem>>
    %dma_start3A_58 = tpu.memref_squeeze %dma_start3A_57 : memref<1x128xi32, #tpu.memory_space<vmem>> -> memref<128xi32, #tpu.memory_space<vmem>>
    %dma_start3A_59 = arith.constant 0 : i32
    %dma_start3A_60 = arith.constant 0 : i32
    %dma_start3A_61 = tpu.memref_slice %arg3[%dma_start3A_59, %dma_start3A_60] : memref<100000x128xf32, #tpu.memory_space<hbm>> -> memref<100000x128xf32, #tpu.memory_space<hbm>>
    tpu.enqueue_indirect_dma source(%dma_start3A_61 : memref<100000x128xf32, #tpu.memory_space<hbm>>) target(%dma_start3A_55 : memref<128x128xf32, #tpu.memory_space<vmem>>) offsets(%dma_start3A_58 : memref<128xi32, #tpu.memory_space<vmem>>) semaphore(%arg11 : memref<!tpu.dma_semaphore, #tpu.memory_space<semaphore_mem>>)
    %scan3A = arith.constant 0 : i32
    %scan3A_62 = arith.constant 0 : i32
    %scan3A_63 = arith.constant 10 : i32
    %scan3A_64 = arith.addi %scan3A_62, %scan3A_63 : i32
    %scan3A_65 = arith.constant 1 : i32
    scf.for %scan3A_146 = %scan3A_62 to %scan3A_64 step %scan3A_65  : i32 {
      %mul3A_147 = arith.constant 5 : i32
      %mul3A_148 = arith.muli %scan3A_146, %mul3A_147 : i32
      %add3A_149 = arith.constant 0 : i32
      %add3A_150 = arith.addi %mul3A_148, %add3A_149 : i32
      %add3A_151 = arith.constant 4 : i32
      %add3A_152 = arith.addi %add3A_150, %add3A_151 : i32
      %ge3A = arith.constant 5 : i32
      %ge3A_153 = arith.cmpi sge, %add3A_152, %ge3A : i32
      %lt3A = arith.constant 50 : i32
      %lt3A_154 = arith.cmpi slt, %add3A_152, %lt3A : i32
      %and3A = arith.andi %ge3A_153, %lt3A_154 : i1
      %convert_element_type3A = arith.extui %and3A : i1 to i32
      %cond3A = arith.constant 0 : i32
      %cond3A_155 = arith.cmpi ne, %convert_element_type3A, %cond3A : i32
      scf.if %cond3A_155 {
        %sub3A = arith.constant 5 : i32
        %sub3A_377 = arith.subi %add3A_152, %sub3A : i32
        %dma_wait3A_378 = arith.constant 4 : i32
        %dma_wait3A_379 = arith.constant 0 : i32
        %dma_wait3A_380 = arith.constant 0 : i32
        %dma_wait3A_381 = tpu.memref_slice %arg6[%dma_wait3A_378, %dma_wait3A_379, %dma_wait3A_380] : memref<5x128x128xf32, #tpu.memory_space<vmem>> -> memref<1x128x128xf32, #tpu.memory_space<vmem>>
        %dma_wait3A_382 = tpu.memref_squeeze %dma_wait3A_381 : memref<1x128x128xf32, #tpu.memory_space<vmem>> -> memref<128x128xf32, #tpu.memory_space<vmem>>
        %dma_wait3A_383 = arith.constant 0 : i32
        %dma_wait3A_384 = tpu.memref_slice %arg4[%sub3A_377, %mul3A_2, %dma_wait3A_383] : memref<50x4096x128xf32, #tpu.memory_space<hbm>> -> memref<1x128x128xf32, #tpu.memory_space<hbm>>
        %dma_wait3A_385 = tpu.memref_squeeze %dma_wait3A_384 : memref<1x128x128xf32, #tpu.memory_space<hbm>> -> memref<128x128xf32, #tpu.memory_space<hbm>>
        %dma_wait3A_386 = arith.constant 0 : i32
        %dma_wait3A_387 = tpu.memref_slice %arg4[%sub3A_377, %mul3A_2, %dma_wait3A_386] : memref<50x4096x128xf32, #tpu.memory_space<hbm>> -> memref<1x128x128xf32, #tpu.memory_space<hbm>>
        %dma_wait3A_388 = tpu.memref_squeeze %dma_wait3A_387 : memref<1x128x128xf32, #tpu.memory_space<hbm>> -> memref<128x128xf32, #tpu.memory_space<hbm>>
        %dma_wait3A_389 = arith.constant 0 : i32
        %dma_wait3A_390 = arith.constant 0 : i32
        %dma_wait3A_391 = tpu.memref_slice %arg6[%dma_wait3A_378, %dma_wait3A_389, %dma_wait3A_390] : memref<5x128x128xf32, #tpu.memory_space<vmem>> -> memref<1x128x128xf32, #tpu.memory_space<vmem>>
        %dma_wait3A_392 = tpu.memref_squeeze %dma_wait3A_391 : memref<1x128x128xf32, #tpu.memory_space<vmem>> -> memref<128x128xf32, #tpu.memory_space<vmem>>
        tpu.wait_dma2 semaphore(%arg16 : memref<!tpu.dma_semaphore, #tpu.memory_space<semaphore_mem>>) src(%dma_wait3A_392 : memref<128x128xf32, #tpu.memory_space<vmem>>) dst(%dma_wait3A_388 : memref<128x128xf32, #tpu.memory_space<hbm>>)
        %dma_start3A_393 = arith.constant 4 : i32
        %dma_start3A_394 = arith.constant 0 : i32
        %dma_start3A_395 = arith.constant 0 : i32
        %dma_start3A_396 = tpu.memref_slice %arg6[%dma_start3A_393, %dma_start3A_394, %dma_start3A_395] : memref<5x128x128xf32, #tpu.memory_space<vmem>> -> memref<1x128x128xf32, #tpu.memory_space<vmem>>
        %dma_start3A_397 = tpu.memref_squeeze %dma_start3A_396 : memref<1x128x128xf32, #tpu.memory_space<vmem>> -> memref<128x128xf32, #tpu.memory_space<vmem>>
        %dma_start3A_398 = arith.constant 0 : i32
        %dma_start3A_399 = tpu.memref_slice %arg5[%add3A_152, %dma_start3A_398] : memref<50x128xi32, #tpu.memory_space<vmem>> -> memref<1x128xi32, #tpu.memory_space<vmem>>
        %dma_start3A_400 = tpu.memref_squeeze %dma_start3A_399 : memref<1x128xi32, #tpu.memory_space<vmem>> -> memref<128xi32, #tpu.memory_space<vmem>>
        %dma_start3A_401 = arith.constant 0 : i32
        %dma_start3A_402 = arith.constant 0 : i32
        %dma_start3A_403 = tpu.memref_slice %arg3[%dma_start3A_401, %dma_start3A_402] : memref<100000x128xf32, #tpu.memory_space<hbm>> -> memref<100000x128xf32, #tpu.memory_space<hbm>>
        tpu.enqueue_indirect_dma source(%dma_start3A_403 : memref<100000x128xf32, #tpu.memory_space<hbm>>) target(%dma_start3A_397 : memref<128x128xf32, #tpu.memory_space<vmem>>) offsets(%dma_start3A_400 : memref<128xi32, #tpu.memory_space<vmem>>) semaphore(%arg11 : memref<!tpu.dma_semaphore, #tpu.memory_space<semaphore_mem>>)
      } else {
      }
      %dma_wait3A_156 = arith.constant 0 : i32
      %dma_wait3A_157 = arith.constant 0 : i32
      %dma_wait3A_158 = arith.constant 0 : i32
      %dma_wait3A_159 = tpu.memref_slice %arg6[%dma_wait3A_156, %dma_wait3A_157, %dma_wait3A_158] : memref<5x128x128xf32, #tpu.memory_space<vmem>> -> memref<1x128x128xf32, #tpu.memory_space<vmem>>
      %dma_wait3A_160 = tpu.memref_squeeze %dma_wait3A_159 : memref<1x128x128xf32, #tpu.memory_space<vmem>> -> memref<128x128xf32, #tpu.memory_space<vmem>>
      %dma_wait3A_161 = arith.constant 0 : i32
      %dma_wait3A_162 = tpu.memref_slice %arg5[%add3A_150, %dma_wait3A_161] : memref<50x128xi32, #tpu.memory_space<vmem>> -> memref<1x128xi32, #tpu.memory_space<vmem>>
      %dma_wait3A_163 = tpu.memref_squeeze %dma_wait3A_162 : memref<1x128xi32, #tpu.memory_space<vmem>> -> memref<128xi32, #tpu.memory_space<vmem>>
      %dma_wait3A_164 = arith.constant 0 : i32
      %dma_wait3A_165 = arith.constant 0 : i32
      %dma_wait3A_166 = tpu.memref_slice %arg3[%dma_wait3A_164, %dma_wait3A_165] : memref<100000x128xf32, #tpu.memory_space<hbm>> -> memref<100000x128xf32, #tpu.memory_space<hbm>>
      tpu.wait_indirect_dma semaphore(%arg7 : memref<!tpu.dma_semaphore, #tpu.memory_space<semaphore_mem>>) src(%dma_wait3A_166 : memref<100000x128xf32, #tpu.memory_space<hbm>>) dst(%dma_wait3A_160 : memref<128x128xf32, #tpu.memory_space<vmem>>)
      %scan3A_167 = arith.constant 0 : i32
      %scan3A_168 = arith.constant 0 : i32
      %scan3A_169 = arith.constant 0 : i32
      %scan3A_170 = arith.constant 128 : i32
      %scan3A_171 = arith.addi %scan3A_169, %scan3A_170 : i32
      %scan3A_172 = arith.constant 2 : i32
      scf.for %scan3A_377 = %scan3A_169 to %scan3A_171 step %scan3A_172  : i32 {
        %get3A = arith.constant 0 : i32
        %get3A_378 = arith.constant 0 : i32
        %get3A_379 = tpu.memref_slice %arg6[%scan3A_168, %get3A, %get3A_378] : memref<5x128x128xf32, #tpu.memory_space<vmem>> -> memref<1x128x128xf32, #tpu.memory_space<vmem>>
        %get3A_380 = tpu.memref_squeeze %get3A_379 : memref<1x128x128xf32, #tpu.memory_space<vmem>> -> memref<128x128xf32, #tpu.memory_space<vmem>>
        %get3A_381 = arith.index_cast %scan3A_377 : i32 to index
        %get3A_382 = arith.constant 0 : index
        %get3A_383 = tpu.vector_load %get3A_380[%get3A_381, %get3A_382] {strides = array<i32>} : memref<128x128xf32, #tpu.memory_space<vmem>>, vector<1x16xf32>,
        %get3A_384 = vector.shape_cast %get3A_383 : vector<1x16xf32> to vector<16xf32>
        %mul3A_385 = arith.constant 11.3137083 : f32
        %mul3A_386 = vector.broadcast %mul3A_385 : f32 to vector<16xf32>
        %mul3A_387 = arith.mulf %get3A_384, %mul3A_386 : vector<16xf32>
        %swap3A = arith.constant 0 : i32
        %swap3A_388 = arith.constant 0 : i32
        %swap3A_389 = tpu.memref_slice %arg6[%scan3A_168, %swap3A, %swap3A_388] : memref<5x128x128xf32, #tpu.memory_space<vmem>> -> memref<1x128x128xf32, #tpu.memory_space<vmem>>
        %swap3A_390 = tpu.memref_squeeze %swap3A_389 : memref<1x128x128xf32, #tpu.memory_space<vmem>> -> memref<128x128xf32, #tpu.memory_space<vmem>>
        %swap3A_391 = arith.index_cast %scan3A_377 : i32 to index
        %swap3A_392 = arith.constant 0 : index
        %swap3A_393 = tpu.vector_load %swap3A_390[%swap3A_391, %swap3A_392] {strides = array<i32>} : memref<128x128xf32, #tpu.memory_space<vmem>>, vector<1x16xf32>,
        %swap3A_394 = vector.shape_cast %swap3A_393 : vector<1x16xf32> to vector<16xf32>
        %swap3A_395 = vector.shape_cast %mul3A_387 : vector<16xf32> to vector<1x16xf32>
        tpu.vector_store %swap3A_390[%swap3A_391, %swap3A_392], %swap3A_395 {strides = array<i32>} : memref<128x128xf32, #tpu.memory_space<vmem>>, vector<1x16xf32>,
        %get3A_396 = arith.constant 0 : i32
        %get3A_397 = arith.constant 0 : i32
        %get3A_398 = tpu.memref_slice %arg6[%scan3A_168, %get3A_396, %get3A_397] : memref<5x128x128xf32, #tpu.memory_space<vmem>> -> memref<1x128x128xf32, #tpu.memory_space<vmem>>
        %get3A_399 = tpu.memref_squeeze %get3A_398 : memref<1x128x128xf32, #tpu.memory_space<vmem>> -> memref<128x128xf32, #tpu.memory_space<vmem>>
        %get3A_400 = arith.index_cast %scan3A_377 : i32 to index
        %get3A_401 = arith.constant 16 : index
        %get3A_402 = tpu.vector_load %get3A_399[%get3A_400, %get3A_401] {strides = array<i32>} : memref<128x128xf32, #tpu.memory_space<vmem>>, vector<1x16xf32>,
        %get3A_403 = vector.shape_cast %get3A_402 : vector<1x16xf32> to vector<16xf32>
        %mul3A_404 = arith.constant 11.3137083 : f32
        %mul3A_405 = vector.broadcast %mul3A_404 : f32 to vector<16xf32>
        %mul3A_406 = arith.mulf %get3A_403, %mul3A_405 : vector<16xf32>
        %swap3A_407 = arith.constant 0 : i32
        %swap3A_408 = arith.constant 0 : i32
        %swap3A_409 = tpu.memref_slice %arg6[%scan3A_168, %swap3A_407, %swap3A_408] : memref<5x128x128xf32, #tpu.memory_space<vmem>> -> memref<1x128x128xf32, #tpu.memory_space<vmem>>
        %swap3A_410 = tpu.memref_squeeze %swap3A_409 : memref<1x128x128xf32, #tpu.memory_space<vmem>> -> memref<128x128xf32, #tpu.memory_space<vmem>>
        %swap3A_411 = arith.index_cast %scan3A_377 : i32 to index
        %swap3A_412 = arith.constant 16 : index
        %swap3A_413 = tpu.vector_load %swap3A_410[%swap3A_411, %swap3A_412] {strides = array<i32>} : memref<128x128xf32, #tpu.memory_space<vmem>>, vector<1x16xf32>,
        %swap3A_414 = vector.shape_cast %swap3A_413 : vector<1x16xf32> to vector<16xf32>
        %swap3A_415 = vector.shape_cast %mul3A_406 : vector<16xf32> to vector<1x16xf32>
        tpu.vector_store %swap3A_410[%swap3A_411, %swap3A_412], %swap3A_415 {strides = array<i32>} : memref<128x128xf32, #tpu.memory_space<vmem>>, vector<1x16xf32>,
        %get3A_416 = arith.constant 0 : i32
        %get3A_417 = arith.constant 0 : i32
        %get3A_418 = tpu.memref_slice %arg6[%scan3A_168, %get3A_416, %get3A_417] : memref<5x128x128xf32, #tpu.memory_space<vmem>> -> memref<1x128x128xf32, #tpu.memory_space<vmem>>
        %get3A_419 = tpu.memref_squeeze %get3A_418 : memref<1x128x128xf32, #tpu.memory_space<vmem>> -> memref<128x128xf32, #tpu.memory_space<vmem>>
        %get3A_420 = arith.index_cast %scan3A_377 : i32 to index
        %get3A_421 = arith.constant 32 : index
        %get3A_422 = tpu.vector_load %get3A_419[%get3A_420, %get3A_421] {strides = array<i32>} : memref<128x128xf32, #tpu.memory_space<vmem>>, vector<1x16xf32>,
        %get3A_423 = vector.shape_cast %get3A_422 : vector<1x16xf32> to vector<16xf32>
        %mul3A_424 = arith.constant 11.3137083 : f32
        %mul3A_425 = vector.broadcast %mul3A_424 : f32 to vector<16xf32>
        %mul3A_426 = arith.mulf %get3A_423, %mul3A_425 : vector<16xf32>
        %swap3A_427 = arith.constant 0 : i32
        %swap3A_428 = arith.constant 0 : i32
        %swap3A_429 = tpu.memref_slice %arg6[%scan3A_168, %swap3A_427, %swap3A_428] : memref<5x128x128xf32, #tpu.memory_space<vmem>> -> memref<1x128x128xf32, #tpu.memory_space<vmem>>
        %swap3A_430 = tpu.memref_squeeze %swap3A_429 : memref<1x128x128xf32, #tpu.memory_space<vmem>> -> memref<128x128xf32, #tpu.memory_space<vmem>>
        %swap3A_431 = arith.index_cast %scan3A_377 : i32 to index
        %swap3A_432 = arith.constant 32 : index
        %swap3A_433 = tpu.vector_load %swap3A_430[%swap3A_431, %swap3A_432] {strides = array<i32>} : memref<128x128xf32, #tpu.memory_space<vmem>>, vector<1x16xf32>,
        %swap3A_434 = vector.shape_cast %swap3A_433 : vector<1x16xf32> to vector<16xf32>
        %swap3A_435 = vector.shape_cast %mul3A_426 : vector<16xf32> to vector<1x16xf32>
        tpu.vector_store %swap3A_430[%swap3A_431, %swap3A_432], %swap3A_435 {strides = array<i32>} : memref<128x128xf32, #tpu.memory_space<vmem>>, vector<1x16xf32>,
        %get3A_436 = arith.constant 0 : i32
        %get3A_437 = arith.constant 0 : i32
        %get3A_438 = tpu.memref_slice %arg6[%scan3A_168, %get3A_436, %get3A_437] : memref<5x128x128xf32, #tpu.memory_space<vmem>> -> memref<1x128x128xf32, #tpu.memory_space<vmem>>
        %get3A_439 = tpu.memref_squeeze %get3A_438 : memref<1x128x128xf32, #tpu.memory_space<vmem>> -> memref<128x128xf32, #tpu.memory_space<vmem>>
        %get3A_440 = arith.index_cast %scan3A_377 : i32 to index
        %get3A_441 = arith.constant 48 : index
        %get3A_442 = tpu.vector_load %get3A_439[%get3A_440, %get3A_441] {strides = array<i32>} : memref<128x128xf32, #tpu.memory_space<vmem>>, vector<1x16xf32>,
        %get3A_443 = vector.shape_cast %get3A_442 : vector<1x16xf32> to vector<16xf32>
        %mul3A_444 = arith.constant 11.3137083 : f32
        %mul3A_445 = vector.broadcast %mul3A_444 : f32 to vector<16xf32>
        %mul3A_446 = arith.mulf %get3A_443, %mul3A_445 : vector<16xf32>
        %swap3A_447 = arith.constant 0 : i32
        %swap3A_448 = arith.constant 0 : i32
        %swap3A_449 = tpu.memref_slice %arg6[%scan3A_168, %swap3A_447, %swap3A_448] : memref<5x128x128xf32, #tpu.memory_space<vmem>> -> memref<1x128x128xf32, #tpu.memory_space<vmem>>
        %swap3A_450 = tpu.memref_squeeze %swap3A_449 : memref<1x128x128xf32, #tpu.memory_space<vmem>> -> memref<128x128xf32, #tpu.memory_space<vmem>>
        %swap3A_451 = arith.index_cast %scan3A_377 : i32 to index
        %swap3A_452 = arith.constant 48 : index
        %swap3A_453 = tpu.vector_load %swap3A_450[%swap3A_451, %swap3A_452] {strides = array<i32>} : memref<128x128xf32, #tpu.memory_space<vmem>>, vector<1x16xf32>,
        %swap3A_454 = vector.shape_cast %swap3A_453 : vector<1x16xf32> to vector<16xf32>
        %swap3A_455 = vector.shape_cast %mul3A_446 : vector<16xf32> to vector<1x16xf32>
        tpu.vector_store %swap3A_450[%swap3A_451, %swap3A_452], %swap3A_455 {strides = array<i32>} : memref<128x128xf32, #tpu.memory_space<vmem>>, vector<1x16xf32>,
        %get3A_456 = arith.constant 0 : i32
        %get3A_457 = arith.constant 0 : i32
        %get3A_458 = tpu.memref_slice %arg6[%scan3A_168, %get3A_456, %get3A_457] : memref<5x128x128xf32, #tpu.memory_space<vmem>> -> memref<1x128x128xf32, #tpu.memory_space<vmem>>
        %get3A_459 = tpu.memref_squeeze %get3A_458 : memref<1x128x128xf32, #tpu.memory_space<vmem>> -> memref<128x128xf32, #tpu.memory_space<vmem>>
        %get3A_460 = arith.index_cast %scan3A_377 : i32 to index
        %get3A_461 = arith.constant 64 : index
        %get3A_462 = tpu.vector_load %get3A_459[%get3A_460, %get3A_461] {strides = array<i32>} : memref<128x128xf32, #tpu.memory_space<vmem>>, vector<1x16xf32>,
        %get3A_463 = vector.shape_cast %get3A_462 : vector<1x16xf32> to vector<16xf32>
        %mul3A_464 = arith.constant 11.3137083 : f32
        %mul3A_465 = vector.broadcast %mul3A_464 : f32 to vector<16xf32>
        %mul3A_466 = arith.mulf %get3A_463, %mul3A_465 : vector<16xf32>
        %swap3A_467 = arith.constant 0 : i32
        %swap3A_468 = arith.constant 0 : i32
        %swap3A_469 = tpu.memref_slice %arg6[%scan3A_168, %swap3A_467, %swap3A_468] : memref<5x128x128xf32, #tpu.memory_space<vmem>> -> memref<1x128x128xf32, #tpu.memory_space<vmem>>
        %swap3A_470 = tpu.memref_squeeze %swap3A_469 : memref<1x128x128xf32, #tpu.memory_space<vmem>> -> memref<128x128xf32, #tpu.memory_space<vmem>>
        %swap3A_471 = arith.index_cast %scan3A_377 : i32 to index
        %swap3A_472 = arith.constant 64 : index
        %swap3A_473 = tpu.vector_load %swap3A_470[%swap3A_471, %swap3A_472] {strides = array<i32>} : memref<128x128xf32, #tpu.memory_space<vmem>>, vector<1x16xf32>,
        %swap3A_474 = vector.shape_cast %swap3A_473 : vector<1x16xf32> to vector<16xf32>
        %swap3A_475 = vector.shape_cast %mul3A_466 : vector<16xf32> to vector<1x16xf32>
        tpu.vector_store %swap3A_470[%swap3A_471, %swap3A_472], %swap3A_475 {strides = array<i32>} : memref<128x128xf32, #tpu.memory_space<vmem>>, vector<1x16xf32>,
        %get3A_476 = arith.constant 0 : i32
        %get3A_477 = arith.constant 0 : i32
        %get3A_478 = tpu.memref_slice %arg6[%scan3A_168, %get3A_476, %get3A_477] : memref<5x128x128xf32, #tpu.memory_space<vmem>> -> memref<1x128x128xf32, #tpu.memory_space<vmem>>
        %get3A_479 = tpu.memref_squeeze %get3A_478 : memref<1x128x128xf32, #tpu.memory_space<vmem>> -> memref<128x128xf32, #tpu.memory_space<vmem>>
        %get3A_480 = arith.index_cast %scan3A_377 : i32 to index
        %get3A_481 = arith.constant 80 : index
        %get3A_482 = tpu.vector_load %get3A_479[%get3A_480, %get3A_481] {strides = array<i32>} : memref<128x128xf32, #tpu.memory_space<vmem>>, vector<1x16xf32>,
        %get3A_483 = vector.shape_cast %get3A_482 : vector<1x16xf32> to vector<16xf32>
        %mul3A_484 = arith.constant 11.3137083 : f32
        %mul3A_485 = vector.broadcast %mul3A_484 : f32 to vector<16xf32>
        %mul3A_486 = arith.mulf %get3A_483, %mul3A_485 : vector<16xf32>
        %swap3A_487 = arith.constant 0 : i32
        %swap3A_488 = arith.constant 0 : i32
        %swap3A_489 = tpu.memref_slice %arg6[%scan3A_168, %swap3A_487, %swap3A_488] : memref<5x128x128xf32, #tpu.memory_space<vmem>> -> memref<1x128x128xf32, #tpu.memory_space<vmem>>
        %swap3A_490 = tpu.memref_squeeze %swap3A_489 : memref<1x128x128xf32, #tpu.memory_space<vmem>> -> memref<128x128xf32, #tpu.memory_space<vmem>>
        %swap3A_491 = arith.index_cast %scan3A_377 : i32 to index
        %swap3A_492 = arith.constant 80 : index
        %swap3A_493 = tpu.vector_load %swap3A_490[%swap3A_491, %swap3A_492] {strides = array<i32>} : memref<128x128xf32, #tpu.memory_space<vmem>>, vector<1x16xf32>,
        %swap3A_494 = vector.shape_cast %swap3A_493 : vector<1x16xf32> to vector<16xf32>
        %swap3A_495 = vector.shape_cast %mul3A_486 : vector<16xf32> to vector<1x16xf32>
        tpu.vector_store %swap3A_490[%swap3A_491, %swap3A_492], %swap3A_495 {strides = array<i32>} : memref<128x128xf32, #tpu.memory_space<vmem>>, vector<1x16xf32>,
        %get3A_496 = arith.constant 0 : i32
        %get3A_497 = arith.constant 0 : i32
        %get3A_498 = tpu.memref_slice %arg6[%scan3A_168, %get3A_496, %get3A_497] : memref<5x128x128xf32, #tpu.memory_space<vmem>> -> memref<1x128x128xf32, #tpu.memory_space<vmem>>
        %get3A_499 = tpu.memref_squeeze %get3A_498 : memref<1x128x128xf32, #tpu.memory_space<vmem>> -> memref<128x128xf32, #tpu.memory_space<vmem>>
        %get3A_500 = arith.index_cast %scan3A_377 : i32 to index
        %get3A_501 = arith.constant 96 : index
        %get3A_502 = tpu.vector_load %get3A_499[%get3A_500, %get3A_501] {strides = array<i32>} : memref<128x128xf32, #tpu.memory_space<vmem>>, vector<1x16xf32>,
        %get3A_503 = vector.shape_cast %get3A_502 : vector<1x16xf32> to vector<16xf32>
        %mul3A_504 = arith.constant 11.3137083 : f32
        %mul3A_505 = vector.broadcast %mul3A_504 : f32 to vector<16xf32>
        %mul3A_506 = arith.mulf %get3A_503, %mul3A_505 : vector<16xf32>
        %swap3A_507 = arith.constant 0 : i32
        %swap3A_508 = arith.constant 0 : i32
        %swap3A_509 = tpu.memref_slice %arg6[%scan3A_168, %swap3A_507, %swap3A_508] : memref<5x128x128xf32, #tpu.memory_space<vmem>> -> memref<1x128x128xf32, #tpu.memory_space<vmem>>
        %swap3A_510 = tpu.memref_squeeze %swap3A_509 : memref<1x128x128xf32, #tpu.memory_space<vmem>> -> memref<128x128xf32, #tpu.memory_space<vmem>>
        %swap3A_511 = arith.index_cast %scan3A_377 : i32 to index
        %swap3A_512 = arith.constant 96 : index
        %swap3A_513 = tpu.vector_load %swap3A_510[%swap3A_511, %swap3A_512] {strides = array<i32>} : memref<128x128xf32, #tpu.memory_space<vmem>>, vector<1x16xf32>,
        %swap3A_514 = vector.shape_cast %swap3A_513 : vector<1x16xf32> to vector<16xf32>
        %swap3A_515 = vector.shape_cast %mul3A_506 : vector<16xf32> to vector<1x16xf32>
        tpu.vector_store %swap3A_510[%swap3A_511, %swap3A_512], %swap3A_515 {strides = array<i32>} : memref<128x128xf32, #tpu.memory_space<vmem>>, vector<1x16xf32>,
        %get3A_516 = arith.constant 0 : i32
        %get3A_517 = arith.constant 0 : i32
        %get3A_518 = tpu.memref_slice %arg6[%scan3A_168, %get3A_516, %get3A_517] : memref<5x128x128xf32, #tpu.memory_space<vmem>> -> memref<1x128x128xf32, #tpu.memory_space<vmem>>
        %get3A_519 = tpu.memref_squeeze %get3A_518 : memref<1x128x128xf32, #tpu.memory_space<vmem>> -> memref<128x128xf32, #tpu.memory_space<vmem>>
        %get3A_520 = arith.index_cast %scan3A_377 : i32 to index
        %get3A_521 = arith.constant 112 : index
        %get3A_522 = tpu.vector_load %get3A_519[%get3A_520, %get3A_521] {strides = array<i32>} : memref<128x128xf32, #tpu.memory_space<vmem>>, vector<1x16xf32>,
        %get3A_523 = vector.shape_cast %get3A_522 : vector<1x16xf32> to vector<16xf32>
        %mul3A_524 = arith.constant 11.3137083 : f32
        %mul3A_525 = vector.broadcast %mul3A_524 : f32 to vector<16xf32>
        %mul3A_526 = arith.mulf %get3A_523, %mul3A_525 : vector<16xf32>
        %swap3A_527 = arith.constant 0 : i32
        %swap3A_528 = arith.constant 0 : i32
        %swap3A_529 = tpu.memref_slice %arg6[%scan3A_168, %swap3A_527, %swap3A_528] : memref<5x128x128xf32, #tpu.memory_space<vmem>> -> memref<1x128x128xf32, #tpu.memory_space<vmem>>
        %swap3A_530 = tpu.memref_squeeze %swap3A_529 : memref<1x128x128xf32, #tpu.memory_space<vmem>> -> memref<128x128xf32, #tpu.memory_space<vmem>>
        %swap3A_531 = arith.index_cast %scan3A_377 : i32 to index
        %swap3A_532 = arith.constant 112 : index
        %swap3A_533 = tpu.vector_load %swap3A_530[%swap3A_531, %swap3A_532] {strides = array<i32>} : memref<128x128xf32, #tpu.memory_space<vmem>>, vector<1x16xf32>,
        %swap3A_534 = vector.shape_cast %swap3A_533 : vector<1x16xf32> to vector<16xf32>
        %swap3A_535 = vector.shape_cast %mul3A_526 : vector<16xf32> to vector<1x16xf32>
        tpu.vector_store %swap3A_530[%swap3A_531, %swap3A_532], %swap3A_535 {strides = array<i32>} : memref<128x128xf32, #tpu.memory_space<vmem>>, vector<1x16xf32>,
        %scan3A_536 = arith.constant 1 : i32
        %scan3A_537 = arith.addi %scan3A_377, %scan3A_536 : i32
        %get3A_538 = arith.constant 0 : i32
        %get3A_539 = arith.constant 0 : i32
        %get3A_540 = tpu.memref_slice %arg6[%scan3A_168, %get3A_538, %get3A_539] : memref<5x128x128xf32, #tpu.memory_space<vmem>> -> memref<1x128x128xf32, #tpu.memory_space<vmem>>
        %get3A_541 = tpu.memref_squeeze %get3A_540 : memref<1x128x128xf32, #tpu.memory_space<vmem>> -> memref<128x128xf32, #tpu.memory_space<vmem>>
        %get3A_542 = arith.index_cast %scan3A_537 : i32 to index
        %get3A_543 = arith.constant 0 : index
        %get3A_544 = tpu.vector_load %get3A_541[%get3A_542, %get3A_543] {strides = array<i32>} : memref<128x128xf32, #tpu.memory_space<vmem>>, vector<1x16xf32>,
        %get3A_545 = vector.shape_cast %get3A_544 : vector<1x16xf32> to vector<16xf32>
        %mul3A_546 = arith.constant 11.3137083 : f32
        %mul3A_547 = vector.broadcast %mul3A_546 : f32 to vector<16xf32>
        %mul3A_548 = arith.mulf %get3A_545, %mul3A_547 : vector<16xf32>
        %swap3A_549 = arith.constant 0 : i32
        %swap3A_550 = arith.constant 0 : i32
        %swap3A_551 = tpu.memref_slice %arg6[%scan3A_168, %swap3A_549, %swap3A_550] : memref<5x128x128xf32, #tpu.memory_space<vmem>> -> memref<1x128x128xf32, #tpu.memory_space<vmem>>
        %swap3A_552 = tpu.memref_squeeze %swap3A_551 : memref<1x128x128xf32, #tpu.memory_space<vmem>> -> memref<128x128xf32, #tpu.memory_space<vmem>>
        %swap3A_553 = arith.index_cast %scan3A_537 : i32 to index
        %swap3A_554 = arith.constant 0 : index
        %swap3A_555 = tpu.vector_load %swap3A_552[%swap3A_553, %swap3A_554] {strides = array<i32>} : memref<128x128xf32, #tpu.memory_space<vmem>>, vector<1x16xf32>,
        %swap3A_556 = vector.shape_cast %swap3A_555 : vector<1x16xf32> to vector<16xf32>
        %swap3A_557 = vector.shape_cast %mul3A_548 : vector<16xf32> to vector<1x16xf32>
        tpu.vector_store %swap3A_552[%swap3A_553, %swap3A_554], %swap3A_557 {strides = array<i32>} : memref<128x128xf32, #tpu.memory_space<vmem>>, vector<1x16xf32>,
        %get3A_558 = arith.constant 0 : i32
        %get3A_559 = arith.constant 0 : i32
        %get3A_560 = tpu.memref_slice %arg6[%scan3A_168, %get3A_558, %get3A_559] : memref<5x128x128xf32, #tpu.memory_space<vmem>> -> memref<1x128x128xf32, #tpu.memory_space<vmem>>
        %get3A_561 = tpu.memref_squeeze %get3A_560 : memref<1x128x128xf32, #tpu.memory_space<vmem>> -> memref<128x128xf32, #tpu.memory_space<vmem>>
        %get3A_562 = arith.index_cast %scan3A_537 : i32 to index
        %get3A_563 = arith.constant 16 : index
        %get3A_564 = tpu.vector_load %get3A_561[%get3A_562, %get3A_563] {strides = array<i32>} : memref<128x128xf32, #tpu.memory_space<vmem>>, vector<1x16xf32>,
        %get3A_565 = vector.shape_cast %get3A_564 : vector<1x16xf32> to vector<16xf32>
        %mul3A_566 = arith.constant 11.3137083 : f32
        %mul3A_567 = vector.broadcast %mul3A_566 : f32 to vector<16xf32>
        %mul3A_568 = arith.mulf %get3A_565, %mul3A_567 : vector<16xf32>
        %swap3A_569 = arith.constant 0 : i32
        %swap3A_570 = arith.constant 0 : i32
        %swap3A_571 = tpu.memref_slice %arg6[%scan3A_168, %swap3A_569, %swap3A_570] : memref<5x128x128xf32, #tpu.memory_space<vmem>> -> memref<1x128x128xf32, #tpu.memory_space<vmem>>
        %swap3A_572 = tpu.memref_squeeze %swap3A_571 : memref<1x128x128xf32, #tpu.memory_space<vmem>> -> memref<128x128xf32, #tpu.memory_space<vmem>>
        %swap3A_573 = arith.index_cast %scan3A_537 : i32 to index
        %swap3A_574 = arith.constant 16 : index
        %swap3A_575 = tpu.vector_load %swap3A_572[%swap3A_573, %swap3A_574] {strides = array<i32>} : memref<128x128xf32, #tpu.memory_space<vmem>>, vector<1x16xf32>,
        %swap3A_576 = vector.shape_cast %swap3A_575 : vector<1x16xf32> to vector<16xf32>
        %swap3A_577 = vector.shape_cast %mul3A_568 : vector<16xf32> to vector<1x16xf32>
        tpu.vector_store %swap3A_572[%swap3A_573, %swap3A_574], %swap3A_577 {strides = array<i32>} : memref<128x128xf32, #tpu.memory_space<vmem>>, vector<1x16xf32>,
        %get3A_578 = arith.constant 0 : i32
        %get3A_579 = arith.constant 0 : i32
        %get3A_580 = tpu.memref_slice %arg6[%scan3A_168, %get3A_578, %get3A_579] : memref<5x128x128xf32, #tpu.memory_space<vmem>> -> memref<1x128x128xf32, #tpu.memory_space<vmem>>
        %get3A_581 = tpu.memref_squeeze %get3A_580 : memref<1x128x128xf32, #tpu.memory_space<vmem>> -> memref<128x128xf32, #tpu.memory_space<vmem>>
        %get3A_582 = arith.index_cast %scan3A_537 : i32 to index
        %get3A_583 = arith.constant 32 : index
        %get3A_584 = tpu.vector_load %get3A_581[%get3A_582, %get3A_583] {strides = array<i32>} : memref<128x128xf32, #tpu.memory_space<vmem>>, vector<1x16xf32>,
        %get3A_585 = vector.shape_cast %get3A_584 : vector<1x16xf32> to vector<16xf32>
        %mul3A_586 = arith.constant 11.3137083 : f32
        %mul3A_587 = vector.broadcast %mul3A_586 : f32 to vector<16xf32>
        %mul3A_588 = arith.mulf %get3A_585, %mul3A_587 : vector<16xf32>
        %swap3A_589 = arith.constant 0 : i32
        %swap3A_590 = arith.constant 0 : i32
        %swap3A_591 = tpu.memref_slice %arg6[%scan3A_168, %swap3A_589, %swap3A_590] : memref<5x128x128xf32, #tpu.memory_space<vmem>> -> memref<1x128x128xf32, #tpu.memory_space<vmem>>
        %swap3A_592 = tpu.memref_squeeze %swap3A_591 : memref<1x128x128xf32, #tpu.memory_space<vmem>> -> memref<128x128xf32, #tpu.memory_space<vmem>>
        %swap3A_593 = arith.index_cast %scan3A_537 : i32 to index
        %swap3A_594 = arith.constant 32 : index
        %swap3A_595 = tpu.vector_load %swap3A_592[%swap3A_593, %swap3A_594] {strides = array<i32>} : memref<128x128xf32, #tpu.memory_space<vmem>>, vector<1x16xf32>,
        %swap3A_596 = vector.shape_cast %swap3A_595 : vector<1x16xf32> to vector<16xf32>
        %swap3A_597 = vector.shape_cast %mul3A_588 : vector<16xf32> to vector<1x16xf32>
        tpu.vector_store %swap3A_592[%swap3A_593, %swap3A_594], %swap3A_597 {strides = array<i32>} : memref<128x128xf32, #tpu.memory_space<vmem>>, vector<1x16xf32>,
        %get3A_598 = arith.constant 0 : i32
        %get3A_599 = arith.constant 0 : i32
        %get3A_600 = tpu.memref_slice %arg6[%scan3A_168, %get3A_598, %get3A_599] : memref<5x128x128xf32, #tpu.memory_space<vmem>> -> memref<1x128x128xf32, #tpu.memory_space<vmem>>
        %get3A_601 = tpu.memref_squeeze %get3A_600 : memref<1x128x128xf32, #tpu.memory_space<vmem>> -> memref<128x128xf32, #tpu.memory_space<vmem>>
        %get3A_602 = arith.index_cast %scan3A_537 : i32 to index
        %get3A_603 = arith.constant 48 : index
        %get3A_604 = tpu.vector_load %get3A_601[%get3A_602, %get3A_603] {strides = array<i32>} : memref<128x128xf32, #tpu.memory_space<vmem>>, vector<1x16xf32>,
        %get3A_605 = vector.shape_cast %get3A_604 : vector<1x16xf32> to vector<16xf32>
        %mul3A_606 = arith.constant 11.3137083 : f32
        %mul3A_607 = vector.broadcast %mul3A_606 : f32 to vector<16xf32>
        %mul3A_608 = arith.mulf %get3A_605, %mul3A_607 : vector<16xf32>
        %swap3A_609 = arith.constant 0 : i32
        %swap3A_610 = arith.constant 0 : i32
        %swap3A_611 = tpu.memref_slice %arg6[%scan3A_168, %swap3A_609, %swap3A_610] : memref<5x128x128xf32, #tpu.memory_space<vmem>> -> memref<1x128x128xf32, #tpu.memory_space<vmem>>
        %swap3A_612 = tpu.memref_squeeze %swap3A_611 : memref<1x128x128xf32, #tpu.memory_space<vmem>> -> memref<128x128xf32, #tpu.memory_space<vmem>>
        %swap3A_613 = arith.index_cast %scan3A_537 : i32 to index
        %swap3A_614 = arith.constant 48 : index
        %swap3A_615 = tpu.vector_load %swap3A_612[%swap3A_613, %swap3A_614] {strides = array<i32>} : memref<128x128xf32, #tpu.memory_space<vmem>>, vector<1x16xf32>,
        %swap3A_616 = vector.shape_cast %swap3A_615 : vector<1x16xf32> to vector<16xf32>
        %swap3A_617 = vector.shape_cast %mul3A_608 : vector<16xf32> to vector<1x16xf32>
        tpu.vector_store %swap3A_612[%swap3A_613, %swap3A_614], %swap3A_617 {strides = array<i32>} : memref<128x128xf32, #tpu.memory_space<vmem>>, vector<1x16xf32>,
        %get3A_618 = arith.constant 0 : i32
        %get3A_619 = arith.constant 0 : i32
        %get3A_620 = tpu.memref_slice %arg6[%scan3A_168, %get3A_618, %get3A_619] : memref<5x128x128xf32, #tpu.memory_space<vmem>> -> memref<1x128x128xf32, #tpu.memory_space<vmem>>
        %get3A_621 = tpu.memref_squeeze %get3A_620 : memref<1x128x128xf32, #tpu.memory_space<vmem>> -> memref<128x128xf32, #tpu.memory_space<vmem>>
        %get3A_622 = arith.index_cast %scan3A_537 : i32 to index
        %get3A_623 = arith.constant 64 : index
        %get3A_624 = tpu.vector_load %get3A_621[%get3A_622, %get3A_623] {strides = array<i32>} : memref<128x128xf32, #tpu.memory_space<vmem>>, vector<1x16xf32>,
        %get3A_625 = vector.shape_cast %get3A_624 : vector<1x16xf32> to vector<16xf32>
        %mul3A_626 = arith.constant 11.3137083 : f32
        %mul3A_627 = vector.broadcast %mul3A_626 : f32 to vector<16xf32>
        %mul3A_628 = arith.mulf %get3A_625, %mul3A_627 : vector<16xf32>
        %swap3A_629 = arith.constant 0 : i32
        %swap3A_630 = arith.constant 0 : i32
        %swap3A_631 = tpu.memref_slice %arg6[%scan3A_168, %swap3A_629, %swap3A_630] : memref<5x128x128xf32, #tpu.memory_space<vmem>> -> memref<1x128x128xf32, #tpu.memory_space<vmem>>
        %swap3A_632 = tpu.memref_squeeze %swap3A_631 : memref<1x128x128xf32, #tpu.memory_space<vmem>> -> memref<128x128xf32, #tpu.memory_space<vmem>>
        %swap3A_633 = arith.index_cast %scan3A_537 : i32 to index
        %swap3A_634 = arith.constant 64 : index
        %swap3A_635 = tpu.vector_load %swap3A_632[%swap3A_633, %swap3A_634] {strides = array<i32>} : memref<128x128xf32, #tpu.memory_space<vmem>>, vector<1x16xf32>,
        %swap3A_636 = vector.shape_cast %swap3A_635 : vector<1x16xf32> to vector<16xf32>
        %swap3A_637 = vector.shape_cast %mul3A_628 : vector<16xf32> to vector<1x16xf32>
        tpu.vector_store %swap3A_632[%swap3A_633, %swap3A_634], %swap3A_637 {strides = array<i32>} : memref<128x128xf32, #tpu.memory_space<vmem>>, vector<1x16xf32>,
        %get3A_638 = arith.constant 0 : i32
        %get3A_639 = arith.constant 0 : i32
        %get3A_640 = tpu.memref_slice %arg6[%scan3A_168, %get3A_638, %get3A_639] : memref<5x128x128xf32, #tpu.memory_space<vmem>> -> memref<1x128x128xf32, #tpu.memory_space<vmem>>
        %get3A_641 = tpu.memref_squeeze %get3A_640 : memref<1x128x128xf32, #tpu.memory_space<vmem>> -> memref<128x128xf32, #tpu.memory_space<vmem>>
        %get3A_642 = arith.index_cast %scan3A_537 : i32 to index
        %get3A_643 = arith.constant 80 : index
        %get3A_644 = tpu.vector_load %get3A_641[%get3A_642, %get3A_643] {strides = array<i32>} : memref<128x128xf32, #tpu.memory_space<vmem>>, vector<1x16xf32>,
        %get3A_645 = vector.shape_cast %get3A_644 : vector<1x16xf32> to vector<16xf32>
        %mul3A_646 = arith.constant 11.3137083 : f32
        %mul3A_647 = vector.broadcast %mul3A_646 : f32 to vector<16xf32>
        %mul3A_648 = arith.mulf %get3A_645, %mul3A_647 : vector<16xf32>
        %swap3A_649 = arith.constant 0 : i32
        %swap3A_650 = arith.constant 0 : i32
        %swap3A_651 = tpu.memref_slice %arg6[%scan3A_168, %swap3A_649, %swap3A_650] : memref<5x128x128xf32, #tpu.memory_space<vmem>> -> memref<1x128x128xf32, #tpu.memory_space<vmem>>
        %swap3A_652 = tpu.memref_squeeze %swap3A_651 : memref<1x128x128xf32, #tpu.memory_space<vmem>> -> memref<128x128xf32, #tpu.memory_space<vmem>>
        %swap3A_653 = arith.index_cast %scan3A_537 : i32 to index
        %swap3A_654 = arith.constant 80 : index
        %swap3A_655 = tpu.vector_load %swap3A_652[%swap3A_653, %swap3A_654] {strides = array<i32>} : memref<128x128xf32, #tpu.memory_space<vmem>>, vector<1x16xf32>,
        %swap3A_656 = vector.shape_cast %swap3A_655 : vector<1x16xf32> to vector<16xf32>
        %swap3A_657 = vector.shape_cast %mul3A_648 : vector<16xf32> to vector<1x16xf32>
        tpu.vector_store %swap3A_652[%swap3A_653, %swap3A_654], %swap3A_657 {strides = array<i32>} : memref<128x128xf32, #tpu.memory_space<vmem>>, vector<1x16xf32>,
        %get3A_658 = arith.constant 0 : i32
        %get3A_659 = arith.constant 0 : i32
        %get3A_660 = tpu.memref_slice %arg6[%scan3A_168, %get3A_658, %get3A_659] : memref<5x128x128xf32, #tpu.memory_space<vmem>> -> memref<1x128x128xf32, #tpu.memory_space<vmem>>
        %get3A_661 = tpu.memref_squeeze %get3A_660 : memref<1x128x128xf32, #tpu.memory_space<vmem>> -> memref<128x128xf32, #tpu.memory_space<vmem>>
        %get3A_662 = arith.index_cast %scan3A_537 : i32 to index
        %get3A_663 = arith.constant 96 : index
        %get3A_664 = tpu.vector_load %get3A_661[%get3A_662, %get3A_663] {strides = array<i32>} : memref<128x128xf32, #tpu.memory_space<vmem>>, vector<1x16xf32>,
        %get3A_665 = vector.shape_cast %get3A_664 : vector<1x16xf32> to vector<16xf32>
        %mul3A_666 = arith.constant 11.3137083 : f32
        %mul3A_667 = vector.broadcast %mul3A_666 : f32 to vector<16xf32>
        %mul3A_668 = arith.mulf %get3A_665, %mul3A_667 : vector<16xf32>
        %swap3A_669 = arith.constant 0 : i32
        %swap3A_670 = arith.constant 0 : i32
        %swap3A_671 = tpu.memref_slice %arg6[%scan3A_168, %swap3A_669, %swap3A_670] : memref<5x128x128xf32, #tpu.memory_space<vmem>> -> memref<1x128x128xf32, #tpu.memory_space<vmem>>
        %swap3A_672 = tpu.memref_squeeze %swap3A_671 : memref<1x128x128xf32, #tpu.memory_space<vmem>> -> memref<128x128xf32, #tpu.memory_space<vmem>>
        %swap3A_673 = arith.index_cast %scan3A_537 : i32 to index
        %swap3A_674 = arith.constant 96 : index
        %swap3A_675 = tpu.vector_load %swap3A_672[%swap3A_673, %swap3A_674] {strides = array<i32>} : memref<128x128xf32, #tpu.memory_space<vmem>>, vector<1x16xf32>,
        %swap3A_676 = vector.shape_cast %swap3A_675 : vector<1x16xf32> to vector<16xf32>
        %swap3A_677 = vector.shape_cast %mul3A_668 : vector<16xf32> to vector<1x16xf32>
        tpu.vector_store %swap3A_672[%swap3A_673, %swap3A_674], %swap3A_677 {strides = array<i32>} : memref<128x128xf32, #tpu.memory_space<vmem>>, vector<1x16xf32>,
        %get3A_678 = arith.constant 0 : i32
        %get3A_679 = arith.constant 0 : i32
        %get3A_680 = tpu.memref_slice %arg6[%scan3A_168, %get3A_678, %get3A_679] : memref<5x128x128xf32, #tpu.memory_space<vmem>> -> memref<1x128x128xf32, #tpu.memory_space<vmem>>
        %get3A_681 = tpu.memref_squeeze %get3A_680 : memref<1x128x128xf32, #tpu.memory_space<vmem>> -> memref<128x128xf32, #tpu.memory_space<vmem>>
        %get3A_682 = arith.index_cast %scan3A_537 : i32 to index
        %get3A_683 = arith.constant 112 : index
        %get3A_684 = tpu.vector_load %get3A_681[%get3A_682, %get3A_683] {strides = array<i32>} : memref<128x128xf32, #tpu.memory_space<vmem>>, vector<1x16xf32>,
        %get3A_685 = vector.shape_cast %get3A_684 : vector<1x16xf32> to vector<16xf32>
        %mul3A_686 = arith.constant 11.3137083 : f32
        %mul3A_687 = vector.broadcast %mul3A_686 : f32 to vector<16xf32>
        %mul3A_688 = arith.mulf %get3A_685, %mul3A_687 : vector<16xf32>
        %swap3A_689 = arith.constant 0 : i32
        %swap3A_690 = arith.constant 0 : i32
        %swap3A_691 = tpu.memref_slice %arg6[%scan3A_168, %swap3A_689, %swap3A_690] : memref<5x128x128xf32, #tpu.memory_space<vmem>> -> memref<1x128x128xf32, #tpu.memory_space<vmem>>
        %swap3A_692 = tpu.memref_squeeze %swap3A_691 : memref<1x128x128xf32, #tpu.memory_space<vmem>> -> memref<128x128xf32, #tpu.memory_space<vmem>>
        %swap3A_693 = arith.index_cast %scan3A_537 : i32 to index
        %swap3A_694 = arith.constant 112 : index
        %swap3A_695 = tpu.vector_load %swap3A_692[%swap3A_693, %swap3A_694] {strides = array<i32>} : memref<128x128xf32, #tpu.memory_space<vmem>>, vector<1x16xf32>,
        %swap3A_696 = vector.shape_cast %swap3A_695 : vector<1x16xf32> to vector<16xf32>
        %swap3A_697 = vector.shape_cast %mul3A_688 : vector<16xf32> to vector<1x16xf32>
        tpu.vector_store %swap3A_692[%swap3A_693, %swap3A_694], %swap3A_697 {strides = array<i32>} : memref<128x128xf32, #tpu.memory_space<vmem>>, vector<1x16xf32>,
      }
      %scan3A_173 = arith.constant 128 : i32
      %dma_start3A_174 = arith.constant 0 : i32
      %dma_start3A_175 = arith.constant 0 : i32
      %dma_start3A_176 = arith.constant 0 : i32
      %dma_start3A_177 = tpu.memref_slice %arg6[%dma_start3A_174, %dma_start3A_175, %dma_start3A_176] : memref<5x128x128xf32, #tpu.memory_space<vmem>> -> memref<1x128x128xf32, #tpu.memory_space<vmem>>
      %dma_start3A_178 = tpu.memref_squeeze %dma_start3A_177 : memref<1x128x128xf32, #tpu.memory_space<vmem>> -> memref<128x128xf32, #tpu.memory_space<vmem>>
      %dma_start3A_179 = arith.constant 0 : i32
      %dma_start3A_180 = tpu.memref_slice %arg4[%add3A_150, %mul3A_2, %dma_start3A_179] : memref<50x4096x128xf32, #tpu.memory_space<hbm>> -> memref<1x128x128xf32, #tpu.memory_space<hbm>>
      %dma_start3A_181 = tpu.memref_squeeze %dma_start3A_180 : memref<1x128x128xf32, #tpu.memory_space<hbm>> -> memref<128x128xf32, #tpu.memory_space<hbm>>
      %dma_start3A_182 = arith.constant 0 : i32
      %dma_start3A_183 = tpu.memref_slice %arg4[%add3A_150, %mul3A_2, %dma_start3A_182] : memref<50x4096x128xf32, #tpu.memory_space<hbm>> -> memref<1x128x128xf32, #tpu.memory_space<hbm>>
      %dma_start3A_184 = tpu.memref_squeeze %dma_start3A_183 : memref<1x128x128xf32, #tpu.memory_space<hbm>> -> memref<128x128xf32, #tpu.memory_space<hbm>>
      %dma_start3A_185 = arith.constant 0 : i32
      %dma_start3A_186 = arith.constant 0 : i32
      %dma_start3A_187 = tpu.memref_slice %arg6[%dma_start3A_174, %dma_start3A_185, %dma_start3A_186] : memref<5x128x128xf32, #tpu.memory_space<vmem>> -> memref<1x128x128xf32, #tpu.memory_space<vmem>>
      %dma_start3A_188 = tpu.memref_squeeze %dma_start3A_187 : memref<1x128x128xf32, #tpu.memory_space<vmem>> -> memref<128x128xf32, #tpu.memory_space<vmem>>
      tpu.enqueue_dma source(%dma_start3A_188 : memref<128x128xf32, #tpu.memory_space<vmem>>) target(%dma_start3A_184 : memref<128x128xf32, #tpu.memory_space<hbm>>) target_semaphore(%arg12 : memref<!tpu.dma_semaphore, #tpu.memory_space<semaphore_mem>>)
      %mul3A_189 = arith.constant 5 : i32
      %mul3A_190 = arith.muli %scan3A_146, %mul3A_189 : i32
      %add3A_191 = arith.constant 1 : i32
      %add3A_192 = arith.addi %mul3A_190, %add3A_191 : i32
      %add3A_193 = arith.constant 4 : i32
      %add3A_194 = arith.addi %add3A_192, %add3A_193 : i32
      %ge3A_195 = arith.constant 5 : i32
      %ge3A_196 = arith.cmpi sge, %add3A_194, %ge3A_195 : i32
      %lt3A_197 = arith.constant 50 : i32
      %lt3A_198 = arith.cmpi slt, %add3A_194, %lt3A_197 : i32
      %and3A_199 = arith.andi %ge3A_196, %lt3A_198 : i1
      %convert_element_type3A_200 = arith.extui %and3A_199 : i1 to i32
      %cond3A_201 = arith.constant 0 : i32
      %cond3A_202 = arith.cmpi ne, %convert_element_type3A_200, %cond3A_201 : i32
      scf.if %cond3A_202 {
        %sub3A = arith.constant 5 : i32
        %sub3A_377 = arith.subi %add3A_194, %sub3A : i32
        %dma_wait3A_378 = arith.constant 0 : i32
        %dma_wait3A_379 = arith.constant 0 : i32
        %dma_wait3A_380 = arith.constant 0 : i32
        %dma_wait3A_381 = tpu.memref_slice %arg6[%dma_wait3A_378, %dma_wait3A_379, %dma_wait3A_380] : memref<5x128x128xf32, #tpu.memory_space<vmem>> -> memref<1x128x128xf32, #tpu.memory_space<vmem>>
        %dma_wait3A_382 = tpu.memref_squeeze %dma_wait3A_381 : memref<1x128x128xf32, #tpu.memory_space<vmem>> -> memref<128x128xf32, #tpu.memory_space<vmem>>
        %dma_wait3A_383 = arith.constant 0 : i32
        %dma_wait3A_384 = tpu.memref_slice %arg4[%sub3A_377, %mul3A_2, %dma_wait3A_383] : memref<50x4096x128xf32, #tpu.memory_space<hbm>> -> memref<1x128x128xf32, #tpu.memory_space<hbm>>
        %dma_wait3A_385 = tpu.memref_squeeze %dma_wait3A_384 : memref<1x128x128xf32, #tpu.memory_space<hbm>> -> memref<128x128xf32, #tpu.memory_space<hbm>>
        %dma_wait3A_386 = arith.constant 0 : i32
        %dma_wait3A_387 = tpu.memref_slice %arg4[%sub3A_377, %mul3A_2, %dma_wait3A_386] : memref<50x4096x128xf32, #tpu.memory_space<hbm>> -> memref<1x128x128xf32, #tpu.memory_space<hbm>>
        %dma_wait3A_388 = tpu.memref_squeeze %dma_wait3A_387 : memref<1x128x128xf32, #tpu.memory_space<hbm>> -> memref<128x128xf32, #tpu.memory_space<hbm>>
        %dma_wait3A_389 = arith.constant 0 : i32
        %dma_wait3A_390 = arith.constant 0 : i32
        %dma_wait3A_391 = tpu.memref_slice %arg6[%dma_wait3A_378, %dma_wait3A_389, %dma_wait3A_390] : memref<5x128x128xf32, #tpu.memory_space<vmem>> -> memref<1x128x128xf32, #tpu.memory_space<vmem>>
        %dma_wait3A_392 = tpu.memref_squeeze %dma_wait3A_391 : memref<1x128x128xf32, #tpu.memory_space<vmem>> -> memref<128x128xf32, #tpu.memory_space<vmem>>
        tpu.wait_dma2 semaphore(%arg12 : memref<!tpu.dma_semaphore, #tpu.memory_space<semaphore_mem>>) src(%dma_wait3A_392 : memref<128x128xf32, #tpu.memory_space<vmem>>) dst(%dma_wait3A_388 : memref<128x128xf32, #tpu.memory_space<hbm>>)
        %dma_start3A_393 = arith.constant 0 : i32
        %dma_start3A_394 = arith.constant 0 : i32
        %dma_start3A_395 = arith.constant 0 : i32
        %dma_start3A_396 = tpu.memref_slice %arg6[%dma_start3A_393, %dma_start3A_394, %dma_start3A_395] : memref<5x128x128xf32, #tpu.memory_space<vmem>> -> memref<1x128x128xf32, #tpu.memory_space<vmem>>
        %dma_start3A_397 = tpu.memref_squeeze %dma_start3A_396 : memref<1x128x128xf32, #tpu.memory_space<vmem>> -> memref<128x128xf32, #tpu.memory_space<vmem>>
        %dma_start3A_398 = arith.constant 0 : i32
        %dma_start3A_399 = tpu.memref_slice %arg5[%add3A_194, %dma_start3A_398] : memref<50x128xi32, #tpu.memory_space<vmem>> -> memref<1x128xi32, #tpu.memory_space<vmem>>
        %dma_start3A_400 = tpu.memref_squeeze %dma_start3A_399 : memref<1x128xi32, #tpu.memory_space<vmem>> -> memref<128xi32, #tpu.memory_space<vmem>>
        %dma_start3A_401 = arith.constant 0 : i32
        %dma_start3A_402 = arith.constant 0 : i32
        %dma_start3A_403 = tpu.memref_slice %arg3[%dma_start3A_401, %dma_start3A_402] : memref<100000x128xf32, #tpu.memory_space<hbm>> -> memref<100000x128xf32, #tpu.memory_space<hbm>>
        tpu.enqueue_indirect_dma source(%dma_start3A_403 : memref<100000x128xf32, #tpu.memory_space<hbm>>) target(%dma_start3A_397 : memref<128x128xf32, #tpu.memory_space<vmem>>) offsets(%dma_start3A_400 : memref<128xi32, #tpu.memory_space<vmem>>) semaphore(%arg7 : memref<!tpu.dma_semaphore, #tpu.memory_space<semaphore_mem>>)
      } else {
      }
      %dma_wait3A_203 = arith.constant 1 : i32
      %dma_wait3A_204 = arith.constant 0 : i32
      %dma_wait3A_205 = arith.constant 0 : i32
      %dma_wait3A_206 = tpu.memref_slice %arg6[%dma_wait3A_203, %dma_wait3A_204, %dma_wait3A_205] : memref<5x128x128xf32, #tpu.memory_space<vmem>> -> memref<1x128x128xf32, #tpu.memory_space<vmem>>
      %dma_wait3A_207 = tpu.memref_squeeze %dma_wait3A_206 : memref<1x128x128xf32, #tpu.memory_space<vmem>> -> memref<128x128xf32, #tpu.memory_space<vmem>>
      %dma_wait3A_208 = arith.constant 0 : i32
      %dma_wait3A_209 = tpu.memref_slice %arg5[%add3A_192, %dma_wait3A_208] : memref<50x128xi32, #tpu.memory_space<vmem>> -> memref<1x128xi32, #tpu.memory_space<vmem>>
      %dma_wait3A_210 = tpu.memref_squeeze %dma_wait3A_209 : memref<1x128xi32, #tpu.memory_space<vmem>> -> memref<128xi32, #tpu.memory_space<vmem>>
      %dma_wait3A_211 = arith.constant 0 : i32
      %dma_wait3A_212 = arith.constant 0 : i32
      %dma_wait3A_213 = tpu.memref_slice %arg3[%dma_wait3A_211, %dma_wait3A_212] : memref<100000x128xf32, #tpu.memory_space<hbm>> -> memref<100000x128xf32, #tpu.memory_space<hbm>>
      tpu.wait_indirect_dma semaphore(%arg8 : memref<!tpu.dma_semaphore, #tpu.memory_space<semaphore_mem>>) src(%dma_wait3A_213 : memref<100000x128xf32, #tpu.memory_space<hbm>>) dst(%dma_wait3A_207 : memref<128x128xf32, #tpu.memory_space<vmem>>)
      %scan3A_214 = arith.constant 0 : i32
      %scan3A_215 = arith.constant 1 : i32
      %scan3A_216 = arith.constant 0 : i32
      %scan3A_217 = arith.constant 128 : i32
      %scan3A_218 = arith.addi %scan3A_216, %scan3A_217 : i32
      %scan3A_219 = arith.constant 2 : i32
      scf.for %scan3A_377 = %scan3A_216 to %scan3A_218 step %scan3A_219  : i32 {
        %get3A = arith.constant 0 : i32
        %get3A_378 = arith.constant 0 : i32
        %get3A_379 = tpu.memref_slice %arg6[%scan3A_215, %get3A, %get3A_378] : memref<5x128x128xf32, #tpu.memory_space<vmem>> -> memref<1x128x128xf32, #tpu.memory_space<vmem>>
        %get3A_380 = tpu.memref_squeeze %get3A_379 : memref<1x128x128xf32, #tpu.memory_space<vmem>> -> memref<128x128xf32, #tpu.memory_space<vmem>>
        %get3A_381 = arith.index_cast %scan3A_377 : i32 to index
        %get3A_382 = arith.constant 0 : index
        %get3A_383 = tpu.vector_load %get3A_380[%get3A_381, %get3A_382] {strides = array<i32>} : memref<128x128xf32, #tpu.memory_space<vmem>>, vector<1x16xf32>,
        %get3A_384 = vector.shape_cast %get3A_383 : vector<1x16xf32> to vector<16xf32>
        %mul3A_385 = arith.constant 11.3137083 : f32
        %mul3A_386 = vector.broadcast %mul3A_385 : f32 to vector<16xf32>
        %mul3A_387 = arith.mulf %get3A_384, %mul3A_386 : vector<16xf32>
        %swap3A = arith.constant 0 : i32
        %swap3A_388 = arith.constant 0 : i32
        %swap3A_389 = tpu.memref_slice %arg6[%scan3A_215, %swap3A, %swap3A_388] : memref<5x128x128xf32, #tpu.memory_space<vmem>> -> memref<1x128x128xf32, #tpu.memory_space<vmem>>
        %swap3A_390 = tpu.memref_squeeze %swap3A_389 : memref<1x128x128xf32, #tpu.memory_space<vmem>> -> memref<128x128xf32, #tpu.memory_space<vmem>>
        %swap3A_391 = arith.index_cast %scan3A_377 : i32 to index
        %swap3A_392 = arith.constant 0 : index
        %swap3A_393 = tpu.vector_load %swap3A_390[%swap3A_391, %swap3A_392] {strides = array<i32>} : memref<128x128xf32, #tpu.memory_space<vmem>>, vector<1x16xf32>,
        %swap3A_394 = vector.shape_cast %swap3A_393 : vector<1x16xf32> to vector<16xf32>
        %swap3A_395 = vector.shape_cast %mul3A_387 : vector<16xf32> to vector<1x16xf32>
        tpu.vector_store %swap3A_390[%swap3A_391, %swap3A_392], %swap3A_395 {strides = array<i32>} : memref<128x128xf32, #tpu.memory_space<vmem>>, vector<1x16xf32>,
        %get3A_396 = arith.constant 0 : i32
        %get3A_397 = arith.constant 0 : i32
        %get3A_398 = tpu.memref_slice %arg6[%scan3A_215, %get3A_396, %get3A_397] : memref<5x128x128xf32, #tpu.memory_space<vmem>> -> memref<1x128x128xf32, #tpu.memory_space<vmem>>
        %get3A_399 = tpu.memref_squeeze %get3A_398 : memref<1x128x128xf32, #tpu.memory_space<vmem>> -> memref<128x128xf32, #tpu.memory_space<vmem>>
        %get3A_400 = arith.index_cast %scan3A_377 : i32 to index
        %get3A_401 = arith.constant 16 : index
        %get3A_402 = tpu.vector_load %get3A_399[%get3A_400, %get3A_401] {strides = array<i32>} : memref<128x128xf32, #tpu.memory_space<vmem>>, vector<1x16xf32>,
        %get3A_403 = vector.shape_cast %get3A_402 : vector<1x16xf32> to vector<16xf32>
        %mul3A_404 = arith.constant 11.3137083 : f32
        %mul3A_405 = vector.broadcast %mul3A_404 : f32 to vector<16xf32>
        %mul3A_406 = arith.mulf %get3A_403, %mul3A_405 : vector<16xf32>
        %swap3A_407 = arith.constant 0 : i32
        %swap3A_408 = arith.constant 0 : i32
        %swap3A_409 = tpu.memref_slice %arg6[%scan3A_215, %swap3A_407, %swap3A_408] : memref<5x128x128xf32, #tpu.memory_space<vmem>> -> memref<1x128x128xf32, #tpu.memory_space<vmem>>
        %swap3A_410 = tpu.memref_squeeze %swap3A_409 : memref<1x128x128xf32, #tpu.memory_space<vmem>> -> memref<128x128xf32, #tpu.memory_space<vmem>>
        %swap3A_411 = arith.index_cast %scan3A_377 : i32 to index
        %swap3A_412 = arith.constant 16 : index
        %swap3A_413 = tpu.vector_load %swap3A_410[%swap3A_411, %swap3A_412] {strides = array<i32>} : memref<128x128xf32, #tpu.memory_space<vmem>>, vector<1x16xf32>,
        %swap3A_414 = vector.shape_cast %swap3A_413 : vector<1x16xf32> to vector<16xf32>
        %swap3A_415 = vector.shape_cast %mul3A_406 : vector<16xf32> to vector<1x16xf32>
        tpu.vector_store %swap3A_410[%swap3A_411, %swap3A_412], %swap3A_415 {strides = array<i32>} : memref<128x128xf32, #tpu.memory_space<vmem>>, vector<1x16xf32>,
        %get3A_416 = arith.constant 0 : i32
        %get3A_417 = arith.constant 0 : i32
        %get3A_418 = tpu.memref_slice %arg6[%scan3A_215, %get3A_416, %get3A_417] : memref<5x128x128xf32, #tpu.memory_space<vmem>> -> memref<1x128x128xf32, #tpu.memory_space<vmem>>
        %get3A_419 = tpu.memref_squeeze %get3A_418 : memref<1x128x128xf32, #tpu.memory_space<vmem>> -> memref<128x128xf32, #tpu.memory_space<vmem>>
        %get3A_420 = arith.index_cast %scan3A_377 : i32 to index
        %get3A_421 = arith.constant 32 : index
        %get3A_422 = tpu.vector_load %get3A_419[%get3A_420, %get3A_421] {strides = array<i32>} : memref<128x128xf32, #tpu.memory_space<vmem>>, vector<1x16xf32>,
        %get3A_423 = vector.shape_cast %get3A_422 : vector<1x16xf32> to vector<16xf32>
        %mul3A_424 = arith.constant 11.3137083 : f32
        %mul3A_425 = vector.broadcast %mul3A_424 : f32 to vector<16xf32>
        %mul3A_426 = arith.mulf %get3A_423, %mul3A_425 : vector<16xf32>
        %swap3A_427 = arith.constant 0 : i32
        %swap3A_428 = arith.constant 0 : i32
        %swap3A_429 = tpu.memref_slice %arg6[%scan3A_215, %swap3A_427, %swap3A_428] : memref<5x128x128xf32, #tpu.memory_space<vmem>> -> memref<1x128x128xf32, #tpu.memory_space<vmem>>
        %swap3A_430 = tpu.memref_squeeze %swap3A_429 : memref<1x128x128xf32, #tpu.memory_space<vmem>> -> memref<128x128xf32, #tpu.memory_space<vmem>>
        %swap3A_431 = arith.index_cast %scan3A_377 : i32 to index
        %swap3A_432 = arith.constant 32 : index
        %swap3A_433 = tpu.vector_load %swap3A_430[%swap3A_431, %swap3A_432] {strides = array<i32>} : memref<128x128xf32, #tpu.memory_space<vmem>>, vector<1x16xf32>,
        %swap3A_434 = vector.shape_cast %swap3A_433 : vector<1x16xf32> to vector<16xf32>
        %swap3A_435 = vector.shape_cast %mul3A_426 : vector<16xf32> to vector<1x16xf32>
        tpu.vector_store %swap3A_430[%swap3A_431, %swap3A_432], %swap3A_435 {strides = array<i32>} : memref<128x128xf32, #tpu.memory_space<vmem>>, vector<1x16xf32>,
        %get3A_436 = arith.constant 0 : i32
        %get3A_437 = arith.constant 0 : i32
        %get3A_438 = tpu.memref_slice %arg6[%scan3A_215, %get3A_436, %get3A_437] : memref<5x128x128xf32, #tpu.memory_space<vmem>> -> memref<1x128x128xf32, #tpu.memory_space<vmem>>
        %get3A_439 = tpu.memref_squeeze %get3A_438 : memref<1x128x128xf32, #tpu.memory_space<vmem>> -> memref<128x128xf32, #tpu.memory_space<vmem>>
        %get3A_440 = arith.index_cast %scan3A_377 : i32 to index
        %get3A_441 = arith.constant 48 : index
        %get3A_442 = tpu.vector_load %get3A_439[%get3A_440, %get3A_441] {strides = array<i32>} : memref<128x128xf32, #tpu.memory_space<vmem>>, vector<1x16xf32>,
        %get3A_443 = vector.shape_cast %get3A_442 : vector<1x16xf32> to vector<16xf32>
        %mul3A_444 = arith.constant 11.3137083 : f32
        %mul3A_445 = vector.broadcast %mul3A_444 : f32 to vector<16xf32>
        %mul3A_446 = arith.mulf %get3A_443, %mul3A_445 : vector<16xf32>
        %swap3A_447 = arith.constant 0 : i32
        %swap3A_448 = arith.constant 0 : i32
        %swap3A_449 = tpu.memref_slice %arg6[%scan3A_215, %swap3A_447, %swap3A_448] : memref<5x128x128xf32, #tpu.memory_space<vmem>> -> memref<1x128x128xf32, #tpu.memory_space<vmem>>
        %swap3A_450 = tpu.memref_squeeze %swap3A_449 : memref<1x128x128xf32, #tpu.memory_space<vmem>> -> memref<128x128xf32, #tpu.memory_space<vmem>>
        %swap3A_451 = arith.index_cast %scan3A_377 : i32 to index
        %swap3A_452 = arith.constant 48 : index
        %swap3A_453 = tpu.vector_load %swap3A_450[%swap3A_451, %swap3A_452] {strides = array<i32>} : memref<128x128xf32, #tpu.memory_space<vmem>>, vector<1x16xf32>,
        %swap3A_454 = vector.shape_cast %swap3A_453 : vector<1x16xf32> to vector<16xf32>
        %swap3A_455 = vector.shape_cast %mul3A_446 : vector<16xf32> to vector<1x16xf32>
        tpu.vector_store %swap3A_450[%swap3A_451, %swap3A_452], %swap3A_455 {strides = array<i32>} : memref<128x128xf32, #tpu.memory_space<vmem>>, vector<1x16xf32>,
        %get3A_456 = arith.constant 0 : i32
        %get3A_457 = arith.constant 0 : i32
        %get3A_458 = tpu.memref_slice %arg6[%scan3A_215, %get3A_456, %get3A_457] : memref<5x128x128xf32, #tpu.memory_space<vmem>> -> memref<1x128x128xf32, #tpu.memory_space<vmem>>
        %get3A_459 = tpu.memref_squeeze %get3A_458 : memref<1x128x128xf32, #tpu.memory_space<vmem>> -> memref<128x128xf32, #tpu.memory_space<vmem>>
        %get3A_460 = arith.index_cast %scan3A_377 : i32 to index
        %get3A_461 = arith.constant 64 : index
        %get3A_462 = tpu.vector_load %get3A_459[%get3A_460, %get3A_461] {strides = array<i32>} : memref<128x128xf32, #tpu.memory_space<vmem>>, vector<1x16xf32>,
        %get3A_463 = vector.shape_cast %get3A_462 : vector<1x16xf32> to vector<16xf32>
        %mul3A_464 = arith.constant 11.3137083 : f32
        %mul3A_465 = vector.broadcast %mul3A_464 : f32 to vector<16xf32>
        %mul3A_466 = arith.mulf %get3A_463, %mul3A_465 : vector<16xf32>
        %swap3A_467 = arith.constant 0 : i32
        %swap3A_468 = arith.constant 0 : i32
        %swap3A_469 = tpu.memref_slice %arg6[%scan3A_215, %swap3A_467, %swap3A_468] : memref<5x128x128xf32, #tpu.memory_space<vmem>> -> memref<1x128x128xf32, #tpu.memory_space<vmem>>
        %swap3A_470 = tpu.memref_squeeze %swap3A_469 : memref<1x128x128xf32, #tpu.memory_space<vmem>> -> memref<128x128xf32, #tpu.memory_space<vmem>>
        %swap3A_471 = arith.index_cast %scan3A_377 : i32 to index
        %swap3A_472 = arith.constant 64 : index
        %swap3A_473 = tpu.vector_load %swap3A_470[%swap3A_471, %swap3A_472] {strides = array<i32>} : memref<128x128xf32, #tpu.memory_space<vmem>>, vector<1x16xf32>,
        %swap3A_474 = vector.shape_cast %swap3A_473 : vector<1x16xf32> to vector<16xf32>
        %swap3A_475 = vector.shape_cast %mul3A_466 : vector<16xf32> to vector<1x16xf32>
        tpu.vector_store %swap3A_470[%swap3A_471, %swap3A_472], %swap3A_475 {strides = array<i32>} : memref<128x128xf32, #tpu.memory_space<vmem>>, vector<1x16xf32>,
        %get3A_476 = arith.constant 0 : i32
        %get3A_477 = arith.constant 0 : i32
        %get3A_478 = tpu.memref_slice %arg6[%scan3A_215, %get3A_476, %get3A_477] : memref<5x128x128xf32, #tpu.memory_space<vmem>> -> memref<1x128x128xf32, #tpu.memory_space<vmem>>
        %get3A_479 = tpu.memref_squeeze %get3A_478 : memref<1x128x128xf32, #tpu.memory_space<vmem>> -> memref<128x128xf32, #tpu.memory_space<vmem>>
        %get3A_480 = arith.index_cast %scan3A_377 : i32 to index
        %get3A_481 = arith.constant 80 : index
        %get3A_482 = tpu.vector_load %get3A_479[%get3A_480, %get3A_481] {strides = array<i32>} : memref<128x128xf32, #tpu.memory_space<vmem>>, vector<1x16xf32>,
        %get3A_483 = vector.shape_cast %get3A_482 : vector<1x16xf32> to vector<16xf32>
        %mul3A_484 = arith.constant 11.3137083 : f32
        %mul3A_485 = vector.broadcast %mul3A_484 : f32 to vector<16xf32>
        %mul3A_486 = arith.mulf %get3A_483, %mul3A_485 : vector<16xf32>
        %swap3A_487 = arith.constant 0 : i32
        %swap3A_488 = arith.constant 0 : i32
        %swap3A_489 = tpu.memref_slice %arg6[%scan3A_215, %swap3A_487, %swap3A_488] : memref<5x128x128xf32, #tpu.memory_space<vmem>> -> memref<1x128x128xf32, #tpu.memory_space<vmem>>
        %swap3A_490 = tpu.memref_squeeze %swap3A_489 : memref<1x128x128xf32, #tpu.memory_space<vmem>> -> memref<128x128xf32, #tpu.memory_space<vmem>>
        %swap3A_491 = arith.index_cast %scan3A_377 : i32 to index
        %swap3A_492 = arith.constant 80 : index
        %swap3A_493 = tpu.vector_load %swap3A_490[%swap3A_491, %swap3A_492] {strides = array<i32>} : memref<128x128xf32, #tpu.memory_space<vmem>>, vector<1x16xf32>,
        %swap3A_494 = vector.shape_cast %swap3A_493 : vector<1x16xf32> to vector<16xf32>
        %swap3A_495 = vector.shape_cast %mul3A_486 : vector<16xf32> to vector<1x16xf32>
        tpu.vector_store %swap3A_490[%swap3A_491, %swap3A_492], %swap3A_495 {strides = array<i32>} : memref<128x128xf32, #tpu.memory_space<vmem>>, vector<1x16xf32>,
        %get3A_496 = arith.constant 0 : i32
        %get3A_497 = arith.constant 0 : i32
        %get3A_498 = tpu.memref_slice %arg6[%scan3A_215, %get3A_496, %get3A_497] : memref<5x128x128xf32, #tpu.memory_space<vmem>> -> memref<1x128x128xf32, #tpu.memory_space<vmem>>
        %get3A_499 = tpu.memref_squeeze %get3A_498 : memref<1x128x128xf32, #tpu.memory_space<vmem>> -> memref<128x128xf32, #tpu.memory_space<vmem>>
        %get3A_500 = arith.index_cast %scan3A_377 : i32 to index
        %get3A_501 = arith.constant 96 : index
        %get3A_502 = tpu.vector_load %get3A_499[%get3A_500, %get3A_501] {strides = array<i32>} : memref<128x128xf32, #tpu.memory_space<vmem>>, vector<1x16xf32>,
        %get3A_503 = vector.shape_cast %get3A_502 : vector<1x16xf32> to vector<16xf32>
        %mul3A_504 = arith.constant 11.3137083 : f32
        %mul3A_505 = vector.broadcast %mul3A_504 : f32 to vector<16xf32>
        %mul3A_506 = arith.mulf %get3A_503, %mul3A_505 : vector<16xf32>
        %swap3A_507 = arith.constant 0 : i32
        %swap3A_508 = arith.constant 0 : i32
        %swap3A_509 = tpu.memref_slice %arg6[%scan3A_215, %swap3A_507, %swap3A_508] : memref<5x128x128xf32, #tpu.memory_space<vmem>> -> memref<1x128x128xf32, #tpu.memory_space<vmem>>
        %swap3A_510 = tpu.memref_squeeze %swap3A_509 : memref<1x128x128xf32, #tpu.memory_space<vmem>> -> memref<128x128xf32, #tpu.memory_space<vmem>>
        %swap3A_511 = arith.index_cast %scan3A_377 : i32 to index
        %swap3A_512 = arith.constant 96 : index
        %swap3A_513 = tpu.vector_load %swap3A_510[%swap3A_511, %swap3A_512] {strides = array<i32>} : memref<128x128xf32, #tpu.memory_space<vmem>>, vector<1x16xf32>,
        %swap3A_514 = vector.shape_cast %swap3A_513 : vector<1x16xf32> to vector<16xf32>
        %swap3A_515 = vector.shape_cast %mul3A_506 : vector<16xf32> to vector<1x16xf32>
        tpu.vector_store %swap3A_510[%swap3A_511, %swap3A_512], %swap3A_515 {strides = array<i32>} : memref<128x128xf32, #tpu.memory_space<vmem>>, vector<1x16xf32>,
        %get3A_516 = arith.constant 0 : i32
        %get3A_517 = arith.constant 0 : i32
        %get3A_518 = tpu.memref_slice %arg6[%scan3A_215, %get3A_516, %get3A_517] : memref<5x128x128xf32, #tpu.memory_space<vmem>> -> memref<1x128x128xf32, #tpu.memory_space<vmem>>
        %get3A_519 = tpu.memref_squeeze %get3A_518 : memref<1x128x128xf32, #tpu.memory_space<vmem>> -> memref<128x128xf32, #tpu.memory_space<vmem>>
        %get3A_520 = arith.index_cast %scan3A_377 : i32 to index
        %get3A_521 = arith.constant 112 : index
        %get3A_522 = tpu.vector_load %get3A_519[%get3A_520, %get3A_521] {strides = array<i32>} : memref<128x128xf32, #tpu.memory_space<vmem>>, vector<1x16xf32>,
        %get3A_523 = vector.shape_cast %get3A_522 : vector<1x16xf32> to vector<16xf32>
        %mul3A_524 = arith.constant 11.3137083 : f32
        %mul3A_525 = vector.broadcast %mul3A_524 : f32 to vector<16xf32>
        %mul3A_526 = arith.mulf %get3A_523, %mul3A_525 : vector<16xf32>
        %swap3A_527 = arith.constant 0 : i32
        %swap3A_528 = arith.constant 0 : i32
        %swap3A_529 = tpu.memref_slice %arg6[%scan3A_215, %swap3A_527, %swap3A_528] : memref<5x128x128xf32, #tpu.memory_space<vmem>> -> memref<1x128x128xf32, #tpu.memory_space<vmem>>
        %swap3A_530 = tpu.memref_squeeze %swap3A_529 : memref<1x128x128xf32, #tpu.memory_space<vmem>> -> memref<128x128xf32, #tpu.memory_space<vmem>>
        %swap3A_531 = arith.index_cast %scan3A_377 : i32 to index
        %swap3A_532 = arith.constant 112 : index
        %swap3A_533 = tpu.vector_load %swap3A_530[%swap3A_531, %swap3A_532] {strides = array<i32>} : memref<128x128xf32, #tpu.memory_space<vmem>>, vector<1x16xf32>,
        %swap3A_534 = vector.shape_cast %swap3A_533 : vector<1x16xf32> to vector<16xf32>
        %swap3A_535 = vector.shape_cast %mul3A_526 : vector<16xf32> to vector<1x16xf32>
        tpu.vector_store %swap3A_530[%swap3A_531, %swap3A_532], %swap3A_535 {strides = array<i32>} : memref<128x128xf32, #tpu.memory_space<vmem>>, vector<1x16xf32>,
        %scan3A_536 = arith.constant 1 : i32
        %scan3A_537 = arith.addi %scan3A_377, %scan3A_536 : i32
        %get3A_538 = arith.constant 0 : i32
        %get3A_539 = arith.constant 0 : i32
        %get3A_540 = tpu.memref_slice %arg6[%scan3A_215, %get3A_538, %get3A_539] : memref<5x128x128xf32, #tpu.memory_space<vmem>> -> memref<1x128x128xf32, #tpu.memory_space<vmem>>
        %get3A_541 = tpu.memref_squeeze %get3A_540 : memref<1x128x128xf32, #tpu.memory_space<vmem>> -> memref<128x128xf32, #tpu.memory_space<vmem>>
        %get3A_542 = arith.index_cast %scan3A_537 : i32 to index
        %get3A_543 = arith.constant 0 : index
        %get3A_544 = tpu.vector_load %get3A_541[%get3A_542, %get3A_543] {strides = array<i32>} : memref<128x128xf32, #tpu.memory_space<vmem>>, vector<1x16xf32>,
        %get3A_545 = vector.shape_cast %get3A_544 : vector<1x16xf32> to vector<16xf32>
        %mul3A_546 = arith.constant 11.3137083 : f32
        %mul3A_547 = vector.broadcast %mul3A_546 : f32 to vector<16xf32>
        %mul3A_548 = arith.mulf %get3A_545, %mul3A_547 : vector<16xf32>
        %swap3A_549 = arith.constant 0 : i32
        %swap3A_550 = arith.constant 0 : i32
        %swap3A_551 = tpu.memref_slice %arg6[%scan3A_215, %swap3A_549, %swap3A_550] : memref<5x128x128xf32, #tpu.memory_space<vmem>> -> memref<1x128x128xf32, #tpu.memory_space<vmem>>
        %swap3A_552 = tpu.memref_squeeze %swap3A_551 : memref<1x128x128xf32, #tpu.memory_space<vmem>> -> memref<128x128xf32, #tpu.memory_space<vmem>>
        %swap3A_553 = arith.index_cast %scan3A_537 : i32 to index
        %swap3A_554 = arith.constant 0 : index
        %swap3A_555 = tpu.vector_load %swap3A_552[%swap3A_553, %swap3A_554] {strides = array<i32>} : memref<128x128xf32, #tpu.memory_space<vmem>>, vector<1x16xf32>,
        %swap3A_556 = vector.shape_cast %swap3A_555 : vector<1x16xf32> to vector<16xf32>
        %swap3A_557 = vector.shape_cast %mul3A_548 : vector<16xf32> to vector<1x16xf32>
        tpu.vector_store %swap3A_552[%swap3A_553, %swap3A_554], %swap3A_557 {strides = array<i32>} : memref<128x128xf32, #tpu.memory_space<vmem>>, vector<1x16xf32>,
        %get3A_558 = arith.constant 0 : i32
        %get3A_559 = arith.constant 0 : i32
        %get3A_560 = tpu.memref_slice %arg6[%scan3A_215, %get3A_558, %get3A_559] : memref<5x128x128xf32, #tpu.memory_space<vmem>> -> memref<1x128x128xf32, #tpu.memory_space<vmem>>
        %get3A_561 = tpu.memref_squeeze %get3A_560 : memref<1x128x128xf32, #tpu.memory_space<vmem>> -> memref<128x128xf32, #tpu.memory_space<vmem>>
        %get3A_562 = arith.index_cast %scan3A_537 : i32 to index
        %get3A_563 = arith.constant 16 : index
        %get3A_564 = tpu.vector_load %get3A_561[%get3A_562, %get3A_563] {strides = array<i32>} : memref<128x128xf32, #tpu.memory_space<vmem>>, vector<1x16xf32>,
        %get3A_565 = vector.shape_cast %get3A_564 : vector<1x16xf32> to vector<16xf32>
        %mul3A_566 = arith.constant 11.3137083 : f32
        %mul3A_567 = vector.broadcast %mul3A_566 : f32 to vector<16xf32>
        %mul3A_568 = arith.mulf %get3A_565, %mul3A_567 : vector<16xf32>
        %swap3A_569 = arith.constant 0 : i32
        %swap3A_570 = arith.constant 0 : i32
        %swap3A_571 = tpu.memref_slice %arg6[%scan3A_215, %swap3A_569, %swap3A_570] : memref<5x128x128xf32, #tpu.memory_space<vmem>> -> memref<1x128x128xf32, #tpu.memory_space<vmem>>
        %swap3A_572 = tpu.memref_squeeze %swap3A_571 : memref<1x128x128xf32, #tpu.memory_space<vmem>> -> memref<128x128xf32, #tpu.memory_space<vmem>>
        %swap3A_573 = arith.index_cast %scan3A_537 : i32 to index
        %swap3A_574 = arith.constant 16 : index
        %swap3A_575 = tpu.vector_load %swap3A_572[%swap3A_573, %swap3A_574] {strides = array<i32>} : memref<128x128xf32, #tpu.memory_space<vmem>>, vector<1x16xf32>,
        %swap3A_576 = vector.shape_cast %swap3A_575 : vector<1x16xf32> to vector<16xf32>
        %swap3A_577 = vector.shape_cast %mul3A_568 : vector<16xf32> to vector<1x16xf32>
        tpu.vector_store %swap3A_572[%swap3A_573, %swap3A_574], %swap3A_577 {strides = array<i32>} : memref<128x128xf32, #tpu.memory_space<vmem>>, vector<1x16xf32>,
        %get3A_578 = arith.constant 0 : i32
        %get3A_579 = arith.constant 0 : i32
        %get3A_580 = tpu.memref_slice %arg6[%scan3A_215, %get3A_578, %get3A_579] : memref<5x128x128xf32, #tpu.memory_space<vmem>> -> memref<1x128x128xf32, #tpu.memory_space<vmem>>
        %get3A_581 = tpu.memref_squeeze %get3A_580 : memref<1x128x128xf32, #tpu.memory_space<vmem>> -> memref<128x128xf32, #tpu.memory_space<vmem>>
        %get3A_582 = arith.index_cast %scan3A_537 : i32 to index
        %get3A_583 = arith.constant 32 : index
        %get3A_584 = tpu.vector_load %get3A_581[%get3A_582, %get3A_583] {strides = array<i32>} : memref<128x128xf32, #tpu.memory_space<vmem>>, vector<1x16xf32>,
        %get3A_585 = vector.shape_cast %get3A_584 : vector<1x16xf32> to vector<16xf32>
        %mul3A_586 = arith.constant 11.3137083 : f32
        %mul3A_587 = vector.broadcast %mul3A_586 : f32 to vector<16xf32>
        %mul3A_588 = arith.mulf %get3A_585, %mul3A_587 : vector<16xf32>
        %swap3A_589 = arith.constant 0 : i32
        %swap3A_590 = arith.constant 0 : i32
        %swap3A_591 = tpu.memref_slice %arg6[%scan3A_215, %swap3A_589, %swap3A_590] : memref<5x128x128xf32, #tpu.memory_space<vmem>> -> memref<1x128x128xf32, #tpu.memory_space<vmem>>
        %swap3A_592 = tpu.memref_squeeze %swap3A_591 : memref<1x128x128xf32, #tpu.memory_space<vmem>> -> memref<128x128xf32, #tpu.memory_space<vmem>>
        %swap3A_593 = arith.index_cast %scan3A_537 : i32 to index
        %swap3A_594 = arith.constant 32 : index
        %swap3A_595 = tpu.vector_load %swap3A_592[%swap3A_593, %swap3A_594] {strides = array<i32>} : memref<128x128xf32, #tpu.memory_space<vmem>>, vector<1x16xf32>,
        %swap3A_596 = vector.shape_cast %swap3A_595 : vector<1x16xf32> to vector<16xf32>
        %swap3A_597 = vector.shape_cast %mul3A_588 : vector<16xf32> to vector<1x16xf32>
        tpu.vector_store %swap3A_592[%swap3A_593, %swap3A_594], %swap3A_597 {strides = array<i32>} : memref<128x128xf32, #tpu.memory_space<vmem>>, vector<1x16xf32>,
        %get3A_598 = arith.constant 0 : i32
        %get3A_599 = arith.constant 0 : i32
        %get3A_600 = tpu.memref_slice %arg6[%scan3A_215, %get3A_598, %get3A_599] : memref<5x128x128xf32, #tpu.memory_space<vmem>> -> memref<1x128x128xf32, #tpu.memory_space<vmem>>
        %get3A_601 = tpu.memref_squeeze %get3A_600 : memref<1x128x128xf32, #tpu.memory_space<vmem>> -> memref<128x128xf32, #tpu.memory_space<vmem>>
        %get3A_602 = arith.index_cast %scan3A_537 : i32 to index
        %get3A_603 = arith.constant 48 : index
        %get3A_604 = tpu.vector_load %get3A_601[%get3A_602, %get3A_603] {strides = array<i32>} : memref<128x128xf32, #tpu.memory_space<vmem>>, vector<1x16xf32>,
        %get3A_605 = vector.shape_cast %get3A_604 : vector<1x16xf32> to vector<16xf32>
        %mul3A_606 = arith.constant 11.3137083 : f32
        %mul3A_607 = vector.broadcast %mul3A_606 : f32 to vector<16xf32>
        %mul3A_608 = arith.mulf %get3A_605, %mul3A_607 : vector<16xf32>
        %swap3A_609 = arith.constant 0 : i32
        %swap3A_610 = arith.constant 0 : i32
        %swap3A_611 = tpu.memref_slice %arg6[%scan3A_215, %swap3A_609, %swap3A_610] : memref<5x128x128xf32, #tpu.memory_space<vmem>> -> memref<1x128x128xf32, #tpu.memory_space<vmem>>
        %swap3A_612 = tpu.memref_squeeze %swap3A_611 : memref<1x128x128xf32, #tpu.memory_space<vmem>> -> memref<128x128xf32, #tpu.memory_space<vmem>>
        %swap3A_613 = arith.index_cast %scan3A_537 : i32 to index
        %swap3A_614 = arith.constant 48 : index
        %swap3A_615 = tpu.vector_load %swap3A_612[%swap3A_613, %swap3A_614] {strides = array<i32>} : memref<128x128xf32, #tpu.memory_space<vmem>>, vector<1x16xf32>,
        %swap3A_616 = vector.shape_cast %swap3A_615 : vector<1x16xf32> to vector<16xf32>
        %swap3A_617 = vector.shape_cast %mul3A_608 : vector<16xf32> to vector<1x16xf32>
        tpu.vector_store %swap3A_612[%swap3A_613, %swap3A_614], %swap3A_617 {strides = array<i32>} : memref<128x128xf32, #tpu.memory_space<vmem>>, vector<1x16xf32>,
        %get3A_618 = arith.constant 0 : i32
        %get3A_619 = arith.constant 0 : i32
        %get3A_620 = tpu.memref_slice %arg6[%scan3A_215, %get3A_618, %get3A_619] : memref<5x128x128xf32, #tpu.memory_space<vmem>> -> memref<1x128x128xf32, #tpu.memory_space<vmem>>
        %get3A_621 = tpu.memref_squeeze %get3A_620 : memref<1x128x128xf32, #tpu.memory_space<vmem>> -> memref<128x128xf32, #tpu.memory_space<vmem>>
        %get3A_622 = arith.index_cast %scan3A_537 : i32 to index
        %get3A_623 = arith.constant 64 : index
        %get3A_624 = tpu.vector_load %get3A_621[%get3A_622, %get3A_623] {strides = array<i32>} : memref<128x128xf32, #tpu.memory_space<vmem>>, vector<1x16xf32>,
        %get3A_625 = vector.shape_cast %get3A_624 : vector<1x16xf32> to vector<16xf32>
        %mul3A_626 = arith.constant 11.3137083 : f32
        %mul3A_627 = vector.broadcast %mul3A_626 : f32 to vector<16xf32>
        %mul3A_628 = arith.mulf %get3A_625, %mul3A_627 : vector<16xf32>
        %swap3A_629 = arith.constant 0 : i32
        %swap3A_630 = arith.constant 0 : i32
        %swap3A_631 = tpu.memref_slice %arg6[%scan3A_215, %swap3A_629, %swap3A_630] : memref<5x128x128xf32, #tpu.memory_space<vmem>> -> memref<1x128x128xf32, #tpu.memory_space<vmem>>
        %swap3A_632 = tpu.memref_squeeze %swap3A_631 : memref<1x128x128xf32, #tpu.memory_space<vmem>> -> memref<128x128xf32, #tpu.memory_space<vmem>>
        %swap3A_633 = arith.index_cast %scan3A_537 : i32 to index
        %swap3A_634 = arith.constant 64 : index
        %swap3A_635 = tpu.vector_load %swap3A_632[%swap3A_633, %swap3A_634] {strides = array<i32>} : memref<128x128xf32, #tpu.memory_space<vmem>>, vector<1x16xf32>,
        %swap3A_636 = vector.shape_cast %swap3A_635 : vector<1x16xf32> to vector<16xf32>
        %swap3A_637 = vector.shape_cast %mul3A_628 : vector<16xf32> to vector<1x16xf32>
        tpu.vector_store %swap3A_632[%swap3A_633, %swap3A_634], %swap3A_637 {strides = array<i32>} : memref<128x128xf32, #tpu.memory_space<vmem>>, vector<1x16xf32>,
        %get3A_638 = arith.constant 0 : i32
        %get3A_639 = arith.constant 0 : i32
        %get3A_640 = tpu.memref_slice %arg6[%scan3A_215, %get3A_638, %get3A_639] : memref<5x128x128xf32, #tpu.memory_space<vmem>> -> memref<1x128x128xf32, #tpu.memory_space<vmem>>
        %get3A_641 = tpu.memref_squeeze %get3A_640 : memref<1x128x128xf32, #tpu.memory_space<vmem>> -> memref<128x128xf32, #tpu.memory_space<vmem>>
        %get3A_642 = arith.index_cast %scan3A_537 : i32 to index
        %get3A_643 = arith.constant 80 : index
        %get3A_644 = tpu.vector_load %get3A_641[%get3A_642, %get3A_643] {strides = array<i32>} : memref<128x128xf32, #tpu.memory_space<vmem>>, vector<1x16xf32>,
        %get3A_645 = vector.shape_cast %get3A_644 : vector<1x16xf32> to vector<16xf32>
        %mul3A_646 = arith.constant 11.3137083 : f32
        %mul3A_647 = vector.broadcast %mul3A_646 : f32 to vector<16xf32>
        %mul3A_648 = arith.mulf %get3A_645, %mul3A_647 : vector<16xf32>
        %swap3A_649 = arith.constant 0 : i32
        %swap3A_650 = arith.constant 0 : i32
        %swap3A_651 = tpu.memref_slice %arg6[%scan3A_215, %swap3A_649, %swap3A_650] : memref<5x128x128xf32, #tpu.memory_space<vmem>> -> memref<1x128x128xf32, #tpu.memory_space<vmem>>
        %swap3A_652 = tpu.memref_squeeze %swap3A_651 : memref<1x128x128xf32, #tpu.memory_space<vmem>> -> memref<128x128xf32, #tpu.memory_space<vmem>>
        %swap3A_653 = arith.index_cast %scan3A_537 : i32 to index
        %swap3A_654 = arith.constant 80 : index
        %swap3A_655 = tpu.vector_load %swap3A_652[%swap3A_653, %swap3A_654] {strides = array<i32>} : memref<128x128xf32, #tpu.memory_space<vmem>>, vector<1x16xf32>,
        %swap3A_656 = vector.shape_cast %swap3A_655 : vector<1x16xf32> to vector<16xf32>
        %swap3A_657 = vector.shape_cast %mul3A_648 : vector<16xf32> to vector<1x16xf32>
        tpu.vector_store %swap3A_652[%swap3A_653, %swap3A_654], %swap3A_657 {strides = array<i32>} : memref<128x128xf32, #tpu.memory_space<vmem>>, vector<1x16xf32>,
        %get3A_658 = arith.constant 0 : i32
        %get3A_659 = arith.constant 0 : i32
        %get3A_660 = tpu.memref_slice %arg6[%scan3A_215, %get3A_658, %get3A_659] : memref<5x128x128xf32, #tpu.memory_space<vmem>> -> memref<1x128x128xf32, #tpu.memory_space<vmem>>
        %get3A_661 = tpu.memref_squeeze %get3A_660 : memref<1x128x128xf32, #tpu.memory_space<vmem>> -> memref<128x128xf32, #tpu.memory_space<vmem>>
        %get3A_662 = arith.index_cast %scan3A_537 : i32 to index
        %get3A_663 = arith.constant 96 : index
        %get3A_664 = tpu.vector_load %get3A_661[%get3A_662, %get3A_663] {strides = array<i32>} : memref<128x128xf32, #tpu.memory_space<vmem>>, vector<1x16xf32>,
        %get3A_665 = vector.shape_cast %get3A_664 : vector<1x16xf32> to vector<16xf32>
        %mul3A_666 = arith.constant 11.3137083 : f32
        %mul3A_667 = vector.broadcast %mul3A_666 : f32 to vector<16xf32>
        %mul3A_668 = arith.mulf %get3A_665, %mul3A_667 : vector<16xf32>
        %swap3A_669 = arith.constant 0 : i32
        %swap3A_670 = arith.constant 0 : i32
        %swap3A_671 = tpu.memref_slice %arg6[%scan3A_215, %swap3A_669, %swap3A_670] : memref<5x128x128xf32, #tpu.memory_space<vmem>> -> memref<1x128x128xf32, #tpu.memory_space<vmem>>
        %swap3A_672 = tpu.memref_squeeze %swap3A_671 : memref<1x128x128xf32, #tpu.memory_space<vmem>> -> memref<128x128xf32, #tpu.memory_space<vmem>>
        %swap3A_673 = arith.index_cast %scan3A_537 : i32 to index
        %swap3A_674 = arith.constant 96 : index
        %swap3A_675 = tpu.vector_load %swap3A_672[%swap3A_673, %swap3A_674] {strides = array<i32>} : memref<128x128xf32, #tpu.memory_space<vmem>>, vector<1x16xf32>,
        %swap3A_676 = vector.shape_cast %swap3A_675 : vector<1x16xf32> to vector<16xf32>
        %swap3A_677 = vector.shape_cast %mul3A_668 : vector<16xf32> to vector<1x16xf32>
        tpu.vector_store %swap3A_672[%swap3A_673, %swap3A_674], %swap3A_677 {strides = array<i32>} : memref<128x128xf32, #tpu.memory_space<vmem>>, vector<1x16xf32>,
        %get3A_678 = arith.constant 0 : i32
        %get3A_679 = arith.constant 0 : i32
        %get3A_680 = tpu.memref_slice %arg6[%scan3A_215, %get3A_678, %get3A_679] : memref<5x128x128xf32, #tpu.memory_space<vmem>> -> memref<1x128x128xf32, #tpu.memory_space<vmem>>
        %get3A_681 = tpu.memref_squeeze %get3A_680 : memref<1x128x128xf32, #tpu.memory_space<vmem>> -> memref<128x128xf32, #tpu.memory_space<vmem>>
        %get3A_682 = arith.index_cast %scan3A_537 : i32 to index
        %get3A_683 = arith.constant 112 : index
        %get3A_684 = tpu.vector_load %get3A_681[%get3A_682, %get3A_683] {strides = array<i32>} : memref<128x128xf32, #tpu.memory_space<vmem>>, vector<1x16xf32>,
        %get3A_685 = vector.shape_cast %get3A_684 : vector<1x16xf32> to vector<16xf32>
        %mul3A_686 = arith.constant 11.3137083 : f32
        %mul3A_687 = vector.broadcast %mul3A_686 : f32 to vector<16xf32>
        %mul3A_688 = arith.mulf %get3A_685, %mul3A_687 : vector<16xf32>
        %swap3A_689 = arith.constant 0 : i32
        %swap3A_690 = arith.constant 0 : i32
        %swap3A_691 = tpu.memref_slice %arg6[%scan3A_215, %swap3A_689, %swap3A_690] : memref<5x128x128xf32, #tpu.memory_space<vmem>> -> memref<1x128x128xf32, #tpu.memory_space<vmem>>
        %swap3A_692 = tpu.memref_squeeze %swap3A_691 : memref<1x128x128xf32, #tpu.memory_space<vmem>> -> memref<128x128xf32, #tpu.memory_space<vmem>>
        %swap3A_693 = arith.index_cast %scan3A_537 : i32 to index
        %swap3A_694 = arith.constant 112 : index
        %swap3A_695 = tpu.vector_load %swap3A_692[%swap3A_693, %swap3A_694] {strides = array<i32>} : memref<128x128xf32, #tpu.memory_space<vmem>>, vector<1x16xf32>,
        %swap3A_696 = vector.shape_cast %swap3A_695 : vector<1x16xf32> to vector<16xf32>
        %swap3A_697 = vector.shape_cast %mul3A_688 : vector<16xf32> to vector<1x16xf32>
        tpu.vector_store %swap3A_692[%swap3A_693, %swap3A_694], %swap3A_697 {strides = array<i32>} : memref<128x128xf32, #tpu.memory_space<vmem>>, vector<1x16xf32>,
      }
      %scan3A_220 = arith.constant 128 : i32
      %dma_start3A_221 = arith.constant 1 : i32
      %dma_start3A_222 = arith.constant 0 : i32
      %dma_start3A_223 = arith.constant 0 : i32
      %dma_start3A_224 = tpu.memref_slice %arg6[%dma_start3A_221, %dma_start3A_222, %dma_start3A_223] : memref<5x128x128xf32, #tpu.memory_space<vmem>> -> memref<1x128x128xf32, #tpu.memory_space<vmem>>
      %dma_start3A_225 = tpu.memref_squeeze %dma_start3A_224 : memref<1x128x128xf32, #tpu.memory_space<vmem>> -> memref<128x128xf32, #tpu.memory_space<vmem>>
      %dma_start3A_226 = arith.constant 0 : i32
      %dma_start3A_227 = tpu.memref_slice %arg4[%add3A_192, %mul3A_2, %dma_start3A_226] : memref<50x4096x128xf32, #tpu.memory_space<hbm>> -> memref<1x128x128xf32, #tpu.memory_space<hbm>>
      %dma_start3A_228 = tpu.memref_squeeze %dma_start3A_227 : memref<1x128x128xf32, #tpu.memory_space<hbm>> -> memref<128x128xf32, #tpu.memory_space<hbm>>
      %dma_start3A_229 = arith.constant 0 : i32
      %dma_start3A_230 = tpu.memref_slice %arg4[%add3A_192, %mul3A_2, %dma_start3A_229] : memref<50x4096x128xf32, #tpu.memory_space<hbm>> -> memref<1x128x128xf32, #tpu.memory_space<hbm>>
      %dma_start3A_231 = tpu.memref_squeeze %dma_start3A_230 : memref<1x128x128xf32, #tpu.memory_space<hbm>> -> memref<128x128xf32, #tpu.memory_space<hbm>>
      %dma_start3A_232 = arith.constant 0 : i32
      %dma_start3A_233 = arith.constant 0 : i32
      %dma_start3A_234 = tpu.memref_slice %arg6[%dma_start3A_221, %dma_start3A_232, %dma_start3A_233] : memref<5x128x128xf32, #tpu.memory_space<vmem>> -> memref<1x128x128xf32, #tpu.memory_space<vmem>>
      %dma_start3A_235 = tpu.memref_squeeze %dma_start3A_234 : memref<1x128x128xf32, #tpu.memory_space<vmem>> -> memref<128x128xf32, #tpu.memory_space<vmem>>
      tpu.enqueue_dma source(%dma_start3A_235 : memref<128x128xf32, #tpu.memory_space<vmem>>) target(%dma_start3A_231 : memref<128x128xf32, #tpu.memory_space<hbm>>) target_semaphore(%arg13 : memref<!tpu.dma_semaphore, #tpu.memory_space<semaphore_mem>>)
      %mul3A_236 = arith.constant 5 : i32
      %mul3A_237 = arith.muli %scan3A_146, %mul3A_236 : i32
      %add3A_238 = arith.constant 2 : i32
      %add3A_239 = arith.addi %mul3A_237, %add3A_238 : i32
      %add3A_240 = arith.constant 4 : i32
      %add3A_241 = arith.addi %add3A_239, %add3A_240 : i32
      %ge3A_242 = arith.constant 5 : i32
      %ge3A_243 = arith.cmpi sge, %add3A_241, %ge3A_242 : i32
      %lt3A_244 = arith.constant 50 : i32
      %lt3A_245 = arith.cmpi slt, %add3A_241, %lt3A_244 : i32
      %and3A_246 = arith.andi %ge3A_243, %lt3A_245 : i1
      %convert_element_type3A_247 = arith.extui %and3A_246 : i1 to i32
      %cond3A_248 = arith.constant 0 : i32
      %cond3A_249 = arith.cmpi ne, %convert_element_type3A_247, %cond3A_248 : i32
      scf.if %cond3A_249 {
        %sub3A = arith.constant 5 : i32
        %sub3A_377 = arith.subi %add3A_241, %sub3A : i32
        %dma_wait3A_378 = arith.constant 1 : i32
        %dma_wait3A_379 = arith.constant 0 : i32
        %dma_wait3A_380 = arith.constant 0 : i32
        %dma_wait3A_381 = tpu.memref_slice %arg6[%dma_wait3A_378, %dma_wait3A_379, %dma_wait3A_380] : memref<5x128x128xf32, #tpu.memory_space<vmem>> -> memref<1x128x128xf32, #tpu.memory_space<vmem>>
        %dma_wait3A_382 = tpu.memref_squeeze %dma_wait3A_381 : memref<1x128x128xf32, #tpu.memory_space<vmem>> -> memref<128x128xf32, #tpu.memory_space<vmem>>
        %dma_wait3A_383 = arith.constant 0 : i32
        %dma_wait3A_384 = tpu.memref_slice %arg4[%sub3A_377, %mul3A_2, %dma_wait3A_383] : memref<50x4096x128xf32, #tpu.memory_space<hbm>> -> memref<1x128x128xf32, #tpu.memory_space<hbm>>
        %dma_wait3A_385 = tpu.memref_squeeze %dma_wait3A_384 : memref<1x128x128xf32, #tpu.memory_space<hbm>> -> memref<128x128xf32, #tpu.memory_space<hbm>>
        %dma_wait3A_386 = arith.constant 0 : i32
        %dma_wait3A_387 = tpu.memref_slice %arg4[%sub3A_377, %mul3A_2, %dma_wait3A_386] : memref<50x4096x128xf32, #tpu.memory_space<hbm>> -> memref<1x128x128xf32, #tpu.memory_space<hbm>>
        %dma_wait3A_388 = tpu.memref_squeeze %dma_wait3A_387 : memref<1x128x128xf32, #tpu.memory_space<hbm>> -> memref<128x128xf32, #tpu.memory_space<hbm>>
        %dma_wait3A_389 = arith.constant 0 : i32
        %dma_wait3A_390 = arith.constant 0 : i32
        %dma_wait3A_391 = tpu.memref_slice %arg6[%dma_wait3A_378, %dma_wait3A_389, %dma_wait3A_390] : memref<5x128x128xf32, #tpu.memory_space<vmem>> -> memref<1x128x128xf32, #tpu.memory_space<vmem>>
        %dma_wait3A_392 = tpu.memref_squeeze %dma_wait3A_391 : memref<1x128x128xf32, #tpu.memory_space<vmem>> -> memref<128x128xf32, #tpu.memory_space<vmem>>
        tpu.wait_dma2 semaphore(%arg13 : memref<!tpu.dma_semaphore, #tpu.memory_space<semaphore_mem>>) src(%dma_wait3A_392 : memref<128x128xf32, #tpu.memory_space<vmem>>) dst(%dma_wait3A_388 : memref<128x128xf32, #tpu.memory_space<hbm>>)
        %dma_start3A_393 = arith.constant 1 : i32
        %dma_start3A_394 = arith.constant 0 : i32
        %dma_start3A_395 = arith.constant 0 : i32
        %dma_start3A_396 = tpu.memref_slice %arg6[%dma_start3A_393, %dma_start3A_394, %dma_start3A_395] : memref<5x128x128xf32, #tpu.memory_space<vmem>> -> memref<1x128x128xf32, #tpu.memory_space<vmem>>
        %dma_start3A_397 = tpu.memref_squeeze %dma_start3A_396 : memref<1x128x128xf32, #tpu.memory_space<vmem>> -> memref<128x128xf32, #tpu.memory_space<vmem>>
        %dma_start3A_398 = arith.constant 0 : i32
        %dma_start3A_399 = tpu.memref_slice %arg5[%add3A_241, %dma_start3A_398] : memref<50x128xi32, #tpu.memory_space<vmem>> -> memref<1x128xi32, #tpu.memory_space<vmem>>
        %dma_start3A_400 = tpu.memref_squeeze %dma_start3A_399 : memref<1x128xi32, #tpu.memory_space<vmem>> -> memref<128xi32, #tpu.memory_space<vmem>>
        %dma_start3A_401 = arith.constant 0 : i32
        %dma_start3A_402 = arith.constant 0 : i32
        %dma_start3A_403 = tpu.memref_slice %arg3[%dma_start3A_401, %dma_start3A_402] : memref<100000x128xf32, #tpu.memory_space<hbm>> -> memref<100000x128xf32, #tpu.memory_space<hbm>>
        tpu.enqueue_indirect_dma source(%dma_start3A_403 : memref<100000x128xf32, #tpu.memory_space<hbm>>) target(%dma_start3A_397 : memref<128x128xf32, #tpu.memory_space<vmem>>) offsets(%dma_start3A_400 : memref<128xi32, #tpu.memory_space<vmem>>) semaphore(%arg8 : memref<!tpu.dma_semaphore, #tpu.memory_space<semaphore_mem>>)
      } else {
      }
      %dma_wait3A_250 = arith.constant 2 : i32
      %dma_wait3A_251 = arith.constant 0 : i32
      %dma_wait3A_252 = arith.constant 0 : i32
      %dma_wait3A_253 = tpu.memref_slice %arg6[%dma_wait3A_250, %dma_wait3A_251, %dma_wait3A_252] : memref<5x128x128xf32, #tpu.memory_space<vmem>> -> memref<1x128x128xf32, #tpu.memory_space<vmem>>
      %dma_wait3A_254 = tpu.memref_squeeze %dma_wait3A_253 : memref<1x128x128xf32, #tpu.memory_space<vmem>> -> memref<128x128xf32, #tpu.memory_space<vmem>>
      %dma_wait3A_255 = arith.constant 0 : i32
      %dma_wait3A_256 = tpu.memref_slice %arg5[%add3A_239, %dma_wait3A_255] : memref<50x128xi32, #tpu.memory_space<vmem>> -> memref<1x128xi32, #tpu.memory_space<vmem>>
      %dma_wait3A_257 = tpu.memref_squeeze %dma_wait3A_256 : memref<1x128xi32, #tpu.memory_space<vmem>> -> memref<128xi32, #tpu.memory_space<vmem>>
      %dma_wait3A_258 = arith.constant 0 : i32
      %dma_wait3A_259 = arith.constant 0 : i32
      %dma_wait3A_260 = tpu.memref_slice %arg3[%dma_wait3A_258, %dma_wait3A_259] : memref<100000x128xf32, #tpu.memory_space<hbm>> -> memref<100000x128xf32, #tpu.memory_space<hbm>>
      tpu.wait_indirect_dma semaphore(%arg9 : memref<!tpu.dma_semaphore, #tpu.memory_space<semaphore_mem>>) src(%dma_wait3A_260 : memref<100000x128xf32, #tpu.memory_space<hbm>>) dst(%dma_wait3A_254 : memref<128x128xf32, #tpu.memory_space<vmem>>)
      %scan3A_261 = arith.constant 0 : i32
      %scan3A_262 = arith.constant 2 : i32
      %scan3A_263 = arith.constant 0 : i32
      %scan3A_264 = arith.constant 128 : i32
      %scan3A_265 = arith.addi %scan3A_263, %scan3A_264 : i32
      %scan3A_266 = arith.constant 2 : i32
      scf.for %scan3A_377 = %scan3A_263 to %scan3A_265 step %scan3A_266  : i32 {
        %get3A = arith.constant 0 : i32
        %get3A_378 = arith.constant 0 : i32
        %get3A_379 = tpu.memref_slice %arg6[%scan3A_262, %get3A, %get3A_378] : memref<5x128x128xf32, #tpu.memory_space<vmem>> -> memref<1x128x128xf32, #tpu.memory_space<vmem>>
        %get3A_380 = tpu.memref_squeeze %get3A_379 : memref<1x128x128xf32, #tpu.memory_space<vmem>> -> memref<128x128xf32, #tpu.memory_space<vmem>>
        %get3A_381 = arith.index_cast %scan3A_377 : i32 to index
        %get3A_382 = arith.constant 0 : index
        %get3A_383 = tpu.vector_load %get3A_380[%get3A_381, %get3A_382] {strides = array<i32>} : memref<128x128xf32, #tpu.memory_space<vmem>>, vector<1x16xf32>,
        %get3A_384 = vector.shape_cast %get3A_383 : vector<1x16xf32> to vector<16xf32>
        %mul3A_385 = arith.constant 11.3137083 : f32
        %mul3A_386 = vector.broadcast %mul3A_385 : f32 to vector<16xf32>
        %mul3A_387 = arith.mulf %get3A_384, %mul3A_386 : vector<16xf32>
        %swap3A = arith.constant 0 : i32
        %swap3A_388 = arith.constant 0 : i32
        %swap3A_389 = tpu.memref_slice %arg6[%scan3A_262, %swap3A, %swap3A_388] : memref<5x128x128xf32, #tpu.memory_space<vmem>> -> memref<1x128x128xf32, #tpu.memory_space<vmem>>
        %swap3A_390 = tpu.memref_squeeze %swap3A_389 : memref<1x128x128xf32, #tpu.memory_space<vmem>> -> memref<128x128xf32, #tpu.memory_space<vmem>>
        %swap3A_391 = arith.index_cast %scan3A_377 : i32 to index
        %swap3A_392 = arith.constant 0 : index
        %swap3A_393 = tpu.vector_load %swap3A_390[%swap3A_391, %swap3A_392] {strides = array<i32>} : memref<128x128xf32, #tpu.memory_space<vmem>>, vector<1x16xf32>,
        %swap3A_394 = vector.shape_cast %swap3A_393 : vector<1x16xf32> to vector<16xf32>
        %swap3A_395 = vector.shape_cast %mul3A_387 : vector<16xf32> to vector<1x16xf32>
        tpu.vector_store %swap3A_390[%swap3A_391, %swap3A_392], %swap3A_395 {strides = array<i32>} : memref<128x128xf32, #tpu.memory_space<vmem>>, vector<1x16xf32>,
        %get3A_396 = arith.constant 0 : i32
        %get3A_397 = arith.constant 0 : i32
        %get3A_398 = tpu.memref_slice %arg6[%scan3A_262, %get3A_396, %get3A_397] : memref<5x128x128xf32, #tpu.memory_space<vmem>> -> memref<1x128x128xf32, #tpu.memory_space<vmem>>
        %get3A_399 = tpu.memref_squeeze %get3A_398 : memref<1x128x128xf32, #tpu.memory_space<vmem>> -> memref<128x128xf32, #tpu.memory_space<vmem>>
        %get3A_400 = arith.index_cast %scan3A_377 : i32 to index
        %get3A_401 = arith.constant 16 : index
        %get3A_402 = tpu.vector_load %get3A_399[%get3A_400, %get3A_401] {strides = array<i32>} : memref<128x128xf32, #tpu.memory_space<vmem>>, vector<1x16xf32>,
        %get3A_403 = vector.shape_cast %get3A_402 : vector<1x16xf32> to vector<16xf32>
        %mul3A_404 = arith.constant 11.3137083 : f32
        %mul3A_405 = vector.broadcast %mul3A_404 : f32 to vector<16xf32>
        %mul3A_406 = arith.mulf %get3A_403, %mul3A_405 : vector<16xf32>
        %swap3A_407 = arith.constant 0 : i32
        %swap3A_408 = arith.constant 0 : i32
        %swap3A_409 = tpu.memref_slice %arg6[%scan3A_262, %swap3A_407, %swap3A_408] : memref<5x128x128xf32, #tpu.memory_space<vmem>> -> memref<1x128x128xf32, #tpu.memory_space<vmem>>
        %swap3A_410 = tpu.memref_squeeze %swap3A_409 : memref<1x128x128xf32, #tpu.memory_space<vmem>> -> memref<128x128xf32, #tpu.memory_space<vmem>>
        %swap3A_411 = arith.index_cast %scan3A_377 : i32 to index
        %swap3A_412 = arith.constant 16 : index
        %swap3A_413 = tpu.vector_load %swap3A_410[%swap3A_411, %swap3A_412] {strides = array<i32>} : memref<128x128xf32, #tpu.memory_space<vmem>>, vector<1x16xf32>,
        %swap3A_414 = vector.shape_cast %swap3A_413 : vector<1x16xf32> to vector<16xf32>
        %swap3A_415 = vector.shape_cast %mul3A_406 : vector<16xf32> to vector<1x16xf32>
        tpu.vector_store %swap3A_410[%swap3A_411, %swap3A_412], %swap3A_415 {strides = array<i32>} : memref<128x128xf32, #tpu.memory_space<vmem>>, vector<1x16xf32>,
        %get3A_416 = arith.constant 0 : i32
        %get3A_417 = arith.constant 0 : i32
        %get3A_418 = tpu.memref_slice %arg6[%scan3A_262, %get3A_416, %get3A_417] : memref<5x128x128xf32, #tpu.memory_space<vmem>> -> memref<1x128x128xf32, #tpu.memory_space<vmem>>
        %get3A_419 = tpu.memref_squeeze %get3A_418 : memref<1x128x128xf32, #tpu.memory_space<vmem>> -> memref<128x128xf32, #tpu.memory_space<vmem>>
        %get3A_420 = arith.index_cast %scan3A_377 : i32 to index
        %get3A_421 = arith.constant 32 : index
        %get3A_422 = tpu.vector_load %get3A_419[%get3A_420, %get3A_421] {strides = array<i32>} : memref<128x128xf32, #tpu.memory_space<vmem>>, vector<1x16xf32>,
        %get3A_423 = vector.shape_cast %get3A_422 : vector<1x16xf32> to vector<16xf32>
        %mul3A_424 = arith.constant 11.3137083 : f32
        %mul3A_425 = vector.broadcast %mul3A_424 : f32 to vector<16xf32>
        %mul3A_426 = arith.mulf %get3A_423, %mul3A_425 : vector<16xf32>
        %swap3A_427 = arith.constant 0 : i32
        %swap3A_428 = arith.constant 0 : i32
        %swap3A_429 = tpu.memref_slice %arg6[%scan3A_262, %swap3A_427, %swap3A_428] : memref<5x128x128xf32, #tpu.memory_space<vmem>> -> memref<1x128x128xf32, #tpu.memory_space<vmem>>
        %swap3A_430 = tpu.memref_squeeze %swap3A_429 : memref<1x128x128xf32, #tpu.memory_space<vmem>> -> memref<128x128xf32, #tpu.memory_space<vmem>>
        %swap3A_431 = arith.index_cast %scan3A_377 : i32 to index
        %swap3A_432 = arith.constant 32 : index
        %swap3A_433 = tpu.vector_load %swap3A_430[%swap3A_431, %swap3A_432] {strides = array<i32>} : memref<128x128xf32, #tpu.memory_space<vmem>>, vector<1x16xf32>,
        %swap3A_434 = vector.shape_cast %swap3A_433 : vector<1x16xf32> to vector<16xf32>
        %swap3A_435 = vector.shape_cast %mul3A_426 : vector<16xf32> to vector<1x16xf32>
        tpu.vector_store %swap3A_430[%swap3A_431, %swap3A_432], %swap3A_435 {strides = array<i32>} : memref<128x128xf32, #tpu.memory_space<vmem>>, vector<1x16xf32>,
        %get3A_436 = arith.constant 0 : i32
        %get3A_437 = arith.constant 0 : i32
        %get3A_438 = tpu.memref_slice %arg6[%scan3A_262, %get3A_436, %get3A_437] : memref<5x128x128xf32, #tpu.memory_space<vmem>> -> memref<1x128x128xf32, #tpu.memory_space<vmem>>
        %get3A_439 = tpu.memref_squeeze %get3A_438 : memref<1x128x128xf32, #tpu.memory_space<vmem>> -> memref<128x128xf32, #tpu.memory_space<vmem>>
        %get3A_440 = arith.index_cast %scan3A_377 : i32 to index
        %get3A_441 = arith.constant 48 : index
        %get3A_442 = tpu.vector_load %get3A_439[%get3A_440, %get3A_441] {strides = array<i32>} : memref<128x128xf32, #tpu.memory_space<vmem>>, vector<1x16xf32>,
        %get3A_443 = vector.shape_cast %get3A_442 : vector<1x16xf32> to vector<16xf32>
        %mul3A_444 = arith.constant 11.3137083 : f32
        %mul3A_445 = vector.broadcast %mul3A_444 : f32 to vector<16xf32>
        %mul3A_446 = arith.mulf %get3A_443, %mul3A_445 : vector<16xf32>
        %swap3A_447 = arith.constant 0 : i32
        %swap3A_448 = arith.constant 0 : i32
        %swap3A_449 = tpu.memref_slice %arg6[%scan3A_262, %swap3A_447, %swap3A_448] : memref<5x128x128xf32, #tpu.memory_space<vmem>> -> memref<1x128x128xf32, #tpu.memory_space<vmem>>
        %swap3A_450 = tpu.memref_squeeze %swap3A_449 : memref<1x128x128xf32, #tpu.memory_space<vmem>> -> memref<128x128xf32, #tpu.memory_space<vmem>>
        %swap3A_451 = arith.index_cast %scan3A_377 : i32 to index
        %swap3A_452 = arith.constant 48 : index
        %swap3A_453 = tpu.vector_load %swap3A_450[%swap3A_451, %swap3A_452] {strides = array<i32>} : memref<128x128xf32, #tpu.memory_space<vmem>>, vector<1x16xf32>,
        %swap3A_454 = vector.shape_cast %swap3A_453 : vector<1x16xf32> to vector<16xf32>
        %swap3A_455 = vector.shape_cast %mul3A_446 : vector<16xf32> to vector<1x16xf32>
        tpu.vector_store %swap3A_450[%swap3A_451, %swap3A_452], %swap3A_455 {strides = array<i32>} : memref<128x128xf32, #tpu.memory_space<vmem>>, vector<1x16xf32>,
        %get3A_456 = arith.constant 0 : i32
        %get3A_457 = arith.constant 0 : i32
        %get3A_458 = tpu.memref_slice %arg6[%scan3A_262, %get3A_456, %get3A_457] : memref<5x128x128xf32, #tpu.memory_space<vmem>> -> memref<1x128x128xf32, #tpu.memory_space<vmem>>
        %get3A_459 = tpu.memref_squeeze %get3A_458 : memref<1x128x128xf32, #tpu.memory_space<vmem>> -> memref<128x128xf32, #tpu.memory_space<vmem>>
        %get3A_460 = arith.index_cast %scan3A_377 : i32 to index
        %get3A_461 = arith.constant 64 : index
        %get3A_462 = tpu.vector_load %get3A_459[%get3A_460, %get3A_461] {strides = array<i32>} : memref<128x128xf32, #tpu.memory_space<vmem>>, vector<1x16xf32>,
        %get3A_463 = vector.shape_cast %get3A_462 : vector<1x16xf32> to vector<16xf32>
        %mul3A_464 = arith.constant 11.3137083 : f32
        %mul3A_465 = vector.broadcast %mul3A_464 : f32 to vector<16xf32>
        %mul3A_466 = arith.mulf %get3A_463, %mul3A_465 : vector<16xf32>
        %swap3A_467 = arith.constant 0 : i32
        %swap3A_468 = arith.constant 0 : i32
        %swap3A_469 = tpu.memref_slice %arg6[%scan3A_262, %swap3A_467, %swap3A_468] : memref<5x128x128xf32, #tpu.memory_space<vmem>> -> memref<1x128x128xf32, #tpu.memory_space<vmem>>
        %swap3A_470 = tpu.memref_squeeze %swap3A_469 : memref<1x128x128xf32, #tpu.memory_space<vmem>> -> memref<128x128xf32, #tpu.memory_space<vmem>>
        %swap3A_471 = arith.index_cast %scan3A_377 : i32 to index
        %swap3A_472 = arith.constant 64 : index
        %swap3A_473 = tpu.vector_load %swap3A_470[%swap3A_471, %swap3A_472] {strides = array<i32>} : memref<128x128xf32, #tpu.memory_space<vmem>>, vector<1x16xf32>,
        %swap3A_474 = vector.shape_cast %swap3A_473 : vector<1x16xf32> to vector<16xf32>
        %swap3A_475 = vector.shape_cast %mul3A_466 : vector<16xf32> to vector<1x16xf32>
        tpu.vector_store %swap3A_470[%swap3A_471, %swap3A_472], %swap3A_475 {strides = array<i32>} : memref<128x128xf32, #tpu.memory_space<vmem>>, vector<1x16xf32>,
        %get3A_476 = arith.constant 0 : i32
        %get3A_477 = arith.constant 0 : i32
        %get3A_478 = tpu.memref_slice %arg6[%scan3A_262, %get3A_476, %get3A_477] : memref<5x128x128xf32, #tpu.memory_space<vmem>> -> memref<1x128x128xf32, #tpu.memory_space<vmem>>
        %get3A_479 = tpu.memref_squeeze %get3A_478 : memref<1x128x128xf32, #tpu.memory_space<vmem>> -> memref<128x128xf32, #tpu.memory_space<vmem>>
        %get3A_480 = arith.index_cast %scan3A_377 : i32 to index
        %get3A_481 = arith.constant 80 : index
        %get3A_482 = tpu.vector_load %get3A_479[%get3A_480, %get3A_481] {strides = array<i32>} : memref<128x128xf32, #tpu.memory_space<vmem>>, vector<1x16xf32>,
        %get3A_483 = vector.shape_cast %get3A_482 : vector<1x16xf32> to vector<16xf32>
        %mul3A_484 = arith.constant 11.3137083 : f32
        %mul3A_485 = vector.broadcast %mul3A_484 : f32 to vector<16xf32>
        %mul3A_486 = arith.mulf %get3A_483, %mul3A_485 : vector<16xf32>
        %swap3A_487 = arith.constant 0 : i32
        %swap3A_488 = arith.constant 0 : i32
        %swap3A_489 = tpu.memref_slice %arg6[%scan3A_262, %swap3A_487, %swap3A_488] : memref<5x128x128xf32, #tpu.memory_space<vmem>> -> memref<1x128x128xf32, #tpu.memory_space<vmem>>
        %swap3A_490 = tpu.memref_squeeze %swap3A_489 : memref<1x128x128xf32, #tpu.memory_space<vmem>> -> memref<128x128xf32, #tpu.memory_space<vmem>>
        %swap3A_491 = arith.index_cast %scan3A_377 : i32 to index
        %swap3A_492 = arith.constant 80 : index
        %swap3A_493 = tpu.vector_load %swap3A_490[%swap3A_491, %swap3A_492] {strides = array<i32>} : memref<128x128xf32, #tpu.memory_space<vmem>>, vector<1x16xf32>,
        %swap3A_494 = vector.shape_cast %swap3A_493 : vector<1x16xf32> to vector<16xf32>
        %swap3A_495 = vector.shape_cast %mul3A_486 : vector<16xf32> to vector<1x16xf32>
        tpu.vector_store %swap3A_490[%swap3A_491, %swap3A_492], %swap3A_495 {strides = array<i32>} : memref<128x128xf32, #tpu.memory_space<vmem>>, vector<1x16xf32>,
        %get3A_496 = arith.constant 0 : i32
        %get3A_497 = arith.constant 0 : i32
        %get3A_498 = tpu.memref_slice %arg6[%scan3A_262, %get3A_496, %get3A_497] : memref<5x128x128xf32, #tpu.memory_space<vmem>> -> memref<1x128x128xf32, #tpu.memory_space<vmem>>
        %get3A_499 = tpu.memref_squeeze %get3A_498 : memref<1x128x128xf32, #tpu.memory_space<vmem>> -> memref<128x128xf32, #tpu.memory_space<vmem>>
        %get3A_500 = arith.index_cast %scan3A_377 : i32 to index
        %get3A_501 = arith.constant 96 : index
        %get3A_502 = tpu.vector_load %get3A_499[%get3A_500, %get3A_501] {strides = array<i32>} : memref<128x128xf32, #tpu.memory_space<vmem>>, vector<1x16xf32>,
        %get3A_503 = vector.shape_cast %get3A_502 : vector<1x16xf32> to vector<16xf32>
        %mul3A_504 = arith.constant 11.3137083 : f32
        %mul3A_505 = vector.broadcast %mul3A_504 : f32 to vector<16xf32>
        %mul3A_506 = arith.mulf %get3A_503, %mul3A_505 : vector<16xf32>
        %swap3A_507 = arith.constant 0 : i32
        %swap3A_508 = arith.constant 0 : i32
        %swap3A_509 = tpu.memref_slice %arg6[%scan3A_262, %swap3A_507, %swap3A_508] : memref<5x128x128xf32, #tpu.memory_space<vmem>> -> memref<1x128x128xf32, #tpu.memory_space<vmem>>
        %swap3A_510 = tpu.memref_squeeze %swap3A_509 : memref<1x128x128xf32, #tpu.memory_space<vmem>> -> memref<128x128xf32, #tpu.memory_space<vmem>>
        %swap3A_511 = arith.index_cast %scan3A_377 : i32 to index
        %swap3A_512 = arith.constant 96 : index
        %swap3A_513 = tpu.vector_load %swap3A_510[%swap3A_511, %swap3A_512] {strides = array<i32>} : memref<128x128xf32, #tpu.memory_space<vmem>>, vector<1x16xf32>,
        %swap3A_514 = vector.shape_cast %swap3A_513 : vector<1x16xf32> to vector<16xf32>
        %swap3A_515 = vector.shape_cast %mul3A_506 : vector<16xf32> to vector<1x16xf32>
        tpu.vector_store %swap3A_510[%swap3A_511, %swap3A_512], %swap3A_515 {strides = array<i32>} : memref<128x128xf32, #tpu.memory_space<vmem>>, vector<1x16xf32>,
        %get3A_516 = arith.constant 0 : i32
        %get3A_517 = arith.constant 0 : i32
        %get3A_518 = tpu.memref_slice %arg6[%scan3A_262, %get3A_516, %get3A_517] : memref<5x128x128xf32, #tpu.memory_space<vmem>> -> memref<1x128x128xf32, #tpu.memory_space<vmem>>
        %get3A_519 = tpu.memref_squeeze %get3A_518 : memref<1x128x128xf32, #tpu.memory_space<vmem>> -> memref<128x128xf32, #tpu.memory_space<vmem>>
        %get3A_520 = arith.index_cast %scan3A_377 : i32 to index
        %get3A_521 = arith.constant 112 : index
        %get3A_522 = tpu.vector_load %get3A_519[%get3A_520, %get3A_521] {strides = array<i32>} : memref<128x128xf32, #tpu.memory_space<vmem>>, vector<1x16xf32>,
        %get3A_523 = vector.shape_cast %get3A_522 : vector<1x16xf32> to vector<16xf32>
        %mul3A_524 = arith.constant 11.3137083 : f32
        %mul3A_525 = vector.broadcast %mul3A_524 : f32 to vector<16xf32>
        %mul3A_526 = arith.mulf %get3A_523, %mul3A_525 : vector<16xf32>
        %swap3A_527 = arith.constant 0 : i32
        %swap3A_528 = arith.constant 0 : i32
        %swap3A_529 = tpu.memref_slice %arg6[%scan3A_262, %swap3A_527, %swap3A_528] : memref<5x128x128xf32, #tpu.memory_space<vmem>> -> memref<1x128x128xf32, #tpu.memory_space<vmem>>
        %swap3A_530 = tpu.memref_squeeze %swap3A_529 : memref<1x128x128xf32, #tpu.memory_space<vmem>> -> memref<128x128xf32, #tpu.memory_space<vmem>>
        %swap3A_531 = arith.index_cast %scan3A_377 : i32 to index
        %swap3A_532 = arith.constant 112 : index
        %swap3A_533 = tpu.vector_load %swap3A_530[%swap3A_531, %swap3A_532] {strides = array<i32>} : memref<128x128xf32, #tpu.memory_space<vmem>>, vector<1x16xf32>,
        %swap3A_534 = vector.shape_cast %swap3A_533 : vector<1x16xf32> to vector<16xf32>
        %swap3A_535 = vector.shape_cast %mul3A_526 : vector<16xf32> to vector<1x16xf32>
        tpu.vector_store %swap3A_530[%swap3A_531, %swap3A_532], %swap3A_535 {strides = array<i32>} : memref<128x128xf32, #tpu.memory_space<vmem>>, vector<1x16xf32>,
        %scan3A_536 = arith.constant 1 : i32
        %scan3A_537 = arith.addi %scan3A_377, %scan3A_536 : i32
        %get3A_538 = arith.constant 0 : i32
        %get3A_539 = arith.constant 0 : i32
        %get3A_540 = tpu.memref_slice %arg6[%scan3A_262, %get3A_538, %get3A_539] : memref<5x128x128xf32, #tpu.memory_space<vmem>> -> memref<1x128x128xf32, #tpu.memory_space<vmem>>
        %get3A_541 = tpu.memref_squeeze %get3A_540 : memref<1x128x128xf32, #tpu.memory_space<vmem>> -> memref<128x128xf32, #tpu.memory_space<vmem>>
        %get3A_542 = arith.index_cast %scan3A_537 : i32 to index
        %get3A_543 = arith.constant 0 : index
        %get3A_544 = tpu.vector_load %get3A_541[%get3A_542, %get3A_543] {strides = array<i32>} : memref<128x128xf32, #tpu.memory_space<vmem>>, vector<1x16xf32>,
        %get3A_545 = vector.shape_cast %get3A_544 : vector<1x16xf32> to vector<16xf32>
        %mul3A_546 = arith.constant 11.3137083 : f32
        %mul3A_547 = vector.broadcast %mul3A_546 : f32 to vector<16xf32>
        %mul3A_548 = arith.mulf %get3A_545, %mul3A_547 : vector<16xf32>
        %swap3A_549 = arith.constant 0 : i32
        %swap3A_550 = arith.constant 0 : i32
        %swap3A_551 = tpu.memref_slice %arg6[%scan3A_262, %swap3A_549, %swap3A_550] : memref<5x128x128xf32, #tpu.memory_space<vmem>> -> memref<1x128x128xf32, #tpu.memory_space<vmem>>
        %swap3A_552 = tpu.memref_squeeze %swap3A_551 : memref<1x128x128xf32, #tpu.memory_space<vmem>> -> memref<128x128xf32, #tpu.memory_space<vmem>>
        %swap3A_553 = arith.index_cast %scan3A_537 : i32 to index
        %swap3A_554 = arith.constant 0 : index
        %swap3A_555 = tpu.vector_load %swap3A_552[%swap3A_553, %swap3A_554] {strides = array<i32>} : memref<128x128xf32, #tpu.memory_space<vmem>>, vector<1x16xf32>,
        %swap3A_556 = vector.shape_cast %swap3A_555 : vector<1x16xf32> to vector<16xf32>
        %swap3A_557 = vector.shape_cast %mul3A_548 : vector<16xf32> to vector<1x16xf32>
        tpu.vector_store %swap3A_552[%swap3A_553, %swap3A_554], %swap3A_557 {strides = array<i32>} : memref<128x128xf32, #tpu.memory_space<vmem>>, vector<1x16xf32>,
        %get3A_558 = arith.constant 0 : i32
        %get3A_559 = arith.constant 0 : i32
        %get3A_560 = tpu.memref_slice %arg6[%scan3A_262, %get3A_558, %get3A_559] : memref<5x128x128xf32, #tpu.memory_space<vmem>> -> memref<1x128x128xf32, #tpu.memory_space<vmem>>
        %get3A_561 = tpu.memref_squeeze %get3A_560 : memref<1x128x128xf32, #tpu.memory_space<vmem>> -> memref<128x128xf32, #tpu.memory_space<vmem>>
        %get3A_562 = arith.index_cast %scan3A_537 : i32 to index
        %get3A_563 = arith.constant 16 : index
        %get3A_564 = tpu.vector_load %get3A_561[%get3A_562, %get3A_563] {strides = array<i32>} : memref<128x128xf32, #tpu.memory_space<vmem>>, vector<1x16xf32>,
        %get3A_565 = vector.shape_cast %get3A_564 : vector<1x16xf32> to vector<16xf32>
        %mul3A_566 = arith.constant 11.3137083 : f32
        %mul3A_567 = vector.broadcast %mul3A_566 : f32 to vector<16xf32>
        %mul3A_568 = arith.mulf %get3A_565, %mul3A_567 : vector<16xf32>
        %swap3A_569 = arith.constant 0 : i32
        %swap3A_570 = arith.constant 0 : i32
        %swap3A_571 = tpu.memref_slice %arg6[%scan3A_262, %swap3A_569, %swap3A_570] : memref<5x128x128xf32, #tpu.memory_space<vmem>> -> memref<1x128x128xf32, #tpu.memory_space<vmem>>
        %swap3A_572 = tpu.memref_squeeze %swap3A_571 : memref<1x128x128xf32, #tpu.memory_space<vmem>> -> memref<128x128xf32, #tpu.memory_space<vmem>>
        %swap3A_573 = arith.index_cast %scan3A_537 : i32 to index
        %swap3A_574 = arith.constant 16 : index
        %swap3A_575 = tpu.vector_load %swap3A_572[%swap3A_573, %swap3A_574] {strides = array<i32>} : memref<128x128xf32, #tpu.memory_space<vmem>>, vector<1x16xf32>,
        %swap3A_576 = vector.shape_cast %swap3A_575 : vector<1x16xf32> to vector<16xf32>
        %swap3A_577 = vector.shape_cast %mul3A_568 : vector<16xf32> to vector<1x16xf32>
        tpu.vector_store %swap3A_572[%swap3A_573, %swap3A_574], %swap3A_577 {strides = array<i32>} : memref<128x128xf32, #tpu.memory_space<vmem>>, vector<1x16xf32>,
        %get3A_578 = arith.constant 0 : i32
        %get3A_579 = arith.constant 0 : i32
        %get3A_580 = tpu.memref_slice %arg6[%scan3A_262, %get3A_578, %get3A_579] : memref<5x128x128xf32, #tpu.memory_space<vmem>> -> memref<1x128x128xf32, #tpu.memory_space<vmem>>
        %get3A_581 = tpu.memref_squeeze %get3A_580 : memref<1x128x128xf32, #tpu.memory_space<vmem>> -> memref<128x128xf32, #tpu.memory_space<vmem>>
        %get3A_582 = arith.index_cast %scan3A_537 : i32 to index
        %get3A_583 = arith.constant 32 : index
        %get3A_584 = tpu.vector_load %get3A_581[%get3A_582, %get3A_583] {strides = array<i32>} : memref<128x128xf32, #tpu.memory_space<vmem>>, vector<1x16xf32>,
        %get3A_585 = vector.shape_cast %get3A_584 : vector<1x16xf32> to vector<16xf32>
        %mul3A_586 = arith.constant 11.3137083 : f32
        %mul3A_587 = vector.broadcast %mul3A_586 : f32 to vector<16xf32>
        %mul3A_588 = arith.mulf %get3A_585, %mul3A_587 : vector<16xf32>
        %swap3A_589 = arith.constant 0 : i32
        %swap3A_590 = arith.constant 0 : i32
        %swap3A_591 = tpu.memref_slice %arg6[%scan3A_262, %swap3A_589, %swap3A_590] : memref<5x128x128xf32, #tpu.memory_space<vmem>> -> memref<1x128x128xf32, #tpu.memory_space<vmem>>
        %swap3A_592 = tpu.memref_squeeze %swap3A_591 : memref<1x128x128xf32, #tpu.memory_space<vmem>> -> memref<128x128xf32, #tpu.memory_space<vmem>>
        %swap3A_593 = arith.index_cast %scan3A_537 : i32 to index
        %swap3A_594 = arith.constant 32 : index
        %swap3A_595 = tpu.vector_load %swap3A_592[%swap3A_593, %swap3A_594] {strides = array<i32>} : memref<128x128xf32, #tpu.memory_space<vmem>>, vector<1x16xf32>,
        %swap3A_596 = vector.shape_cast %swap3A_595 : vector<1x16xf32> to vector<16xf32>
        %swap3A_597 = vector.shape_cast %mul3A_588 : vector<16xf32> to vector<1x16xf32>
        tpu.vector_store %swap3A_592[%swap3A_593, %swap3A_594], %swap3A_597 {strides = array<i32>} : memref<128x128xf32, #tpu.memory_space<vmem>>, vector<1x16xf32>,
        %get3A_598 = arith.constant 0 : i32
        %get3A_599 = arith.constant 0 : i32
        %get3A_600 = tpu.memref_slice %arg6[%scan3A_262, %get3A_598, %get3A_599] : memref<5x128x128xf32, #tpu.memory_space<vmem>> -> memref<1x128x128xf32, #tpu.memory_space<vmem>>
        %get3A_601 = tpu.memref_squeeze %get3A_600 : memref<1x128x128xf32, #tpu.memory_space<vmem>> -> memref<128x128xf32, #tpu.memory_space<vmem>>
        %get3A_602 = arith.index_cast %scan3A_537 : i32 to index
        %get3A_603 = arith.constant 48 : index
        %get3A_604 = tpu.vector_load %get3A_601[%get3A_602, %get3A_603] {strides = array<i32>} : memref<128x128xf32, #tpu.memory_space<vmem>>, vector<1x16xf32>,
        %get3A_605 = vector.shape_cast %get3A_604 : vector<1x16xf32> to vector<16xf32>
        %mul3A_606 = arith.constant 11.3137083 : f32
        %mul3A_607 = vector.broadcast %mul3A_606 : f32 to vector<16xf32>
        %mul3A_608 = arith.mulf %get3A_605, %mul3A_607 : vector<16xf32>
        %swap3A_609 = arith.constant 0 : i32
        %swap3A_610 = arith.constant 0 : i32
        %swap3A_611 = tpu.memref_slice %arg6[%scan3A_262, %swap3A_609, %swap3A_610] : memref<5x128x128xf32, #tpu.memory_space<vmem>> -> memref<1x128x128xf32, #tpu.memory_space<vmem>>
        %swap3A_612 = tpu.memref_squeeze %swap3A_611 : memref<1x128x128xf32, #tpu.memory_space<vmem>> -> memref<128x128xf32, #tpu.memory_space<vmem>>
        %swap3A_613 = arith.index_cast %scan3A_537 : i32 to index
        %swap3A_614 = arith.constant 48 : index
        %swap3A_615 = tpu.vector_load %swap3A_612[%swap3A_613, %swap3A_614] {strides = array<i32>} : memref<128x128xf32, #tpu.memory_space<vmem>>, vector<1x16xf32>,
        %swap3A_616 = vector.shape_cast %swap3A_615 : vector<1x16xf32> to vector<16xf32>
        %swap3A_617 = vector.shape_cast %mul3A_608 : vector<16xf32> to vector<1x16xf32>
        tpu.vector_store %swap3A_612[%swap3A_613, %swap3A_614], %swap3A_617 {strides = array<i32>} : memref<128x128xf32, #tpu.memory_space<vmem>>, vector<1x16xf32>,
        %get3A_618 = arith.constant 0 : i32
        %get3A_619 = arith.constant 0 : i32
        %get3A_620 = tpu.memref_slice %arg6[%scan3A_262, %get3A_618, %get3A_619] : memref<5x128x128xf32, #tpu.memory_space<vmem>> -> memref<1x128x128xf32, #tpu.memory_space<vmem>>
        %get3A_621 = tpu.memref_squeeze %get3A_620 : memref<1x128x128xf32, #tpu.memory_space<vmem>> -> memref<128x128xf32, #tpu.memory_space<vmem>>
        %get3A_622 = arith.index_cast %scan3A_537 : i32 to index
        %get3A_623 = arith.constant 64 : index
        %get3A_624 = tpu.vector_load %get3A_621[%get3A_622, %get3A_623] {strides = array<i32>} : memref<128x128xf32, #tpu.memory_space<vmem>>, vector<1x16xf32>,
        %get3A_625 = vector.shape_cast %get3A_624 : vector<1x16xf32> to vector<16xf32>
        %mul3A_626 = arith.constant 11.3137083 : f32
        %mul3A_627 = vector.broadcast %mul3A_626 : f32 to vector<16xf32>
        %mul3A_628 = arith.mulf %get3A_625, %mul3A_627 : vector<16xf32>
        %swap3A_629 = arith.constant 0 : i32
        %swap3A_630 = arith.constant 0 : i32
        %swap3A_631 = tpu.memref_slice %arg6[%scan3A_262, %swap3A_629, %swap3A_630] : memref<5x128x128xf32, #tpu.memory_space<vmem>> -> memref<1x128x128xf32, #tpu.memory_space<vmem>>
        %swap3A_632 = tpu.memref_squeeze %swap3A_631 : memref<1x128x128xf32, #tpu.memory_space<vmem>> -> memref<128x128xf32, #tpu.memory_space<vmem>>
        %swap3A_633 = arith.index_cast %scan3A_537 : i32 to index
        %swap3A_634 = arith.constant 64 : index
        %swap3A_635 = tpu.vector_load %swap3A_632[%swap3A_633, %swap3A_634] {strides = array<i32>} : memref<128x128xf32, #tpu.memory_space<vmem>>, vector<1x16xf32>,
        %swap3A_636 = vector.shape_cast %swap3A_635 : vector<1x16xf32> to vector<16xf32>
        %swap3A_637 = vector.shape_cast %mul3A_628 : vector<16xf32> to vector<1x16xf32>
        tpu.vector_store %swap3A_632[%swap3A_633, %swap3A_634], %swap3A_637 {strides = array<i32>} : memref<128x128xf32, #tpu.memory_space<vmem>>, vector<1x16xf32>,
        %get3A_638 = arith.constant 0 : i32
        %get3A_639 = arith.constant 0 : i32
        %get3A_640 = tpu.memref_slice %arg6[%scan3A_262, %get3A_638, %get3A_639] : memref<5x128x128xf32, #tpu.memory_space<vmem>> -> memref<1x128x128xf32, #tpu.memory_space<vmem>>
        %get3A_641 = tpu.memref_squeeze %get3A_640 : memref<1x128x128xf32, #tpu.memory_space<vmem>> -> memref<128x128xf32, #tpu.memory_space<vmem>>
        %get3A_642 = arith.index_cast %scan3A_537 : i32 to index
        %get3A_643 = arith.constant 80 : index
        %get3A_644 = tpu.vector_load %get3A_641[%get3A_642, %get3A_643] {strides = array<i32>} : memref<128x128xf32, #tpu.memory_space<vmem>>, vector<1x16xf32>,
        %get3A_645 = vector.shape_cast %get3A_644 : vector<1x16xf32> to vector<16xf32>
        %mul3A_646 = arith.constant 11.3137083 : f32
        %mul3A_647 = vector.broadcast %mul3A_646 : f32 to vector<16xf32>
        %mul3A_648 = arith.mulf %get3A_645, %mul3A_647 : vector<16xf32>
        %swap3A_649 = arith.constant 0 : i32
        %swap3A_650 = arith.constant 0 : i32
        %swap3A_651 = tpu.memref_slice %arg6[%scan3A_262, %swap3A_649, %swap3A_650] : memref<5x128x128xf32, #tpu.memory_space<vmem>> -> memref<1x128x128xf32, #tpu.memory_space<vmem>>
        %swap3A_652 = tpu.memref_squeeze %swap3A_651 : memref<1x128x128xf32, #tpu.memory_space<vmem>> -> memref<128x128xf32, #tpu.memory_space<vmem>>
        %swap3A_653 = arith.index_cast %scan3A_537 : i32 to index
        %swap3A_654 = arith.constant 80 : index
        %swap3A_655 = tpu.vector_load %swap3A_652[%swap3A_653, %swap3A_654] {strides = array<i32>} : memref<128x128xf32, #tpu.memory_space<vmem>>, vector<1x16xf32>,
        %swap3A_656 = vector.shape_cast %swap3A_655 : vector<1x16xf32> to vector<16xf32>
        %swap3A_657 = vector.shape_cast %mul3A_648 : vector<16xf32> to vector<1x16xf32>
        tpu.vector_store %swap3A_652[%swap3A_653, %swap3A_654], %swap3A_657 {strides = array<i32>} : memref<128x128xf32, #tpu.memory_space<vmem>>, vector<1x16xf32>,
        %get3A_658 = arith.constant 0 : i32
        %get3A_659 = arith.constant 0 : i32
        %get3A_660 = tpu.memref_slice %arg6[%scan3A_262, %get3A_658, %get3A_659] : memref<5x128x128xf32, #tpu.memory_space<vmem>> -> memref<1x128x128xf32, #tpu.memory_space<vmem>>
        %get3A_661 = tpu.memref_squeeze %get3A_660 : memref<1x128x128xf32, #tpu.memory_space<vmem>> -> memref<128x128xf32, #tpu.memory_space<vmem>>
        %get3A_662 = arith.index_cast %scan3A_537 : i32 to index
        %get3A_663 = arith.constant 96 : index
        %get3A_664 = tpu.vector_load %get3A_661[%get3A_662, %get3A_663] {strides = array<i32>} : memref<128x128xf32, #tpu.memory_space<vmem>>, vector<1x16xf32>,
        %get3A_665 = vector.shape_cast %get3A_664 : vector<1x16xf32> to vector<16xf32>
        %mul3A_666 = arith.constant 11.3137083 : f32
        %mul3A_667 = vector.broadcast %mul3A_666 : f32 to vector<16xf32>
        %mul3A_668 = arith.mulf %get3A_665, %mul3A_667 : vector<16xf32>
        %swap3A_669 = arith.constant 0 : i32
        %swap3A_670 = arith.constant 0 : i32
        %swap3A_671 = tpu.memref_slice %arg6[%scan3A_262, %swap3A_669, %swap3A_670] : memref<5x128x128xf32, #tpu.memory_space<vmem>> -> memref<1x128x128xf32, #tpu.memory_space<vmem>>
        %swap3A_672 = tpu.memref_squeeze %swap3A_671 : memref<1x128x128xf32, #tpu.memory_space<vmem>> -> memref<128x128xf32, #tpu.memory_space<vmem>>
        %swap3A_673 = arith.index_cast %scan3A_537 : i32 to index
        %swap3A_674 = arith.constant 96 : index
        %swap3A_675 = tpu.vector_load %swap3A_672[%swap3A_673, %swap3A_674] {strides = array<i32>} : memref<128x128xf32, #tpu.memory_space<vmem>>, vector<1x16xf32>,
        %swap3A_676 = vector.shape_cast %swap3A_675 : vector<1x16xf32> to vector<16xf32>
        %swap3A_677 = vector.shape_cast %mul3A_668 : vector<16xf32> to vector<1x16xf32>
        tpu.vector_store %swap3A_672[%swap3A_673, %swap3A_674], %swap3A_677 {strides = array<i32>} : memref<128x128xf32, #tpu.memory_space<vmem>>, vector<1x16xf32>,
        %get3A_678 = arith.constant 0 : i32
        %get3A_679 = arith.constant 0 : i32
        %get3A_680 = tpu.memref_slice %arg6[%scan3A_262, %get3A_678, %get3A_679] : memref<5x128x128xf32, #tpu.memory_space<vmem>> -> memref<1x128x128xf32, #tpu.memory_space<vmem>>
        %get3A_681 = tpu.memref_squeeze %get3A_680 : memref<1x128x128xf32, #tpu.memory_space<vmem>> -> memref<128x128xf32, #tpu.memory_space<vmem>>
        %get3A_682 = arith.index_cast %scan3A_537 : i32 to index
        %get3A_683 = arith.constant 112 : index
        %get3A_684 = tpu.vector_load %get3A_681[%get3A_682, %get3A_683] {strides = array<i32>} : memref<128x128xf32, #tpu.memory_space<vmem>>, vector<1x16xf32>,
        %get3A_685 = vector.shape_cast %get3A_684 : vector<1x16xf32> to vector<16xf32>
        %mul3A_686 = arith.constant 11.3137083 : f32
        %mul3A_687 = vector.broadcast %mul3A_686 : f32 to vector<16xf32>
        %mul3A_688 = arith.mulf %get3A_685, %mul3A_687 : vector<16xf32>
        %swap3A_689 = arith.constant 0 : i32
        %swap3A_690 = arith.constant 0 : i32
        %swap3A_691 = tpu.memref_slice %arg6[%scan3A_262, %swap3A_689, %swap3A_690] : memref<5x128x128xf32, #tpu.memory_space<vmem>> -> memref<1x128x128xf32, #tpu.memory_space<vmem>>
        %swap3A_692 = tpu.memref_squeeze %swap3A_691 : memref<1x128x128xf32, #tpu.memory_space<vmem>> -> memref<128x128xf32, #tpu.memory_space<vmem>>
        %swap3A_693 = arith.index_cast %scan3A_537 : i32 to index
        %swap3A_694 = arith.constant 112 : index
        %swap3A_695 = tpu.vector_load %swap3A_692[%swap3A_693, %swap3A_694] {strides = array<i32>} : memref<128x128xf32, #tpu.memory_space<vmem>>, vector<1x16xf32>,
        %swap3A_696 = vector.shape_cast %swap3A_695 : vector<1x16xf32> to vector<16xf32>
        %swap3A_697 = vector.shape_cast %mul3A_688 : vector<16xf32> to vector<1x16xf32>
        tpu.vector_store %swap3A_692[%swap3A_693, %swap3A_694], %swap3A_697 {strides = array<i32>} : memref<128x128xf32, #tpu.memory_space<vmem>>, vector<1x16xf32>,
      }
      %scan3A_267 = arith.constant 128 : i32
      %dma_start3A_268 = arith.constant 2 : i32
      %dma_start3A_269 = arith.constant 0 : i32
      %dma_start3A_270 = arith.constant 0 : i32
      %dma_start3A_271 = tpu.memref_slice %arg6[%dma_start3A_268, %dma_start3A_269, %dma_start3A_270] : memref<5x128x128xf32, #tpu.memory_space<vmem>> -> memref<1x128x128xf32, #tpu.memory_space<vmem>>
      %dma_start3A_272 = tpu.memref_squeeze %dma_start3A_271 : memref<1x128x128xf32, #tpu.memory_space<vmem>> -> memref<128x128xf32, #tpu.memory_space<vmem>>
      %dma_start3A_273 = arith.constant 0 : i32
      %dma_start3A_274 = tpu.memref_slice %arg4[%add3A_239, %mul3A_2, %dma_start3A_273] : memref<50x4096x128xf32, #tpu.memory_space<hbm>> -> memref<1x128x128xf32, #tpu.memory_space<hbm>>
      %dma_start3A_275 = tpu.memref_squeeze %dma_start3A_274 : memref<1x128x128xf32, #tpu.memory_space<hbm>> -> memref<128x128xf32, #tpu.memory_space<hbm>>
      %dma_start3A_276 = arith.constant 0 : i32
      %dma_start3A_277 = tpu.memref_slice %arg4[%add3A_239, %mul3A_2, %dma_start3A_276] : memref<50x4096x128xf32, #tpu.memory_space<hbm>> -> memref<1x128x128xf32, #tpu.memory_space<hbm>>
      %dma_start3A_278 = tpu.memref_squeeze %dma_start3A_277 : memref<1x128x128xf32, #tpu.memory_space<hbm>> -> memref<128x128xf32, #tpu.memory_space<hbm>>
      %dma_start3A_279 = arith.constant 0 : i32
      %dma_start3A_280 = arith.constant 0 : i32
      %dma_start3A_281 = tpu.memref_slice %arg6[%dma_start3A_268, %dma_start3A_279, %dma_start3A_280] : memref<5x128x128xf32, #tpu.memory_space<vmem>> -> memref<1x128x128xf32, #tpu.memory_space<vmem>>
      %dma_start3A_282 = tpu.memref_squeeze %dma_start3A_281 : memref<1x128x128xf32, #tpu.memory_space<vmem>> -> memref<128x128xf32, #tpu.memory_space<vmem>>
      tpu.enqueue_dma source(%dma_start3A_282 : memref<128x128xf32, #tpu.memory_space<vmem>>) target(%dma_start3A_278 : memref<128x128xf32, #tpu.memory_space<hbm>>) target_semaphore(%arg14 : memref<!tpu.dma_semaphore, #tpu.memory_space<semaphore_mem>>)
      %mul3A_283 = arith.constant 5 : i32
      %mul3A_284 = arith.muli %scan3A_146, %mul3A_283 : i32
      %add3A_285 = arith.constant 3 : i32
      %add3A_286 = arith.addi %mul3A_284, %add3A_285 : i32
      %add3A_287 = arith.constant 4 : i32
      %add3A_288 = arith.addi %add3A_286, %add3A_287 : i32
      %ge3A_289 = arith.constant 5 : i32
      %ge3A_290 = arith.cmpi sge, %add3A_288, %ge3A_289 : i32
      %lt3A_291 = arith.constant 50 : i32
      %lt3A_292 = arith.cmpi slt, %add3A_288, %lt3A_291 : i32
      %and3A_293 = arith.andi %ge3A_290, %lt3A_292 : i1
      %convert_element_type3A_294 = arith.extui %and3A_293 : i1 to i32
      %cond3A_295 = arith.constant 0 : i32
      %cond3A_296 = arith.cmpi ne, %convert_element_type3A_294, %cond3A_295 : i32
      scf.if %cond3A_296 {
        %sub3A = arith.constant 5 : i32
        %sub3A_377 = arith.subi %add3A_288, %sub3A : i32
        %dma_wait3A_378 = arith.constant 2 : i32
        %dma_wait3A_379 = arith.constant 0 : i32
        %dma_wait3A_380 = arith.constant 0 : i32
        %dma_wait3A_381 = tpu.memref_slice %arg6[%dma_wait3A_378, %dma_wait3A_379, %dma_wait3A_380] : memref<5x128x128xf32, #tpu.memory_space<vmem>> -> memref<1x128x128xf32, #tpu.memory_space<vmem>>
        %dma_wait3A_382 = tpu.memref_squeeze %dma_wait3A_381 : memref<1x128x128xf32, #tpu.memory_space<vmem>> -> memref<128x128xf32, #tpu.memory_space<vmem>>
        %dma_wait3A_383 = arith.constant 0 : i32
        %dma_wait3A_384 = tpu.memref_slice %arg4[%sub3A_377, %mul3A_2, %dma_wait3A_383] : memref<50x4096x128xf32, #tpu.memory_space<hbm>> -> memref<1x128x128xf32, #tpu.memory_space<hbm>>
        %dma_wait3A_385 = tpu.memref_squeeze %dma_wait3A_384 : memref<1x128x128xf32, #tpu.memory_space<hbm>> -> memref<128x128xf32, #tpu.memory_space<hbm>>
        %dma_wait3A_386 = arith.constant 0 : i32
        %dma_wait3A_387 = tpu.memref_slice %arg4[%sub3A_377, %mul3A_2, %dma_wait3A_386] : memref<50x4096x128xf32, #tpu.memory_space<hbm>> -> memref<1x128x128xf32, #tpu.memory_space<hbm>>
        %dma_wait3A_388 = tpu.memref_squeeze %dma_wait3A_387 : memref<1x128x128xf32, #tpu.memory_space<hbm>> -> memref<128x128xf32, #tpu.memory_space<hbm>>
        %dma_wait3A_389 = arith.constant 0 : i32
        %dma_wait3A_390 = arith.constant 0 : i32
        %dma_wait3A_391 = tpu.memref_slice %arg6[%dma_wait3A_378, %dma_wait3A_389, %dma_wait3A_390] : memref<5x128x128xf32, #tpu.memory_space<vmem>> -> memref<1x128x128xf32, #tpu.memory_space<vmem>>
        %dma_wait3A_392 = tpu.memref_squeeze %dma_wait3A_391 : memref<1x128x128xf32, #tpu.memory_space<vmem>> -> memref<128x128xf32, #tpu.memory_space<vmem>>
        tpu.wait_dma2 semaphore(%arg14 : memref<!tpu.dma_semaphore, #tpu.memory_space<semaphore_mem>>) src(%dma_wait3A_392 : memref<128x128xf32, #tpu.memory_space<vmem>>) dst(%dma_wait3A_388 : memref<128x128xf32, #tpu.memory_space<hbm>>)
        %dma_start3A_393 = arith.constant 2 : i32
        %dma_start3A_394 = arith.constant 0 : i32
        %dma_start3A_395 = arith.constant 0 : i32
        %dma_start3A_396 = tpu.memref_slice %arg6[%dma_start3A_393, %dma_start3A_394, %dma_start3A_395] : memref<5x128x128xf32, #tpu.memory_space<vmem>> -> memref<1x128x128xf32, #tpu.memory_space<vmem>>
        %dma_start3A_397 = tpu.memref_squeeze %dma_start3A_396 : memref<1x128x128xf32, #tpu.memory_space<vmem>> -> memref<128x128xf32, #tpu.memory_space<vmem>>
        %dma_start3A_398 = arith.constant 0 : i32
        %dma_start3A_399 = tpu.memref_slice %arg5[%add3A_288, %dma_start3A_398] : memref<50x128xi32, #tpu.memory_space<vmem>> -> memref<1x128xi32, #tpu.memory_space<vmem>>
        %dma_start3A_400 = tpu.memref_squeeze %dma_start3A_399 : memref<1x128xi32, #tpu.memory_space<vmem>> -> memref<128xi32, #tpu.memory_space<vmem>>
        %dma_start3A_401 = arith.constant 0 : i32
        %dma_start3A_402 = arith.constant 0 : i32
        %dma_start3A_403 = tpu.memref_slice %arg3[%dma_start3A_401, %dma_start3A_402] : memref<100000x128xf32, #tpu.memory_space<hbm>> -> memref<100000x128xf32, #tpu.memory_space<hbm>>
        tpu.enqueue_indirect_dma source(%dma_start3A_403 : memref<100000x128xf32, #tpu.memory_space<hbm>>) target(%dma_start3A_397 : memref<128x128xf32, #tpu.memory_space<vmem>>) offsets(%dma_start3A_400 : memref<128xi32, #tpu.memory_space<vmem>>) semaphore(%arg9 : memref<!tpu.dma_semaphore, #tpu.memory_space<semaphore_mem>>)
      } else {
      }
      %dma_wait3A_297 = arith.constant 3 : i32
      %dma_wait3A_298 = arith.constant 0 : i32
      %dma_wait3A_299 = arith.constant 0 : i32
      %dma_wait3A_300 = tpu.memref_slice %arg6[%dma_wait3A_297, %dma_wait3A_298, %dma_wait3A_299] : memref<5x128x128xf32, #tpu.memory_space<vmem>> -> memref<1x128x128xf32, #tpu.memory_space<vmem>>
      %dma_wait3A_301 = tpu.memref_squeeze %dma_wait3A_300 : memref<1x128x128xf32, #tpu.memory_space<vmem>> -> memref<128x128xf32, #tpu.memory_space<vmem>>
      %dma_wait3A_302 = arith.constant 0 : i32
      %dma_wait3A_303 = tpu.memref_slice %arg5[%add3A_286, %dma_wait3A_302] : memref<50x128xi32, #tpu.memory_space<vmem>> -> memref<1x128xi32, #tpu.memory_space<vmem>>
      %dma_wait3A_304 = tpu.memref_squeeze %dma_wait3A_303 : memref<1x128xi32, #tpu.memory_space<vmem>> -> memref<128xi32, #tpu.memory_space<vmem>>
      %dma_wait3A_305 = arith.constant 0 : i32
      %dma_wait3A_306 = arith.constant 0 : i32
      %dma_wait3A_307 = tpu.memref_slice %arg3[%dma_wait3A_305, %dma_wait3A_306] : memref<100000x128xf32, #tpu.memory_space<hbm>> -> memref<100000x128xf32, #tpu.memory_space<hbm>>
      tpu.wait_indirect_dma semaphore(%arg10 : memref<!tpu.dma_semaphore, #tpu.memory_space<semaphore_mem>>) src(%dma_wait3A_307 : memref<100000x128xf32, #tpu.memory_space<hbm>>) dst(%dma_wait3A_301 : memref<128x128xf32, #tpu.memory_space<vmem>>)
      %scan3A_308 = arith.constant 0 : i32
      %scan3A_309 = arith.constant 3 : i32
      %scan3A_310 = arith.constant 0 : i32
      %scan3A_311 = arith.constant 128 : i32
      %scan3A_312 = arith.addi %scan3A_310, %scan3A_311 : i32
      %scan3A_313 = arith.constant 2 : i32
      scf.for %scan3A_377 = %scan3A_310 to %scan3A_312 step %scan3A_313  : i32 {
        %get3A = arith.constant 0 : i32
        %get3A_378 = arith.constant 0 : i32
        %get3A_379 = tpu.memref_slice %arg6[%scan3A_309, %get3A, %get3A_378] : memref<5x128x128xf32, #tpu.memory_space<vmem>> -> memref<1x128x128xf32, #tpu.memory_space<vmem>>
        %get3A_380 = tpu.memref_squeeze %get3A_379 : memref<1x128x128xf32, #tpu.memory_space<vmem>> -> memref<128x128xf32, #tpu.memory_space<vmem>>
        %get3A_381 = arith.index_cast %scan3A_377 : i32 to index
        %get3A_382 = arith.constant 0 : index
        %get3A_383 = tpu.vector_load %get3A_380[%get3A_381, %get3A_382] {strides = array<i32>} : memref<128x128xf32, #tpu.memory_space<vmem>>, vector<1x16xf32>,
        %get3A_384 = vector.shape_cast %get3A_383 : vector<1x16xf32> to vector<16xf32>
        %mul3A_385 = arith.constant 11.3137083 : f32
        %mul3A_386 = vector.broadcast %mul3A_385 : f32 to vector<16xf32>
        %mul3A_387 = arith.mulf %get3A_384, %mul3A_386 : vector<16xf32>
        %swap3A = arith.constant 0 : i32
        %swap3A_388 = arith.constant 0 : i32
        %swap3A_389 = tpu.memref_slice %arg6[%scan3A_309, %swap3A, %swap3A_388] : memref<5x128x128xf32, #tpu.memory_space<vmem>> -> memref<1x128x128xf32, #tpu.memory_space<vmem>>
        %swap3A_390 = tpu.memref_squeeze %swap3A_389 : memref<1x128x128xf32, #tpu.memory_space<vmem>> -> memref<128x128xf32, #tpu.memory_space<vmem>>
        %swap3A_391 = arith.index_cast %scan3A_377 : i32 to index
        %swap3A_392 = arith.constant 0 : index
        %swap3A_393 = tpu.vector_load %swap3A_390[%swap3A_391, %swap3A_392] {strides = array<i32>} : memref<128x128xf32, #tpu.memory_space<vmem>>, vector<1x16xf32>,
        %swap3A_394 = vector.shape_cast %swap3A_393 : vector<1x16xf32> to vector<16xf32>
        %swap3A_395 = vector.shape_cast %mul3A_387 : vector<16xf32> to vector<1x16xf32>
        tpu.vector_store %swap3A_390[%swap3A_391, %swap3A_392], %swap3A_395 {strides = array<i32>} : memref<128x128xf32, #tpu.memory_space<vmem>>, vector<1x16xf32>,
        %get3A_396 = arith.constant 0 : i32
        %get3A_397 = arith.constant 0 : i32
        %get3A_398 = tpu.memref_slice %arg6[%scan3A_309, %get3A_396, %get3A_397] : memref<5x128x128xf32, #tpu.memory_space<vmem>> -> memref<1x128x128xf32, #tpu.memory_space<vmem>>
        %get3A_399 = tpu.memref_squeeze %get3A_398 : memref<1x128x128xf32, #tpu.memory_space<vmem>> -> memref<128x128xf32, #tpu.memory_space<vmem>>
        %get3A_400 = arith.index_cast %scan3A_377 : i32 to index
        %get3A_401 = arith.constant 16 : index
        %get3A_402 = tpu.vector_load %get3A_399[%get3A_400, %get3A_401] {strides = array<i32>} : memref<128x128xf32, #tpu.memory_space<vmem>>, vector<1x16xf32>,
        %get3A_403 = vector.shape_cast %get3A_402 : vector<1x16xf32> to vector<16xf32>
        %mul3A_404 = arith.constant 11.3137083 : f32
        %mul3A_405 = vector.broadcast %mul3A_404 : f32 to vector<16xf32>
        %mul3A_406 = arith.mulf %get3A_403, %mul3A_405 : vector<16xf32>
        %swap3A_407 = arith.constant 0 : i32
        %swap3A_408 = arith.constant 0 : i32
        %swap3A_409 = tpu.memref_slice %arg6[%scan3A_309, %swap3A_407, %swap3A_408] : memref<5x128x128xf32, #tpu.memory_space<vmem>> -> memref<1x128x128xf32, #tpu.memory_space<vmem>>
        %swap3A_410 = tpu.memref_squeeze %swap3A_409 : memref<1x128x128xf32, #tpu.memory_space<vmem>> -> memref<128x128xf32, #tpu.memory_space<vmem>>
        %swap3A_411 = arith.index_cast %scan3A_377 : i32 to index
        %swap3A_412 = arith.constant 16 : index
        %swap3A_413 = tpu.vector_load %swap3A_410[%swap3A_411, %swap3A_412] {strides = array<i32>} : memref<128x128xf32, #tpu.memory_space<vmem>>, vector<1x16xf32>,
        %swap3A_414 = vector.shape_cast %swap3A_413 : vector<1x16xf32> to vector<16xf32>
        %swap3A_415 = vector.shape_cast %mul3A_406 : vector<16xf32> to vector<1x16xf32>
        tpu.vector_store %swap3A_410[%swap3A_411, %swap3A_412], %swap3A_415 {strides = array<i32>} : memref<128x128xf32, #tpu.memory_space<vmem>>, vector<1x16xf32>,
        %get3A_416 = arith.constant 0 : i32
        %get3A_417 = arith.constant 0 : i32
        %get3A_418 = tpu.memref_slice %arg6[%scan3A_309, %get3A_416, %get3A_417] : memref<5x128x128xf32, #tpu.memory_space<vmem>> -> memref<1x128x128xf32, #tpu.memory_space<vmem>>
        %get3A_419 = tpu.memref_squeeze %get3A_418 : memref<1x128x128xf32, #tpu.memory_space<vmem>> -> memref<128x128xf32, #tpu.memory_space<vmem>>
        %get3A_420 = arith.index_cast %scan3A_377 : i32 to index
        %get3A_421 = arith.constant 32 : index
        %get3A_422 = tpu.vector_load %get3A_419[%get3A_420, %get3A_421] {strides = array<i32>} : memref<128x128xf32, #tpu.memory_space<vmem>>, vector<1x16xf32>,
        %get3A_423 = vector.shape_cast %get3A_422 : vector<1x16xf32> to vector<16xf32>
        %mul3A_424 = arith.constant 11.3137083 : f32
        %mul3A_425 = vector.broadcast %mul3A_424 : f32 to vector<16xf32>
        %mul3A_426 = arith.mulf %get3A_423, %mul3A_425 : vector<16xf32>
        %swap3A_427 = arith.constant 0 : i32
        %swap3A_428 = arith.constant 0 : i32
        %swap3A_429 = tpu.memref_slice %arg6[%scan3A_309, %swap3A_427, %swap3A_428] : memref<5x128x128xf32, #tpu.memory_space<vmem>> -> memref<1x128x128xf32, #tpu.memory_space<vmem>>
        %swap3A_430 = tpu.memref_squeeze %swap3A_429 : memref<1x128x128xf32, #tpu.memory_space<vmem>> -> memref<128x128xf32, #tpu.memory_space<vmem>>
        %swap3A_431 = arith.index_cast %scan3A_377 : i32 to index
        %swap3A_432 = arith.constant 32 : index
        %swap3A_433 = tpu.vector_load %swap3A_430[%swap3A_431, %swap3A_432] {strides = array<i32>} : memref<128x128xf32, #tpu.memory_space<vmem>>, vector<1x16xf32>,
        %swap3A_434 = vector.shape_cast %swap3A_433 : vector<1x16xf32> to vector<16xf32>
        %swap3A_435 = vector.shape_cast %mul3A_426 : vector<16xf32> to vector<1x16xf32>
        tpu.vector_store %swap3A_430[%swap3A_431, %swap3A_432], %swap3A_435 {strides = array<i32>} : memref<128x128xf32, #tpu.memory_space<vmem>>, vector<1x16xf32>,
        %get3A_436 = arith.constant 0 : i32
        %get3A_437 = arith.constant 0 : i32
        %get3A_438 = tpu.memref_slice %arg6[%scan3A_309, %get3A_436, %get3A_437] : memref<5x128x128xf32, #tpu.memory_space<vmem>> -> memref<1x128x128xf32, #tpu.memory_space<vmem>>
        %get3A_439 = tpu.memref_squeeze %get3A_438 : memref<1x128x128xf32, #tpu.memory_space<vmem>> -> memref<128x128xf32, #tpu.memory_space<vmem>>
        %get3A_440 = arith.index_cast %scan3A_377 : i32 to index
        %get3A_441 = arith.constant 48 : index
        %get3A_442 = tpu.vector_load %get3A_439[%get3A_440, %get3A_441] {strides = array<i32>} : memref<128x128xf32, #tpu.memory_space<vmem>>, vector<1x16xf32>,
        %get3A_443 = vector.shape_cast %get3A_442 : vector<1x16xf32> to vector<16xf32>
        %mul3A_444 = arith.constant 11.3137083 : f32
        %mul3A_445 = vector.broadcast %mul3A_444 : f32 to vector<16xf32>
        %mul3A_446 = arith.mulf %get3A_443, %mul3A_445 : vector<16xf32>
        %swap3A_447 = arith.constant 0 : i32
        %swap3A_448 = arith.constant 0 : i32
        %swap3A_449 = tpu.memref_slice %arg6[%scan3A_309, %swap3A_447, %swap3A_448] : memref<5x128x128xf32, #tpu.memory_space<vmem>> -> memref<1x128x128xf32, #tpu.memory_space<vmem>>
        %swap3A_450 = tpu.memref_squeeze %swap3A_449 : memref<1x128x128xf32, #tpu.memory_space<vmem>> -> memref<128x128xf32, #tpu.memory_space<vmem>>
        %swap3A_451 = arith.index_cast %scan3A_377 : i32 to index
        %swap3A_452 = arith.constant 48 : index
        %swap3A_453 = tpu.vector_load %swap3A_450[%swap3A_451, %swap3A_452] {strides = array<i32>} : memref<128x128xf32, #tpu.memory_space<vmem>>, vector<1x16xf32>,
        %swap3A_454 = vector.shape_cast %swap3A_453 : vector<1x16xf32> to vector<16xf32>
        %swap3A_455 = vector.shape_cast %mul3A_446 : vector<16xf32> to vector<1x16xf32>
        tpu.vector_store %swap3A_450[%swap3A_451, %swap3A_452], %swap3A_455 {strides = array<i32>} : memref<128x128xf32, #tpu.memory_space<vmem>>, vector<1x16xf32>,
        %get3A_456 = arith.constant 0 : i32
        %get3A_457 = arith.constant 0 : i32
        %get3A_458 = tpu.memref_slice %arg6[%scan3A_309, %get3A_456, %get3A_457] : memref<5x128x128xf32, #tpu.memory_space<vmem>> -> memref<1x128x128xf32, #tpu.memory_space<vmem>>
        %get3A_459 = tpu.memref_squeeze %get3A_458 : memref<1x128x128xf32, #tpu.memory_space<vmem>> -> memref<128x128xf32, #tpu.memory_space<vmem>>
        %get3A_460 = arith.index_cast %scan3A_377 : i32 to index
        %get3A_461 = arith.constant 64 : index
        %get3A_462 = tpu.vector_load %get3A_459[%get3A_460, %get3A_461] {strides = array<i32>} : memref<128x128xf32, #tpu.memory_space<vmem>>, vector<1x16xf32>,
        %get3A_463 = vector.shape_cast %get3A_462 : vector<1x16xf32> to vector<16xf32>
        %mul3A_464 = arith.constant 11.3137083 : f32
        %mul3A_465 = vector.broadcast %mul3A_464 : f32 to vector<16xf32>
        %mul3A_466 = arith.mulf %get3A_463, %mul3A_465 : vector<16xf32>
        %swap3A_467 = arith.constant 0 : i32
        %swap3A_468 = arith.constant 0 : i32
        %swap3A_469 = tpu.memref_slice %arg6[%scan3A_309, %swap3A_467, %swap3A_468] : memref<5x128x128xf32, #tpu.memory_space<vmem>> -> memref<1x128x128xf32, #tpu.memory_space<vmem>>
        %swap3A_470 = tpu.memref_squeeze %swap3A_469 : memref<1x128x128xf32, #tpu.memory_space<vmem>> -> memref<128x128xf32, #tpu.memory_space<vmem>>
        %swap3A_471 = arith.index_cast %scan3A_377 : i32 to index
        %swap3A_472 = arith.constant 64 : index
        %swap3A_473 = tpu.vector_load %swap3A_470[%swap3A_471, %swap3A_472] {strides = array<i32>} : memref<128x128xf32, #tpu.memory_space<vmem>>, vector<1x16xf32>,
        %swap3A_474 = vector.shape_cast %swap3A_473 : vector<1x16xf32> to vector<16xf32>
        %swap3A_475 = vector.shape_cast %mul3A_466 : vector<16xf32> to vector<1x16xf32>
        tpu.vector_store %swap3A_470[%swap3A_471, %swap3A_472], %swap3A_475 {strides = array<i32>} : memref<128x128xf32, #tpu.memory_space<vmem>>, vector<1x16xf32>,
        %get3A_476 = arith.constant 0 : i32
        %get3A_477 = arith.constant 0 : i32
        %get3A_478 = tpu.memref_slice %arg6[%scan3A_309, %get3A_476, %get3A_477] : memref<5x128x128xf32, #tpu.memory_space<vmem>> -> memref<1x128x128xf32, #tpu.memory_space<vmem>>
        %get3A_479 = tpu.memref_squeeze %get3A_478 : memref<1x128x128xf32, #tpu.memory_space<vmem>> -> memref<128x128xf32, #tpu.memory_space<vmem>>
        %get3A_480 = arith.index_cast %scan3A_377 : i32 to index
        %get3A_481 = arith.constant 80 : index
        %get3A_482 = tpu.vector_load %get3A_479[%get3A_480, %get3A_481] {strides = array<i32>} : memref<128x128xf32, #tpu.memory_space<vmem>>, vector<1x16xf32>,
        %get3A_483 = vector.shape_cast %get3A_482 : vector<1x16xf32> to vector<16xf32>
        %mul3A_484 = arith.constant 11.3137083 : f32
        %mul3A_485 = vector.broadcast %mul3A_484 : f32 to vector<16xf32>
        %mul3A_486 = arith.mulf %get3A_483, %mul3A_485 : vector<16xf32>
        %swap3A_487 = arith.constant 0 : i32
        %swap3A_488 = arith.constant 0 : i32
        %swap3A_489 = tpu.memref_slice %arg6[%scan3A_309, %swap3A_487, %swap3A_488] : memref<5x128x128xf32, #tpu.memory_space<vmem>> -> memref<1x128x128xf32, #tpu.memory_space<vmem>>
        %swap3A_490 = tpu.memref_squeeze %swap3A_489 : memref<1x128x128xf32, #tpu.memory_space<vmem>> -> memref<128x128xf32, #tpu.memory_space<vmem>>
        %swap3A_491 = arith.index_cast %scan3A_377 : i32 to index
        %swap3A_492 = arith.constant 80 : index
        %swap3A_493 = tpu.vector_load %swap3A_490[%swap3A_491, %swap3A_492] {strides = array<i32>} : memref<128x128xf32, #tpu.memory_space<vmem>>, vector<1x16xf32>,
        %swap3A_494 = vector.shape_cast %swap3A_493 : vector<1x16xf32> to vector<16xf32>
        %swap3A_495 = vector.shape_cast %mul3A_486 : vector<16xf32> to vector<1x16xf32>
        tpu.vector_store %swap3A_490[%swap3A_491, %swap3A_492], %swap3A_495 {strides = array<i32>} : memref<128x128xf32, #tpu.memory_space<vmem>>, vector<1x16xf32>,
        %get3A_496 = arith.constant 0 : i32
        %get3A_497 = arith.constant 0 : i32
        %get3A_498 = tpu.memref_slice %arg6[%scan3A_309, %get3A_496, %get3A_497] : memref<5x128x128xf32, #tpu.memory_space<vmem>> -> memref<1x128x128xf32, #tpu.memory_space<vmem>>
        %get3A_499 = tpu.memref_squeeze %get3A_498 : memref<1x128x128xf32, #tpu.memory_space<vmem>> -> memref<128x128xf32, #tpu.memory_space<vmem>>
        %get3A_500 = arith.index_cast %scan3A_377 : i32 to index
        %get3A_501 = arith.constant 96 : index
        %get3A_502 = tpu.vector_load %get3A_499[%get3A_500, %get3A_501] {strides = array<i32>} : memref<128x128xf32, #tpu.memory_space<vmem>>, vector<1x16xf32>,
        %get3A_503 = vector.shape_cast %get3A_502 : vector<1x16xf32> to vector<16xf32>
        %mul3A_504 = arith.constant 11.3137083 : f32
        %mul3A_505 = vector.broadcast %mul3A_504 : f32 to vector<16xf32>
        %mul3A_506 = arith.mulf %get3A_503, %mul3A_505 : vector<16xf32>
        %swap3A_507 = arith.constant 0 : i32
        %swap3A_508 = arith.constant 0 : i32
        %swap3A_509 = tpu.memref_slice %arg6[%scan3A_309, %swap3A_507, %swap3A_508] : memref<5x128x128xf32, #tpu.memory_space<vmem>> -> memref<1x128x128xf32, #tpu.memory_space<vmem>>
        %swap3A_510 = tpu.memref_squeeze %swap3A_509 : memref<1x128x128xf32, #tpu.memory_space<vmem>> -> memref<128x128xf32, #tpu.memory_space<vmem>>
        %swap3A_511 = arith.index_cast %scan3A_377 : i32 to index
        %swap3A_512 = arith.constant 96 : index
        %swap3A_513 = tpu.vector_load %swap3A_510[%swap3A_511, %swap3A_512] {strides = array<i32>} : memref<128x128xf32, #tpu.memory_space<vmem>>, vector<1x16xf32>,
        %swap3A_514 = vector.shape_cast %swap3A_513 : vector<1x16xf32> to vector<16xf32>
        %swap3A_515 = vector.shape_cast %mul3A_506 : vector<16xf32> to vector<1x16xf32>
        tpu.vector_store %swap3A_510[%swap3A_511, %swap3A_512], %swap3A_515 {strides = array<i32>} : memref<128x128xf32, #tpu.memory_space<vmem>>, vector<1x16xf32>,
        %get3A_516 = arith.constant 0 : i32
        %get3A_517 = arith.constant 0 : i32
        %get3A_518 = tpu.memref_slice %arg6[%scan3A_309, %get3A_516, %get3A_517] : memref<5x128x128xf32, #tpu.memory_space<vmem>> -> memref<1x128x128xf32, #tpu.memory_space<vmem>>
        %get3A_519 = tpu.memref_squeeze %get3A_518 : memref<1x128x128xf32, #tpu.memory_space<vmem>> -> memref<128x128xf32, #tpu.memory_space<vmem>>
        %get3A_520 = arith.index_cast %scan3A_377 : i32 to index
        %get3A_521 = arith.constant 112 : index
        %get3A_522 = tpu.vector_load %get3A_519[%get3A_520, %get3A_521] {strides = array<i32>} : memref<128x128xf32, #tpu.memory_space<vmem>>, vector<1x16xf32>,
        %get3A_523 = vector.shape_cast %get3A_522 : vector<1x16xf32> to vector<16xf32>
        %mul3A_524 = arith.constant 11.3137083 : f32
        %mul3A_525 = vector.broadcast %mul3A_524 : f32 to vector<16xf32>
        %mul3A_526 = arith.mulf %get3A_523, %mul3A_525 : vector<16xf32>
        %swap3A_527 = arith.constant 0 : i32
        %swap3A_528 = arith.constant 0 : i32
        %swap3A_529 = tpu.memref_slice %arg6[%scan3A_309, %swap3A_527, %swap3A_528] : memref<5x128x128xf32, #tpu.memory_space<vmem>> -> memref<1x128x128xf32, #tpu.memory_space<vmem>>
        %swap3A_530 = tpu.memref_squeeze %swap3A_529 : memref<1x128x128xf32, #tpu.memory_space<vmem>> -> memref<128x128xf32, #tpu.memory_space<vmem>>
        %swap3A_531 = arith.index_cast %scan3A_377 : i32 to index
        %swap3A_532 = arith.constant 112 : index
        %swap3A_533 = tpu.vector_load %swap3A_530[%swap3A_531, %swap3A_532] {strides = array<i32>} : memref<128x128xf32, #tpu.memory_space<vmem>>, vector<1x16xf32>,
        %swap3A_534 = vector.shape_cast %swap3A_533 : vector<1x16xf32> to vector<16xf32>
        %swap3A_535 = vector.shape_cast %mul3A_526 : vector<16xf32> to vector<1x16xf32>
        tpu.vector_store %swap3A_530[%swap3A_531, %swap3A_532], %swap3A_535 {strides = array<i32>} : memref<128x128xf32, #tpu.memory_space<vmem>>, vector<1x16xf32>,
        %scan3A_536 = arith.constant 1 : i32
        %scan3A_537 = arith.addi %scan3A_377, %scan3A_536 : i32
        %get3A_538 = arith.constant 0 : i32
        %get3A_539 = arith.constant 0 : i32
        %get3A_540 = tpu.memref_slice %arg6[%scan3A_309, %get3A_538, %get3A_539] : memref<5x128x128xf32, #tpu.memory_space<vmem>> -> memref<1x128x128xf32, #tpu.memory_space<vmem>>
        %get3A_541 = tpu.memref_squeeze %get3A_540 : memref<1x128x128xf32, #tpu.memory_space<vmem>> -> memref<128x128xf32, #tpu.memory_space<vmem>>
        %get3A_542 = arith.index_cast %scan3A_537 : i32 to index
        %get3A_543 = arith.constant 0 : index
        %get3A_544 = tpu.vector_load %get3A_541[%get3A_542, %get3A_543] {strides = array<i32>} : memref<128x128xf32, #tpu.memory_space<vmem>>, vector<1x16xf32>,
        %get3A_545 = vector.shape_cast %get3A_544 : vector<1x16xf32> to vector<16xf32>
        %mul3A_546 = arith.constant 11.3137083 : f32
        %mul3A_547 = vector.broadcast %mul3A_546 : f32 to vector<16xf32>
        %mul3A_548 = arith.mulf %get3A_545, %mul3A_547 : vector<16xf32>
        %swap3A_549 = arith.constant 0 : i32
        %swap3A_550 = arith.constant 0 : i32
        %swap3A_551 = tpu.memref_slice %arg6[%scan3A_309, %swap3A_549, %swap3A_550] : memref<5x128x128xf32, #tpu.memory_space<vmem>> -> memref<1x128x128xf32, #tpu.memory_space<vmem>>
        %swap3A_552 = tpu.memref_squeeze %swap3A_551 : memref<1x128x128xf32, #tpu.memory_space<vmem>> -> memref<128x128xf32, #tpu.memory_space<vmem>>
        %swap3A_553 = arith.index_cast %scan3A_537 : i32 to index
        %swap3A_554 = arith.constant 0 : index
        %swap3A_555 = tpu.vector_load %swap3A_552[%swap3A_553, %swap3A_554] {strides = array<i32>} : memref<128x128xf32, #tpu.memory_space<vmem>>, vector<1x16xf32>,
        %swap3A_556 = vector.shape_cast %swap3A_555 : vector<1x16xf32> to vector<16xf32>
        %swap3A_557 = vector.shape_cast %mul3A_548 : vector<16xf32> to vector<1x16xf32>
        tpu.vector_store %swap3A_552[%swap3A_553, %swap3A_554], %swap3A_557 {strides = array<i32>} : memref<128x128xf32, #tpu.memory_space<vmem>>, vector<1x16xf32>,
        %get3A_558 = arith.constant 0 : i32
        %get3A_559 = arith.constant 0 : i32
        %get3A_560 = tpu.memref_slice %arg6[%scan3A_309, %get3A_558, %get3A_559] : memref<5x128x128xf32, #tpu.memory_space<vmem>> -> memref<1x128x128xf32, #tpu.memory_space<vmem>>
        %get3A_561 = tpu.memref_squeeze %get3A_560 : memref<1x128x128xf32, #tpu.memory_space<vmem>> -> memref<128x128xf32, #tpu.memory_space<vmem>>
        %get3A_562 = arith.index_cast %scan3A_537 : i32 to index
        %get3A_563 = arith.constant 16 : index
        %get3A_564 = tpu.vector_load %get3A_561[%get3A_562, %get3A_563] {strides = array<i32>} : memref<128x128xf32, #tpu.memory_space<vmem>>, vector<1x16xf32>,
        %get3A_565 = vector.shape_cast %get3A_564 : vector<1x16xf32> to vector<16xf32>
        %mul3A_566 = arith.constant 11.3137083 : f32
        %mul3A_567 = vector.broadcast %mul3A_566 : f32 to vector<16xf32>
        %mul3A_568 = arith.mulf %get3A_565, %mul3A_567 : vector<16xf32>
        %swap3A_569 = arith.constant 0 : i32
        %swap3A_570 = arith.constant 0 : i32
        %swap3A_571 = tpu.memref_slice %arg6[%scan3A_309, %swap3A_569, %swap3A_570] : memref<5x128x128xf32, #tpu.memory_space<vmem>> -> memref<1x128x128xf32, #tpu.memory_space<vmem>>
        %swap3A_572 = tpu.memref_squeeze %swap3A_571 : memref<1x128x128xf32, #tpu.memory_space<vmem>> -> memref<128x128xf32, #tpu.memory_space<vmem>>
        %swap3A_573 = arith.index_cast %scan3A_537 : i32 to index
        %swap3A_574 = arith.constant 16 : index
        %swap3A_575 = tpu.vector_load %swap3A_572[%swap3A_573, %swap3A_574] {strides = array<i32>} : memref<128x128xf32, #tpu.memory_space<vmem>>, vector<1x16xf32>,
        %swap3A_576 = vector.shape_cast %swap3A_575 : vector<1x16xf32> to vector<16xf32>
        %swap3A_577 = vector.shape_cast %mul3A_568 : vector<16xf32> to vector<1x16xf32>
        tpu.vector_store %swap3A_572[%swap3A_573, %swap3A_574], %swap3A_577 {strides = array<i32>} : memref<128x128xf32, #tpu.memory_space<vmem>>, vector<1x16xf32>,
        %get3A_578 = arith.constant 0 : i32
        %get3A_579 = arith.constant 0 : i32
        %get3A_580 = tpu.memref_slice %arg6[%scan3A_309, %get3A_578, %get3A_579] : memref<5x128x128xf32, #tpu.memory_space<vmem>> -> memref<1x128x128xf32, #tpu.memory_space<vmem>>
        %get3A_581 = tpu.memref_squeeze %get3A_580 : memref<1x128x128xf32, #tpu.memory_space<vmem>> -> memref<128x128xf32, #tpu.memory_space<vmem>>
        %get3A_582 = arith.index_cast %scan3A_537 : i32 to index
        %get3A_583 = arith.constant 32 : index
        %get3A_584 = tpu.vector_load %get3A_581[%get3A_582, %get3A_583] {strides = array<i32>} : memref<128x128xf32, #tpu.memory_space<vmem>>, vector<1x16xf32>,
        %get3A_585 = vector.shape_cast %get3A_584 : vector<1x16xf32> to vector<16xf32>
        %mul3A_586 = arith.constant 11.3137083 : f32
        %mul3A_587 = vector.broadcast %mul3A_586 : f32 to vector<16xf32>
        %mul3A_588 = arith.mulf %get3A_585, %mul3A_587 : vector<16xf32>
        %swap3A_589 = arith.constant 0 : i32
        %swap3A_590 = arith.constant 0 : i32
        %swap3A_591 = tpu.memref_slice %arg6[%scan3A_309, %swap3A_589, %swap3A_590] : memref<5x128x128xf32, #tpu.memory_space<vmem>> -> memref<1x128x128xf32, #tpu.memory_space<vmem>>
        %swap3A_592 = tpu.memref_squeeze %swap3A_591 : memref<1x128x128xf32, #tpu.memory_space<vmem>> -> memref<128x128xf32, #tpu.memory_space<vmem>>
        %swap3A_593 = arith.index_cast %scan3A_537 : i32 to index
        %swap3A_594 = arith.constant 32 : index
        %swap3A_595 = tpu.vector_load %swap3A_592[%swap3A_593, %swap3A_594] {strides = array<i32>} : memref<128x128xf32, #tpu.memory_space<vmem>>, vector<1x16xf32>,
        %swap3A_596 = vector.shape_cast %swap3A_595 : vector<1x16xf32> to vector<16xf32>
        %swap3A_597 = vector.shape_cast %mul3A_588 : vector<16xf32> to vector<1x16xf32>
        tpu.vector_store %swap3A_592[%swap3A_593, %swap3A_594], %swap3A_597 {strides = array<i32>} : memref<128x128xf32, #tpu.memory_space<vmem>>, vector<1x16xf32>,
        %get3A_598 = arith.constant 0 : i32
        %get3A_599 = arith.constant 0 : i32
        %get3A_600 = tpu.memref_slice %arg6[%scan3A_309, %get3A_598, %get3A_599] : memref<5x128x128xf32, #tpu.memory_space<vmem>> -> memref<1x128x128xf32, #tpu.memory_space<vmem>>
        %get3A_601 = tpu.memref_squeeze %get3A_600 : memref<1x128x128xf32, #tpu.memory_space<vmem>> -> memref<128x128xf32, #tpu.memory_space<vmem>>
        %get3A_602 = arith.index_cast %scan3A_537 : i32 to index
        %get3A_603 = arith.constant 48 : index
        %get3A_604 = tpu.vector_load %get3A_601[%get3A_602, %get3A_603] {strides = array<i32>} : memref<128x128xf32, #tpu.memory_space<vmem>>, vector<1x16xf32>,
        %get3A_605 = vector.shape_cast %get3A_604 : vector<1x16xf32> to vector<16xf32>
        %mul3A_606 = arith.constant 11.3137083 : f32
        %mul3A_607 = vector.broadcast %mul3A_606 : f32 to vector<16xf32>
        %mul3A_608 = arith.mulf %get3A_605, %mul3A_607 : vector<16xf32>
        %swap3A_609 = arith.constant 0 : i32
        %swap3A_610 = arith.constant 0 : i32
        %swap3A_611 = tpu.memref_slice %arg6[%scan3A_309, %swap3A_609, %swap3A_610] : memref<5x128x128xf32, #tpu.memory_space<vmem>> -> memref<1x128x128xf32, #tpu.memory_space<vmem>>
        %swap3A_612 = tpu.memref_squeeze %swap3A_611 : memref<1x128x128xf32, #tpu.memory_space<vmem>> -> memref<128x128xf32, #tpu.memory_space<vmem>>
        %swap3A_613 = arith.index_cast %scan3A_537 : i32 to index
        %swap3A_614 = arith.constant 48 : index
        %swap3A_615 = tpu.vector_load %swap3A_612[%swap3A_613, %swap3A_614] {strides = array<i32>} : memref<128x128xf32, #tpu.memory_space<vmem>>, vector<1x16xf32>,
        %swap3A_616 = vector.shape_cast %swap3A_615 : vector<1x16xf32> to vector<16xf32>
        %swap3A_617 = vector.shape_cast %mul3A_608 : vector<16xf32> to vector<1x16xf32>
        tpu.vector_store %swap3A_612[%swap3A_613, %swap3A_614], %swap3A_617 {strides = array<i32>} : memref<128x128xf32, #tpu.memory_space<vmem>>, vector<1x16xf32>,
        %get3A_618 = arith.constant 0 : i32
        %get3A_619 = arith.constant 0 : i32
        %get3A_620 = tpu.memref_slice %arg6[%scan3A_309, %get3A_618, %get3A_619] : memref<5x128x128xf32, #tpu.memory_space<vmem>> -> memref<1x128x128xf32, #tpu.memory_space<vmem>>
        %get3A_621 = tpu.memref_squeeze %get3A_620 : memref<1x128x128xf32, #tpu.memory_space<vmem>> -> memref<128x128xf32, #tpu.memory_space<vmem>>
        %get3A_622 = arith.index_cast %scan3A_537 : i32 to index
        %get3A_623 = arith.constant 64 : index
        %get3A_624 = tpu.vector_load %get3A_621[%get3A_622, %get3A_623] {strides = array<i32>} : memref<128x128xf32, #tpu.memory_space<vmem>>, vector<1x16xf32>,
        %get3A_625 = vector.shape_cast %get3A_624 : vector<1x16xf32> to vector<16xf32>
        %mul3A_626 = arith.constant 11.3137083 : f32
        %mul3A_627 = vector.broadcast %mul3A_626 : f32 to vector<16xf32>
        %mul3A_628 = arith.mulf %get3A_625, %mul3A_627 : vector<16xf32>
        %swap3A_629 = arith.constant 0 : i32
        %swap3A_630 = arith.constant 0 : i32
        %swap3A_631 = tpu.memref_slice %arg6[%scan3A_309, %swap3A_629, %swap3A_630] : memref<5x128x128xf32, #tpu.memory_space<vmem>> -> memref<1x128x128xf32, #tpu.memory_space<vmem>>
        %swap3A_632 = tpu.memref_squeeze %swap3A_631 : memref<1x128x128xf32, #tpu.memory_space<vmem>> -> memref<128x128xf32, #tpu.memory_space<vmem>>
        %swap3A_633 = arith.index_cast %scan3A_537 : i32 to index
        %swap3A_634 = arith.constant 64 : index
        %swap3A_635 = tpu.vector_load %swap3A_632[%swap3A_633, %swap3A_634] {strides = array<i32>} : memref<128x128xf32, #tpu.memory_space<vmem>>, vector<1x16xf32>,
        %swap3A_636 = vector.shape_cast %swap3A_635 : vector<1x16xf32> to vector<16xf32>
        %swap3A_637 = vector.shape_cast %mul3A_628 : vector<16xf32> to vector<1x16xf32>
        tpu.vector_store %swap3A_632[%swap3A_633, %swap3A_634], %swap3A_637 {strides = array<i32>} : memref<128x128xf32, #tpu.memory_space<vmem>>, vector<1x16xf32>,
        %get3A_638 = arith.constant 0 : i32
        %get3A_639 = arith.constant 0 : i32
        %get3A_640 = tpu.memref_slice %arg6[%scan3A_309, %get3A_638, %get3A_639] : memref<5x128x128xf32, #tpu.memory_space<vmem>> -> memref<1x128x128xf32, #tpu.memory_space<vmem>>
        %get3A_641 = tpu.memref_squeeze %get3A_640 : memref<1x128x128xf32, #tpu.memory_space<vmem>> -> memref<128x128xf32, #tpu.memory_space<vmem>>
        %get3A_642 = arith.index_cast %scan3A_537 : i32 to index
        %get3A_643 = arith.constant 80 : index
        %get3A_644 = tpu.vector_load %get3A_641[%get3A_642, %get3A_643] {strides = array<i32>} : memref<128x128xf32, #tpu.memory_space<vmem>>, vector<1x16xf32>,
        %get3A_645 = vector.shape_cast %get3A_644 : vector<1x16xf32> to vector<16xf32>
        %mul3A_646 = arith.constant 11.3137083 : f32
        %mul3A_647 = vector.broadcast %mul3A_646 : f32 to vector<16xf32>
        %mul3A_648 = arith.mulf %get3A_645, %mul3A_647 : vector<16xf32>
        %swap3A_649 = arith.constant 0 : i32
        %swap3A_650 = arith.constant 0 : i32
        %swap3A_651 = tpu.memref_slice %arg6[%scan3A_309, %swap3A_649, %swap3A_650] : memref<5x128x128xf32, #tpu.memory_space<vmem>> -> memref<1x128x128xf32, #tpu.memory_space<vmem>>
        %swap3A_652 = tpu.memref_squeeze %swap3A_651 : memref<1x128x128xf32, #tpu.memory_space<vmem>> -> memref<128x128xf32, #tpu.memory_space<vmem>>
        %swap3A_653 = arith.index_cast %scan3A_537 : i32 to index
        %swap3A_654 = arith.constant 80 : index
        %swap3A_655 = tpu.vector_load %swap3A_652[%swap3A_653, %swap3A_654] {strides = array<i32>} : memref<128x128xf32, #tpu.memory_space<vmem>>, vector<1x16xf32>,
        %swap3A_656 = vector.shape_cast %swap3A_655 : vector<1x16xf32> to vector<16xf32>
        %swap3A_657 = vector.shape_cast %mul3A_648 : vector<16xf32> to vector<1x16xf32>
        tpu.vector_store %swap3A_652[%swap3A_653, %swap3A_654], %swap3A_657 {strides = array<i32>} : memref<128x128xf32, #tpu.memory_space<vmem>>, vector<1x16xf32>,
        %get3A_658 = arith.constant 0 : i32
        %get3A_659 = arith.constant 0 : i32
        %get3A_660 = tpu.memref_slice %arg6[%scan3A_309, %get3A_658, %get3A_659] : memref<5x128x128xf32, #tpu.memory_space<vmem>> -> memref<1x128x128xf32, #tpu.memory_space<vmem>>
        %get3A_661 = tpu.memref_squeeze %get3A_660 : memref<1x128x128xf32, #tpu.memory_space<vmem>> -> memref<128x128xf32, #tpu.memory_space<vmem>>
        %get3A_662 = arith.index_cast %scan3A_537 : i32 to index
        %get3A_663 = arith.constant 96 : index
        %get3A_664 = tpu.vector_load %get3A_661[%get3A_662, %get3A_663] {strides = array<i32>} : memref<128x128xf32, #tpu.memory_space<vmem>>, vector<1x16xf32>,
        %get3A_665 = vector.shape_cast %get3A_664 : vector<1x16xf32> to vector<16xf32>
        %mul3A_666 = arith.constant 11.3137083 : f32
        %mul3A_667 = vector.broadcast %mul3A_666 : f32 to vector<16xf32>
        %mul3A_668 = arith.mulf %get3A_665, %mul3A_667 : vector<16xf32>
        %swap3A_669 = arith.constant 0 : i32
        %swap3A_670 = arith.constant 0 : i32
        %swap3A_671 = tpu.memref_slice %arg6[%scan3A_309, %swap3A_669, %swap3A_670] : memref<5x128x128xf32, #tpu.memory_space<vmem>> -> memref<1x128x128xf32, #tpu.memory_space<vmem>>
        %swap3A_672 = tpu.memref_squeeze %swap3A_671 : memref<1x128x128xf32, #tpu.memory_space<vmem>> -> memref<128x128xf32, #tpu.memory_space<vmem>>
        %swap3A_673 = arith.index_cast %scan3A_537 : i32 to index
        %swap3A_674 = arith.constant 96 : index
        %swap3A_675 = tpu.vector_load %swap3A_672[%swap3A_673, %swap3A_674] {strides = array<i32>} : memref<128x128xf32, #tpu.memory_space<vmem>>, vector<1x16xf32>,
        %swap3A_676 = vector.shape_cast %swap3A_675 : vector<1x16xf32> to vector<16xf32>
        %swap3A_677 = vector.shape_cast %mul3A_668 : vector<16xf32> to vector<1x16xf32>
        tpu.vector_store %swap3A_672[%swap3A_673, %swap3A_674], %swap3A_677 {strides = array<i32>} : memref<128x128xf32, #tpu.memory_space<vmem>>, vector<1x16xf32>,
        %get3A_678 = arith.constant 0 : i32
        %get3A_679 = arith.constant 0 : i32
        %get3A_680 = tpu.memref_slice %arg6[%scan3A_309, %get3A_678, %get3A_679] : memref<5x128x128xf32, #tpu.memory_space<vmem>> -> memref<1x128x128xf32, #tpu.memory_space<vmem>>
        %get3A_681 = tpu.memref_squeeze %get3A_680 : memref<1x128x128xf32, #tpu.memory_space<vmem>> -> memref<128x128xf32, #tpu.memory_space<vmem>>
        %get3A_682 = arith.index_cast %scan3A_537 : i32 to index
        %get3A_683 = arith.constant 112 : index
        %get3A_684 = tpu.vector_load %get3A_681[%get3A_682, %get3A_683] {strides = array<i32>} : memref<128x128xf32, #tpu.memory_space<vmem>>, vector<1x16xf32>,
        %get3A_685 = vector.shape_cast %get3A_684 : vector<1x16xf32> to vector<16xf32>
        %mul3A_686 = arith.constant 11.3137083 : f32
        %mul3A_687 = vector.broadcast %mul3A_686 : f32 to vector<16xf32>
        %mul3A_688 = arith.mulf %get3A_685, %mul3A_687 : vector<16xf32>
        %swap3A_689 = arith.constant 0 : i32
        %swap3A_690 = arith.constant 0 : i32
        %swap3A_691 = tpu.memref_slice %arg6[%scan3A_309, %swap3A_689, %swap3A_690] : memref<5x128x128xf32, #tpu.memory_space<vmem>> -> memref<1x128x128xf32, #tpu.memory_space<vmem>>
        %swap3A_692 = tpu.memref_squeeze %swap3A_691 : memref<1x128x128xf32, #tpu.memory_space<vmem>> -> memref<128x128xf32, #tpu.memory_space<vmem>>
        %swap3A_693 = arith.index_cast %scan3A_537 : i32 to index
        %swap3A_694 = arith.constant 112 : index
        %swap3A_695 = tpu.vector_load %swap3A_692[%swap3A_693, %swap3A_694] {strides = array<i32>} : memref<128x128xf32, #tpu.memory_space<vmem>>, vector<1x16xf32>,
        %swap3A_696 = vector.shape_cast %swap3A_695 : vector<1x16xf32> to vector<16xf32>
        %swap3A_697 = vector.shape_cast %mul3A_688 : vector<16xf32> to vector<1x16xf32>
        tpu.vector_store %swap3A_692[%swap3A_693, %swap3A_694], %swap3A_697 {strides = array<i32>} : memref<128x128xf32, #tpu.memory_space<vmem>>, vector<1x16xf32>,
      }
      %scan3A_314 = arith.constant 128 : i32
      %dma_start3A_315 = arith.constant 3 : i32
      %dma_start3A_316 = arith.constant 0 : i32
      %dma_start3A_317 = arith.constant 0 : i32
      %dma_start3A_318 = tpu.memref_slice %arg6[%dma_start3A_315, %dma_start3A_316, %dma_start3A_317] : memref<5x128x128xf32, #tpu.memory_space<vmem>> -> memref<1x128x128xf32, #tpu.memory_space<vmem>>
      %dma_start3A_319 = tpu.memref_squeeze %dma_start3A_318 : memref<1x128x128xf32, #tpu.memory_space<vmem>> -> memref<128x128xf32, #tpu.memory_space<vmem>>
      %dma_start3A_320 = arith.constant 0 : i32
      %dma_start3A_321 = tpu.memref_slice %arg4[%add3A_286, %mul3A_2, %dma_start3A_320] : memref<50x4096x128xf32, #tpu.memory_space<hbm>> -> memref<1x128x128xf32, #tpu.memory_space<hbm>>
      %dma_start3A_322 = tpu.memref_squeeze %dma_start3A_321 : memref<1x128x128xf32, #tpu.memory_space<hbm>> -> memref<128x128xf32, #tpu.memory_space<hbm>>
      %dma_start3A_323 = arith.constant 0 : i32
      %dma_start3A_324 = tpu.memref_slice %arg4[%add3A_286, %mul3A_2, %dma_start3A_323] : memref<50x4096x128xf32, #tpu.memory_space<hbm>> -> memref<1x128x128xf32, #tpu.memory_space<hbm>>
      %dma_start3A_325 = tpu.memref_squeeze %dma_start3A_324 : memref<1x128x128xf32, #tpu.memory_space<hbm>> -> memref<128x128xf32, #tpu.memory_space<hbm>>
      %dma_start3A_326 = arith.constant 0 : i32
      %dma_start3A_327 = arith.constant 0 : i32
      %dma_start3A_328 = tpu.memref_slice %arg6[%dma_start3A_315, %dma_start3A_326, %dma_start3A_327] : memref<5x128x128xf32, #tpu.memory_space<vmem>> -> memref<1x128x128xf32, #tpu.memory_space<vmem>>
      %dma_start3A_329 = tpu.memref_squeeze %dma_start3A_328 : memref<1x128x128xf32, #tpu.memory_space<vmem>> -> memref<128x128xf32, #tpu.memory_space<vmem>>
      tpu.enqueue_dma source(%dma_start3A_329 : memref<128x128xf32, #tpu.memory_space<vmem>>) target(%dma_start3A_325 : memref<128x128xf32, #tpu.memory_space<hbm>>) target_semaphore(%arg15 : memref<!tpu.dma_semaphore, #tpu.memory_space<semaphore_mem>>)
      %mul3A_330 = arith.constant 5 : i32
      %mul3A_331 = arith.muli %scan3A_146, %mul3A_330 : i32
      %add3A_332 = arith.constant 4 : i32
      %add3A_333 = arith.addi %mul3A_331, %add3A_332 : i32
      %add3A_334 = arith.constant 4 : i32
      %add3A_335 = arith.addi %add3A_333, %add3A_334 : i32
      %ge3A_336 = arith.constant 5 : i32
      %ge3A_337 = arith.cmpi sge, %add3A_335, %ge3A_336 : i32
      %lt3A_338 = arith.constant 50 : i32
      %lt3A_339 = arith.cmpi slt, %add3A_335, %lt3A_338 : i32
      %and3A_340 = arith.andi %ge3A_337, %lt3A_339 : i1
      %convert_element_type3A_341 = arith.extui %and3A_340 : i1 to i32
      %cond3A_342 = arith.constant 0 : i32
      %cond3A_343 = arith.cmpi ne, %convert_element_type3A_341, %cond3A_342 : i32
      scf.if %cond3A_343 {
        %sub3A = arith.constant 5 : i32
        %sub3A_377 = arith.subi %add3A_335, %sub3A : i32
        %dma_wait3A_378 = arith.constant 3 : i32
        %dma_wait3A_379 = arith.constant 0 : i32
        %dma_wait3A_380 = arith.constant 0 : i32
        %dma_wait3A_381 = tpu.memref_slice %arg6[%dma_wait3A_378, %dma_wait3A_379, %dma_wait3A_380] : memref<5x128x128xf32, #tpu.memory_space<vmem>> -> memref<1x128x128xf32, #tpu.memory_space<vmem>>
        %dma_wait3A_382 = tpu.memref_squeeze %dma_wait3A_381 : memref<1x128x128xf32, #tpu.memory_space<vmem>> -> memref<128x128xf32, #tpu.memory_space<vmem>>
        %dma_wait3A_383 = arith.constant 0 : i32
        %dma_wait3A_384 = tpu.memref_slice %arg4[%sub3A_377, %mul3A_2, %dma_wait3A_383] : memref<50x4096x128xf32, #tpu.memory_space<hbm>> -> memref<1x128x128xf32, #tpu.memory_space<hbm>>
        %dma_wait3A_385 = tpu.memref_squeeze %dma_wait3A_384 : memref<1x128x128xf32, #tpu.memory_space<hbm>> -> memref<128x128xf32, #tpu.memory_space<hbm>>
        %dma_wait3A_386 = arith.constant 0 : i32
        %dma_wait3A_387 = tpu.memref_slice %arg4[%sub3A_377, %mul3A_2, %dma_wait3A_386] : memref<50x4096x128xf32, #tpu.memory_space<hbm>> -> memref<1x128x128xf32, #tpu.memory_space<hbm>>
        %dma_wait3A_388 = tpu.memref_squeeze %dma_wait3A_387 : memref<1x128x128xf32, #tpu.memory_space<hbm>> -> memref<128x128xf32, #tpu.memory_space<hbm>>
        %dma_wait3A_389 = arith.constant 0 : i32
        %dma_wait3A_390 = arith.constant 0 : i32
        %dma_wait3A_391 = tpu.memref_slice %arg6[%dma_wait3A_378, %dma_wait3A_389, %dma_wait3A_390] : memref<5x128x128xf32, #tpu.memory_space<vmem>> -> memref<1x128x128xf32, #tpu.memory_space<vmem>>
        %dma_wait3A_392 = tpu.memref_squeeze %dma_wait3A_391 : memref<1x128x128xf32, #tpu.memory_space<vmem>> -> memref<128x128xf32, #tpu.memory_space<vmem>>
        tpu.wait_dma2 semaphore(%arg15 : memref<!tpu.dma_semaphore, #tpu.memory_space<semaphore_mem>>) src(%dma_wait3A_392 : memref<128x128xf32, #tpu.memory_space<vmem>>) dst(%dma_wait3A_388 : memref<128x128xf32, #tpu.memory_space<hbm>>)
        %dma_start3A_393 = arith.constant 3 : i32
        %dma_start3A_394 = arith.constant 0 : i32
        %dma_start3A_395 = arith.constant 0 : i32
        %dma_start3A_396 = tpu.memref_slice %arg6[%dma_start3A_393, %dma_start3A_394, %dma_start3A_395] : memref<5x128x128xf32, #tpu.memory_space<vmem>> -> memref<1x128x128xf32, #tpu.memory_space<vmem>>
        %dma_start3A_397 = tpu.memref_squeeze %dma_start3A_396 : memref<1x128x128xf32, #tpu.memory_space<vmem>> -> memref<128x128xf32, #tpu.memory_space<vmem>>
        %dma_start3A_398 = arith.constant 0 : i32
        %dma_start3A_399 = tpu.memref_slice %arg5[%add3A_335, %dma_start3A_398] : memref<50x128xi32, #tpu.memory_space<vmem>> -> memref<1x128xi32, #tpu.memory_space<vmem>>
        %dma_start3A_400 = tpu.memref_squeeze %dma_start3A_399 : memref<1x128xi32, #tpu.memory_space<vmem>> -> memref<128xi32, #tpu.memory_space<vmem>>
        %dma_start3A_401 = arith.constant 0 : i32
        %dma_start3A_402 = arith.constant 0 : i32
        %dma_start3A_403 = tpu.memref_slice %arg3[%dma_start3A_401, %dma_start3A_402] : memref<100000x128xf32, #tpu.memory_space<hbm>> -> memref<100000x128xf32, #tpu.memory_space<hbm>>
        tpu.enqueue_indirect_dma source(%dma_start3A_403 : memref<100000x128xf32, #tpu.memory_space<hbm>>) target(%dma_start3A_397 : memref<128x128xf32, #tpu.memory_space<vmem>>) offsets(%dma_start3A_400 : memref<128xi32, #tpu.memory_space<vmem>>) semaphore(%arg10 : memref<!tpu.dma_semaphore, #tpu.memory_space<semaphore_mem>>)
      } else {
      }
      %dma_wait3A_344 = arith.constant 4 : i32
      %dma_wait3A_345 = arith.constant 0 : i32
      %dma_wait3A_346 = arith.constant 0 : i32
      %dma_wait3A_347 = tpu.memref_slice %arg6[%dma_wait3A_344, %dma_wait3A_345, %dma_wait3A_346] : memref<5x128x128xf32, #tpu.memory_space<vmem>> -> memref<1x128x128xf32, #tpu.memory_space<vmem>>
      %dma_wait3A_348 = tpu.memref_squeeze %dma_wait3A_347 : memref<1x128x128xf32, #tpu.memory_space<vmem>> -> memref<128x128xf32, #tpu.memory_space<vmem>>
      %dma_wait3A_349 = arith.constant 0 : i32
      %dma_wait3A_350 = tpu.memref_slice %arg5[%add3A_333, %dma_wait3A_349] : memref<50x128xi32, #tpu.memory_space<vmem>> -> memref<1x128xi32, #tpu.memory_space<vmem>>
      %dma_wait3A_351 = tpu.memref_squeeze %dma_wait3A_350 : memref<1x128xi32, #tpu.memory_space<vmem>> -> memref<128xi32, #tpu.memory_space<vmem>>
      %dma_wait3A_352 = arith.constant 0 : i32
      %dma_wait3A_353 = arith.constant 0 : i32
      %dma_wait3A_354 = tpu.memref_slice %arg3[%dma_wait3A_352, %dma_wait3A_353] : memref<100000x128xf32, #tpu.memory_space<hbm>> -> memref<100000x128xf32, #tpu.memory_space<hbm>>
      tpu.wait_indirect_dma semaphore(%arg11 : memref<!tpu.dma_semaphore, #tpu.memory_space<semaphore_mem>>) src(%dma_wait3A_354 : memref<100000x128xf32, #tpu.memory_space<hbm>>) dst(%dma_wait3A_348 : memref<128x128xf32, #tpu.memory_space<vmem>>)
      %scan3A_355 = arith.constant 0 : i32
      %scan3A_356 = arith.constant 4 : i32
      %scan3A_357 = arith.constant 0 : i32
      %scan3A_358 = arith.constant 128 : i32
      %scan3A_359 = arith.addi %scan3A_357, %scan3A_358 : i32
      %scan3A_360 = arith.constant 2 : i32
      scf.for %scan3A_377 = %scan3A_357 to %scan3A_359 step %scan3A_360  : i32 {
        %get3A = arith.constant 0 : i32
        %get3A_378 = arith.constant 0 : i32
        %get3A_379 = tpu.memref_slice %arg6[%scan3A_356, %get3A, %get3A_378] : memref<5x128x128xf32, #tpu.memory_space<vmem>> -> memref<1x128x128xf32, #tpu.memory_space<vmem>>
        %get3A_380 = tpu.memref_squeeze %get3A_379 : memref<1x128x128xf32, #tpu.memory_space<vmem>> -> memref<128x128xf32, #tpu.memory_space<vmem>>
        %get3A_381 = arith.index_cast %scan3A_377 : i32 to index
        %get3A_382 = arith.constant 0 : index
        %get3A_383 = tpu.vector_load %get3A_380[%get3A_381, %get3A_382] {strides = array<i32>} : memref<128x128xf32, #tpu.memory_space<vmem>>, vector<1x16xf32>,
        %get3A_384 = vector.shape_cast %get3A_383 : vector<1x16xf32> to vector<16xf32>
        %mul3A_385 = arith.constant 11.3137083 : f32
        %mul3A_386 = vector.broadcast %mul3A_385 : f32 to vector<16xf32>
        %mul3A_387 = arith.mulf %get3A_384, %mul3A_386 : vector<16xf32>
        %swap3A = arith.constant 0 : i32
        %swap3A_388 = arith.constant 0 : i32
        %swap3A_389 = tpu.memref_slice %arg6[%scan3A_356, %swap3A, %swap3A_388] : memref<5x128x128xf32, #tpu.memory_space<vmem>> -> memref<1x128x128xf32, #tpu.memory_space<vmem>>
        %swap3A_390 = tpu.memref_squeeze %swap3A_389 : memref<1x128x128xf32, #tpu.memory_space<vmem>> -> memref<128x128xf32, #tpu.memory_space<vmem>>
        %swap3A_391 = arith.index_cast %scan3A_377 : i32 to index
        %swap3A_392 = arith.constant 0 : index
        %swap3A_393 = tpu.vector_load %swap3A_390[%swap3A_391, %swap3A_392] {strides = array<i32>} : memref<128x128xf32, #tpu.memory_space<vmem>>, vector<1x16xf32>,
        %swap3A_394 = vector.shape_cast %swap3A_393 : vector<1x16xf32> to vector<16xf32>
        %swap3A_395 = vector.shape_cast %mul3A_387 : vector<16xf32> to vector<1x16xf32>
        tpu.vector_store %swap3A_390[%swap3A_391, %swap3A_392], %swap3A_395 {strides = array<i32>} : memref<128x128xf32, #tpu.memory_space<vmem>>, vector<1x16xf32>,
        %get3A_396 = arith.constant 0 : i32
        %get3A_397 = arith.constant 0 : i32
        %get3A_398 = tpu.memref_slice %arg6[%scan3A_356, %get3A_396, %get3A_397] : memref<5x128x128xf32, #tpu.memory_space<vmem>> -> memref<1x128x128xf32, #tpu.memory_space<vmem>>
        %get3A_399 = tpu.memref_squeeze %get3A_398 : memref<1x128x128xf32, #tpu.memory_space<vmem>> -> memref<128x128xf32, #tpu.memory_space<vmem>>
        %get3A_400 = arith.index_cast %scan3A_377 : i32 to index
        %get3A_401 = arith.constant 16 : index
        %get3A_402 = tpu.vector_load %get3A_399[%get3A_400, %get3A_401] {strides = array<i32>} : memref<128x128xf32, #tpu.memory_space<vmem>>, vector<1x16xf32>,
        %get3A_403 = vector.shape_cast %get3A_402 : vector<1x16xf32> to vector<16xf32>
        %mul3A_404 = arith.constant 11.3137083 : f32
        %mul3A_405 = vector.broadcast %mul3A_404 : f32 to vector<16xf32>
        %mul3A_406 = arith.mulf %get3A_403, %mul3A_405 : vector<16xf32>
        %swap3A_407 = arith.constant 0 : i32
        %swap3A_408 = arith.constant 0 : i32
        %swap3A_409 = tpu.memref_slice %arg6[%scan3A_356, %swap3A_407, %swap3A_408] : memref<5x128x128xf32, #tpu.memory_space<vmem>> -> memref<1x128x128xf32, #tpu.memory_space<vmem>>
        %swap3A_410 = tpu.memref_squeeze %swap3A_409 : memref<1x128x128xf32, #tpu.memory_space<vmem>> -> memref<128x128xf32, #tpu.memory_space<vmem>>
        %swap3A_411 = arith.index_cast %scan3A_377 : i32 to index
        %swap3A_412 = arith.constant 16 : index
        %swap3A_413 = tpu.vector_load %swap3A_410[%swap3A_411, %swap3A_412] {strides = array<i32>} : memref<128x128xf32, #tpu.memory_space<vmem>>, vector<1x16xf32>,
        %swap3A_414 = vector.shape_cast %swap3A_413 : vector<1x16xf32> to vector<16xf32>
        %swap3A_415 = vector.shape_cast %mul3A_406 : vector<16xf32> to vector<1x16xf32>
        tpu.vector_store %swap3A_410[%swap3A_411, %swap3A_412], %swap3A_415 {strides = array<i32>} : memref<128x128xf32, #tpu.memory_space<vmem>>, vector<1x16xf32>,
        %get3A_416 = arith.constant 0 : i32
        %get3A_417 = arith.constant 0 : i32
        %get3A_418 = tpu.memref_slice %arg6[%scan3A_356, %get3A_416, %get3A_417] : memref<5x128x128xf32, #tpu.memory_space<vmem>> -> memref<1x128x128xf32, #tpu.memory_space<vmem>>
        %get3A_419 = tpu.memref_squeeze %get3A_418 : memref<1x128x128xf32, #tpu.memory_space<vmem>> -> memref<128x128xf32, #tpu.memory_space<vmem>>
        %get3A_420 = arith.index_cast %scan3A_377 : i32 to index
        %get3A_421 = arith.constant 32 : index
        %get3A_422 = tpu.vector_load %get3A_419[%get3A_420, %get3A_421] {strides = array<i32>} : memref<128x128xf32, #tpu.memory_space<vmem>>, vector<1x16xf32>,
        %get3A_423 = vector.shape_cast %get3A_422 : vector<1x16xf32> to vector<16xf32>
        %mul3A_424 = arith.constant 11.3137083 : f32
        %mul3A_425 = vector.broadcast %mul3A_424 : f32 to vector<16xf32>
        %mul3A_426 = arith.mulf %get3A_423, %mul3A_425 : vector<16xf32>
        %swap3A_427 = arith.constant 0 : i32
        %swap3A_428 = arith.constant 0 : i32
        %swap3A_429 = tpu.memref_slice %arg6[%scan3A_356, %swap3A_427, %swap3A_428] : memref<5x128x128xf32, #tpu.memory_space<vmem>> -> memref<1x128x128xf32, #tpu.memory_space<vmem>>
        %swap3A_430 = tpu.memref_squeeze %swap3A_429 : memref<1x128x128xf32, #tpu.memory_space<vmem>> -> memref<128x128xf32, #tpu.memory_space<vmem>>
        %swap3A_431 = arith.index_cast %scan3A_377 : i32 to index
        %swap3A_432 = arith.constant 32 : index
        %swap3A_433 = tpu.vector_load %swap3A_430[%swap3A_431, %swap3A_432] {strides = array<i32>} : memref<128x128xf32, #tpu.memory_space<vmem>>, vector<1x16xf32>,
        %swap3A_434 = vector.shape_cast %swap3A_433 : vector<1x16xf32> to vector<16xf32>
        %swap3A_435 = vector.shape_cast %mul3A_426 : vector<16xf32> to vector<1x16xf32>
        tpu.vector_store %swap3A_430[%swap3A_431, %swap3A_432], %swap3A_435 {strides = array<i32>} : memref<128x128xf32, #tpu.memory_space<vmem>>, vector<1x16xf32>,
        %get3A_436 = arith.constant 0 : i32
        %get3A_437 = arith.constant 0 : i32
        %get3A_438 = tpu.memref_slice %arg6[%scan3A_356, %get3A_436, %get3A_437] : memref<5x128x128xf32, #tpu.memory_space<vmem>> -> memref<1x128x128xf32, #tpu.memory_space<vmem>>
        %get3A_439 = tpu.memref_squeeze %get3A_438 : memref<1x128x128xf32, #tpu.memory_space<vmem>> -> memref<128x128xf32, #tpu.memory_space<vmem>>
        %get3A_440 = arith.index_cast %scan3A_377 : i32 to index
        %get3A_441 = arith.constant 48 : index
        %get3A_442 = tpu.vector_load %get3A_439[%get3A_440, %get3A_441] {strides = array<i32>} : memref<128x128xf32, #tpu.memory_space<vmem>>, vector<1x16xf32>,
        %get3A_443 = vector.shape_cast %get3A_442 : vector<1x16xf32> to vector<16xf32>
        %mul3A_444 = arith.constant 11.3137083 : f32
        %mul3A_445 = vector.broadcast %mul3A_444 : f32 to vector<16xf32>
        %mul3A_446 = arith.mulf %get3A_443, %mul3A_445 : vector<16xf32>
        %swap3A_447 = arith.constant 0 : i32
        %swap3A_448 = arith.constant 0 : i32
        %swap3A_449 = tpu.memref_slice %arg6[%scan3A_356, %swap3A_447, %swap3A_448] : memref<5x128x128xf32, #tpu.memory_space<vmem>> -> memref<1x128x128xf32, #tpu.memory_space<vmem>>
        %swap3A_450 = tpu.memref_squeeze %swap3A_449 : memref<1x128x128xf32, #tpu.memory_space<vmem>> -> memref<128x128xf32, #tpu.memory_space<vmem>>
        %swap3A_451 = arith.index_cast %scan3A_377 : i32 to index
        %swap3A_452 = arith.constant 48 : index
        %swap3A_453 = tpu.vector_load %swap3A_450[%swap3A_451, %swap3A_452] {strides = array<i32>} : memref<128x128xf32, #tpu.memory_space<vmem>>, vector<1x16xf32>,
        %swap3A_454 = vector.shape_cast %swap3A_453 : vector<1x16xf32> to vector<16xf32>
        %swap3A_455 = vector.shape_cast %mul3A_446 : vector<16xf32> to vector<1x16xf32>
        tpu.vector_store %swap3A_450[%swap3A_451, %swap3A_452], %swap3A_455 {strides = array<i32>} : memref<128x128xf32, #tpu.memory_space<vmem>>, vector<1x16xf32>,
        %get3A_456 = arith.constant 0 : i32
        %get3A_457 = arith.constant 0 : i32
        %get3A_458 = tpu.memref_slice %arg6[%scan3A_356, %get3A_456, %get3A_457] : memref<5x128x128xf32, #tpu.memory_space<vmem>> -> memref<1x128x128xf32, #tpu.memory_space<vmem>>
        %get3A_459 = tpu.memref_squeeze %get3A_458 : memref<1x128x128xf32, #tpu.memory_space<vmem>> -> memref<128x128xf32, #tpu.memory_space<vmem>>
        %get3A_460 = arith.index_cast %scan3A_377 : i32 to index
        %get3A_461 = arith.constant 64 : index
        %get3A_462 = tpu.vector_load %get3A_459[%get3A_460, %get3A_461] {strides = array<i32>} : memref<128x128xf32, #tpu.memory_space<vmem>>, vector<1x16xf32>,
        %get3A_463 = vector.shape_cast %get3A_462 : vector<1x16xf32> to vector<16xf32>
        %mul3A_464 = arith.constant 11.3137083 : f32
        %mul3A_465 = vector.broadcast %mul3A_464 : f32 to vector<16xf32>
        %mul3A_466 = arith.mulf %get3A_463, %mul3A_465 : vector<16xf32>
        %swap3A_467 = arith.constant 0 : i32
        %swap3A_468 = arith.constant 0 : i32
        %swap3A_469 = tpu.memref_slice %arg6[%scan3A_356, %swap3A_467, %swap3A_468] : memref<5x128x128xf32, #tpu.memory_space<vmem>> -> memref<1x128x128xf32, #tpu.memory_space<vmem>>
        %swap3A_470 = tpu.memref_squeeze %swap3A_469 : memref<1x128x128xf32, #tpu.memory_space<vmem>> -> memref<128x128xf32, #tpu.memory_space<vmem>>
        %swap3A_471 = arith.index_cast %scan3A_377 : i32 to index
        %swap3A_472 = arith.constant 64 : index
        %swap3A_473 = tpu.vector_load %swap3A_470[%swap3A_471, %swap3A_472] {strides = array<i32>} : memref<128x128xf32, #tpu.memory_space<vmem>>, vector<1x16xf32>,
        %swap3A_474 = vector.shape_cast %swap3A_473 : vector<1x16xf32> to vector<16xf32>
        %swap3A_475 = vector.shape_cast %mul3A_466 : vector<16xf32> to vector<1x16xf32>
        tpu.vector_store %swap3A_470[%swap3A_471, %swap3A_472], %swap3A_475 {strides = array<i32>} : memref<128x128xf32, #tpu.memory_space<vmem>>, vector<1x16xf32>,
        %get3A_476 = arith.constant 0 : i32
        %get3A_477 = arith.constant 0 : i32
        %get3A_478 = tpu.memref_slice %arg6[%scan3A_356, %get3A_476, %get3A_477] : memref<5x128x128xf32, #tpu.memory_space<vmem>> -> memref<1x128x128xf32, #tpu.memory_space<vmem>>
        %get3A_479 = tpu.memref_squeeze %get3A_478 : memref<1x128x128xf32, #tpu.memory_space<vmem>> -> memref<128x128xf32, #tpu.memory_space<vmem>>
        %get3A_480 = arith.index_cast %scan3A_377 : i32 to index
        %get3A_481 = arith.constant 80 : index
        %get3A_482 = tpu.vector_load %get3A_479[%get3A_480, %get3A_481] {strides = array<i32>} : memref<128x128xf32, #tpu.memory_space<vmem>>, vector<1x16xf32>,
        %get3A_483 = vector.shape_cast %get3A_482 : vector<1x16xf32> to vector<16xf32>
        %mul3A_484 = arith.constant 11.3137083 : f32
        %mul3A_485 = vector.broadcast %mul3A_484 : f32 to vector<16xf32>
        %mul3A_486 = arith.mulf %get3A_483, %mul3A_485 : vector<16xf32>
        %swap3A_487 = arith.constant 0 : i32
        %swap3A_488 = arith.constant 0 : i32
        %swap3A_489 = tpu.memref_slice %arg6[%scan3A_356, %swap3A_487, %swap3A_488] : memref<5x128x128xf32, #tpu.memory_space<vmem>> -> memref<1x128x128xf32, #tpu.memory_space<vmem>>
        %swap3A_490 = tpu.memref_squeeze %swap3A_489 : memref<1x128x128xf32, #tpu.memory_space<vmem>> -> memref<128x128xf32, #tpu.memory_space<vmem>>
        %swap3A_491 = arith.index_cast %scan3A_377 : i32 to index
        %swap3A_492 = arith.constant 80 : index
        %swap3A_493 = tpu.vector_load %swap3A_490[%swap3A_491, %swap3A_492] {strides = array<i32>} : memref<128x128xf32, #tpu.memory_space<vmem>>, vector<1x16xf32>,
        %swap3A_494 = vector.shape_cast %swap3A_493 : vector<1x16xf32> to vector<16xf32>
        %swap3A_495 = vector.shape_cast %mul3A_486 : vector<16xf32> to vector<1x16xf32>
        tpu.vector_store %swap3A_490[%swap3A_491, %swap3A_492], %swap3A_495 {strides = array<i32>} : memref<128x128xf32, #tpu.memory_space<vmem>>, vector<1x16xf32>,
        %get3A_496 = arith.constant 0 : i32
        %get3A_497 = arith.constant 0 : i32
        %get3A_498 = tpu.memref_slice %arg6[%scan3A_356, %get3A_496, %get3A_497] : memref<5x128x128xf32, #tpu.memory_space<vmem>> -> memref<1x128x128xf32, #tpu.memory_space<vmem>>
        %get3A_499 = tpu.memref_squeeze %get3A_498 : memref<1x128x128xf32, #tpu.memory_space<vmem>> -> memref<128x128xf32, #tpu.memory_space<vmem>>
        %get3A_500 = arith.index_cast %scan3A_377 : i32 to index
        %get3A_501 = arith.constant 96 : index
        %get3A_502 = tpu.vector_load %get3A_499[%get3A_500, %get3A_501] {strides = array<i32>} : memref<128x128xf32, #tpu.memory_space<vmem>>, vector<1x16xf32>,
        %get3A_503 = vector.shape_cast %get3A_502 : vector<1x16xf32> to vector<16xf32>
        %mul3A_504 = arith.constant 11.3137083 : f32
        %mul3A_505 = vector.broadcast %mul3A_504 : f32 to vector<16xf32>
        %mul3A_506 = arith.mulf %get3A_503, %mul3A_505 : vector<16xf32>
        %swap3A_507 = arith.constant 0 : i32
        %swap3A_508 = arith.constant 0 : i32
        %swap3A_509 = tpu.memref_slice %arg6[%scan3A_356, %swap3A_507, %swap3A_508] : memref<5x128x128xf32, #tpu.memory_space<vmem>> -> memref<1x128x128xf32, #tpu.memory_space<vmem>>
        %swap3A_510 = tpu.memref_squeeze %swap3A_509 : memref<1x128x128xf32, #tpu.memory_space<vmem>> -> memref<128x128xf32, #tpu.memory_space<vmem>>
        %swap3A_511 = arith.index_cast %scan3A_377 : i32 to index
        %swap3A_512 = arith.constant 96 : index
        %swap3A_513 = tpu.vector_load %swap3A_510[%swap3A_511, %swap3A_512] {strides = array<i32>} : memref<128x128xf32, #tpu.memory_space<vmem>>, vector<1x16xf32>,
        %swap3A_514 = vector.shape_cast %swap3A_513 : vector<1x16xf32> to vector<16xf32>
        %swap3A_515 = vector.shape_cast %mul3A_506 : vector<16xf32> to vector<1x16xf32>
        tpu.vector_store %swap3A_510[%swap3A_511, %swap3A_512], %swap3A_515 {strides = array<i32>} : memref<128x128xf32, #tpu.memory_space<vmem>>, vector<1x16xf32>,
        %get3A_516 = arith.constant 0 : i32
        %get3A_517 = arith.constant 0 : i32
        %get3A_518 = tpu.memref_slice %arg6[%scan3A_356, %get3A_516, %get3A_517] : memref<5x128x128xf32, #tpu.memory_space<vmem>> -> memref<1x128x128xf32, #tpu.memory_space<vmem>>
        %get3A_519 = tpu.memref_squeeze %get3A_518 : memref<1x128x128xf32, #tpu.memory_space<vmem>> -> memref<128x128xf32, #tpu.memory_space<vmem>>
        %get3A_520 = arith.index_cast %scan3A_377 : i32 to index
        %get3A_521 = arith.constant 112 : index
        %get3A_522 = tpu.vector_load %get3A_519[%get3A_520, %get3A_521] {strides = array<i32>} : memref<128x128xf32, #tpu.memory_space<vmem>>, vector<1x16xf32>,
        %get3A_523 = vector.shape_cast %get3A_522 : vector<1x16xf32> to vector<16xf32>
        %mul3A_524 = arith.constant 11.3137083 : f32
        %mul3A_525 = vector.broadcast %mul3A_524 : f32 to vector<16xf32>
        %mul3A_526 = arith.mulf %get3A_523, %mul3A_525 : vector<16xf32>
        %swap3A_527 = arith.constant 0 : i32
        %swap3A_528 = arith.constant 0 : i32
        %swap3A_529 = tpu.memref_slice %arg6[%scan3A_356, %swap3A_527, %swap3A_528] : memref<5x128x128xf32, #tpu.memory_space<vmem>> -> memref<1x128x128xf32, #tpu.memory_space<vmem>>
        %swap3A_530 = tpu.memref_squeeze %swap3A_529 : memref<1x128x128xf32, #tpu.memory_space<vmem>> -> memref<128x128xf32, #tpu.memory_space<vmem>>
        %swap3A_531 = arith.index_cast %scan3A_377 : i32 to index
        %swap3A_532 = arith.constant 112 : index
        %swap3A_533 = tpu.vector_load %swap3A_530[%swap3A_531, %swap3A_532] {strides = array<i32>} : memref<128x128xf32, #tpu.memory_space<vmem>>, vector<1x16xf32>,
        %swap3A_534 = vector.shape_cast %swap3A_533 : vector<1x16xf32> to vector<16xf32>
        %swap3A_535 = vector.shape_cast %mul3A_526 : vector<16xf32> to vector<1x16xf32>
        tpu.vector_store %swap3A_530[%swap3A_531, %swap3A_532], %swap3A_535 {strides = array<i32>} : memref<128x128xf32, #tpu.memory_space<vmem>>, vector<1x16xf32>,
        %scan3A_536 = arith.constant 1 : i32
        %scan3A_537 = arith.addi %scan3A_377, %scan3A_536 : i32
        %get3A_538 = arith.constant 0 : i32
        %get3A_539 = arith.constant 0 : i32
        %get3A_540 = tpu.memref_slice %arg6[%scan3A_356, %get3A_538, %get3A_539] : memref<5x128x128xf32, #tpu.memory_space<vmem>> -> memref<1x128x128xf32, #tpu.memory_space<vmem>>
        %get3A_541 = tpu.memref_squeeze %get3A_540 : memref<1x128x128xf32, #tpu.memory_space<vmem>> -> memref<128x128xf32, #tpu.memory_space<vmem>>
        %get3A_542 = arith.index_cast %scan3A_537 : i32 to index
        %get3A_543 = arith.constant 0 : index
        %get3A_544 = tpu.vector_load %get3A_541[%get3A_542, %get3A_543] {strides = array<i32>} : memref<128x128xf32, #tpu.memory_space<vmem>>, vector<1x16xf32>,
        %get3A_545 = vector.shape_cast %get3A_544 : vector<1x16xf32> to vector<16xf32>
        %mul3A_546 = arith.constant 11.3137083 : f32
        %mul3A_547 = vector.broadcast %mul3A_546 : f32 to vector<16xf32>
        %mul3A_548 = arith.mulf %get3A_545, %mul3A_547 : vector<16xf32>
        %swap3A_549 = arith.constant 0 : i32
        %swap3A_550 = arith.constant 0 : i32
        %swap3A_551 = tpu.memref_slice %arg6[%scan3A_356, %swap3A_549, %swap3A_550] : memref<5x128x128xf32, #tpu.memory_space<vmem>> -> memref<1x128x128xf32, #tpu.memory_space<vmem>>
        %swap3A_552 = tpu.memref_squeeze %swap3A_551 : memref<1x128x128xf32, #tpu.memory_space<vmem>> -> memref<128x128xf32, #tpu.memory_space<vmem>>
        %swap3A_553 = arith.index_cast %scan3A_537 : i32 to index
        %swap3A_554 = arith.constant 0 : index
        %swap3A_555 = tpu.vector_load %swap3A_552[%swap3A_553, %swap3A_554] {strides = array<i32>} : memref<128x128xf32, #tpu.memory_space<vmem>>, vector<1x16xf32>,
        %swap3A_556 = vector.shape_cast %swap3A_555 : vector<1x16xf32> to vector<16xf32>
        %swap3A_557 = vector.shape_cast %mul3A_548 : vector<16xf32> to vector<1x16xf32>
        tpu.vector_store %swap3A_552[%swap3A_553, %swap3A_554], %swap3A_557 {strides = array<i32>} : memref<128x128xf32, #tpu.memory_space<vmem>>, vector<1x16xf32>,
        %get3A_558 = arith.constant 0 : i32
        %get3A_559 = arith.constant 0 : i32
        %get3A_560 = tpu.memref_slice %arg6[%scan3A_356, %get3A_558, %get3A_559] : memref<5x128x128xf32, #tpu.memory_space<vmem>> -> memref<1x128x128xf32, #tpu.memory_space<vmem>>
        %get3A_561 = tpu.memref_squeeze %get3A_560 : memref<1x128x128xf32, #tpu.memory_space<vmem>> -> memref<128x128xf32, #tpu.memory_space<vmem>>
        %get3A_562 = arith.index_cast %scan3A_537 : i32 to index
        %get3A_563 = arith.constant 16 : index
        %get3A_564 = tpu.vector_load %get3A_561[%get3A_562, %get3A_563] {strides = array<i32>} : memref<128x128xf32, #tpu.memory_space<vmem>>, vector<1x16xf32>,
        %get3A_565 = vector.shape_cast %get3A_564 : vector<1x16xf32> to vector<16xf32>
        %mul3A_566 = arith.constant 11.3137083 : f32
        %mul3A_567 = vector.broadcast %mul3A_566 : f32 to vector<16xf32>
        %mul3A_568 = arith.mulf %get3A_565, %mul3A_567 : vector<16xf32>
        %swap3A_569 = arith.constant 0 : i32
        %swap3A_570 = arith.constant 0 : i32
        %swap3A_571 = tpu.memref_slice %arg6[%scan3A_356, %swap3A_569, %swap3A_570] : memref<5x128x128xf32, #tpu.memory_space<vmem>> -> memref<1x128x128xf32, #tpu.memory_space<vmem>>
        %swap3A_572 = tpu.memref_squeeze %swap3A_571 : memref<1x128x128xf32, #tpu.memory_space<vmem>> -> memref<128x128xf32, #tpu.memory_space<vmem>>
        %swap3A_573 = arith.index_cast %scan3A_537 : i32 to index
        %swap3A_574 = arith.constant 16 : index
        %swap3A_575 = tpu.vector_load %swap3A_572[%swap3A_573, %swap3A_574] {strides = array<i32>} : memref<128x128xf32, #tpu.memory_space<vmem>>, vector<1x16xf32>,
        %swap3A_576 = vector.shape_cast %swap3A_575 : vector<1x16xf32> to vector<16xf32>
        %swap3A_577 = vector.shape_cast %mul3A_568 : vector<16xf32> to vector<1x16xf32>
        tpu.vector_store %swap3A_572[%swap3A_573, %swap3A_574], %swap3A_577 {strides = array<i32>} : memref<128x128xf32, #tpu.memory_space<vmem>>, vector<1x16xf32>,
        %get3A_578 = arith.constant 0 : i32
        %get3A_579 = arith.constant 0 : i32
        %get3A_580 = tpu.memref_slice %arg6[%scan3A_356, %get3A_578, %get3A_579] : memref<5x128x128xf32, #tpu.memory_space<vmem>> -> memref<1x128x128xf32, #tpu.memory_space<vmem>>
        %get3A_581 = tpu.memref_squeeze %get3A_580 : memref<1x128x128xf32, #tpu.memory_space<vmem>> -> memref<128x128xf32, #tpu.memory_space<vmem>>
        %get3A_582 = arith.index_cast %scan3A_537 : i32 to index
        %get3A_583 = arith.constant 32 : index
        %get3A_584 = tpu.vector_load %get3A_581[%get3A_582, %get3A_583] {strides = array<i32>} : memref<128x128xf32, #tpu.memory_space<vmem>>, vector<1x16xf32>,
        %get3A_585 = vector.shape_cast %get3A_584 : vector<1x16xf32> to vector<16xf32>
        %mul3A_586 = arith.constant 11.3137083 : f32
        %mul3A_587 = vector.broadcast %mul3A_586 : f32 to vector<16xf32>
        %mul3A_588 = arith.mulf %get3A_585, %mul3A_587 : vector<16xf32>
        %swap3A_589 = arith.constant 0 : i32
        %swap3A_590 = arith.constant 0 : i32
        %swap3A_591 = tpu.memref_slice %arg6[%scan3A_356, %swap3A_589, %swap3A_590] : memref<5x128x128xf32, #tpu.memory_space<vmem>> -> memref<1x128x128xf32, #tpu.memory_space<vmem>>
        %swap3A_592 = tpu.memref_squeeze %swap3A_591 : memref<1x128x128xf32, #tpu.memory_space<vmem>> -> memref<128x128xf32, #tpu.memory_space<vmem>>
        %swap3A_593 = arith.index_cast %scan3A_537 : i32 to index
        %swap3A_594 = arith.constant 32 : index
        %swap3A_595 = tpu.vector_load %swap3A_592[%swap3A_593, %swap3A_594] {strides = array<i32>} : memref<128x128xf32, #tpu.memory_space<vmem>>, vector<1x16xf32>,
        %swap3A_596 = vector.shape_cast %swap3A_595 : vector<1x16xf32> to vector<16xf32>
        %swap3A_597 = vector.shape_cast %mul3A_588 : vector<16xf32> to vector<1x16xf32>
        tpu.vector_store %swap3A_592[%swap3A_593, %swap3A_594], %swap3A_597 {strides = array<i32>} : memref<128x128xf32, #tpu.memory_space<vmem>>, vector<1x16xf32>,
        %get3A_598 = arith.constant 0 : i32
        %get3A_599 = arith.constant 0 : i32
        %get3A_600 = tpu.memref_slice %arg6[%scan3A_356, %get3A_598, %get3A_599] : memref<5x128x128xf32, #tpu.memory_space<vmem>> -> memref<1x128x128xf32, #tpu.memory_space<vmem>>
        %get3A_601 = tpu.memref_squeeze %get3A_600 : memref<1x128x128xf32, #tpu.memory_space<vmem>> -> memref<128x128xf32, #tpu.memory_space<vmem>>
        %get3A_602 = arith.index_cast %scan3A_537 : i32 to index
        %get3A_603 = arith.constant 48 : index
        %get3A_604 = tpu.vector_load %get3A_601[%get3A_602, %get3A_603] {strides = array<i32>} : memref<128x128xf32, #tpu.memory_space<vmem>>, vector<1x16xf32>,
        %get3A_605 = vector.shape_cast %get3A_604 : vector<1x16xf32> to vector<16xf32>
        %mul3A_606 = arith.constant 11.3137083 : f32
        %mul3A_607 = vector.broadcast %mul3A_606 : f32 to vector<16xf32>
        %mul3A_608 = arith.mulf %get3A_605, %mul3A_607 : vector<16xf32>
        %swap3A_609 = arith.constant 0 : i32
        %swap3A_610 = arith.constant 0 : i32
        %swap3A_611 = tpu.memref_slice %arg6[%scan3A_356, %swap3A_609, %swap3A_610] : memref<5x128x128xf32, #tpu.memory_space<vmem>> -> memref<1x128x128xf32, #tpu.memory_space<vmem>>
        %swap3A_612 = tpu.memref_squeeze %swap3A_611 : memref<1x128x128xf32, #tpu.memory_space<vmem>> -> memref<128x128xf32, #tpu.memory_space<vmem>>
        %swap3A_613 = arith.index_cast %scan3A_537 : i32 to index
        %swap3A_614 = arith.constant 48 : index
        %swap3A_615 = tpu.vector_load %swap3A_612[%swap3A_613, %swap3A_614] {strides = array<i32>} : memref<128x128xf32, #tpu.memory_space<vmem>>, vector<1x16xf32>,
        %swap3A_616 = vector.shape_cast %swap3A_615 : vector<1x16xf32> to vector<16xf32>
        %swap3A_617 = vector.shape_cast %mul3A_608 : vector<16xf32> to vector<1x16xf32>
        tpu.vector_store %swap3A_612[%swap3A_613, %swap3A_614], %swap3A_617 {strides = array<i32>} : memref<128x128xf32, #tpu.memory_space<vmem>>, vector<1x16xf32>,
        %get3A_618 = arith.constant 0 : i32
        %get3A_619 = arith.constant 0 : i32
        %get3A_620 = tpu.memref_slice %arg6[%scan3A_356, %get3A_618, %get3A_619] : memref<5x128x128xf32, #tpu.memory_space<vmem>> -> memref<1x128x128xf32, #tpu.memory_space<vmem>>
        %get3A_621 = tpu.memref_squeeze %get3A_620 : memref<1x128x128xf32, #tpu.memory_space<vmem>> -> memref<128x128xf32, #tpu.memory_space<vmem>>
        %get3A_622 = arith.index_cast %scan3A_537 : i32 to index
        %get3A_623 = arith.constant 64 : index
        %get3A_624 = tpu.vector_load %get3A_621[%get3A_622, %get3A_623] {strides = array<i32>} : memref<128x128xf32, #tpu.memory_space<vmem>>, vector<1x16xf32>,
        %get3A_625 = vector.shape_cast %get3A_624 : vector<1x16xf32> to vector<16xf32>
        %mul3A_626 = arith.constant 11.3137083 : f32
        %mul3A_627 = vector.broadcast %mul3A_626 : f32 to vector<16xf32>
        %mul3A_628 = arith.mulf %get3A_625, %mul3A_627 : vector<16xf32>
        %swap3A_629 = arith.constant 0 : i32
        %swap3A_630 = arith.constant 0 : i32
        %swap3A_631 = tpu.memref_slice %arg6[%scan3A_356, %swap3A_629, %swap3A_630] : memref<5x128x128xf32, #tpu.memory_space<vmem>> -> memref<1x128x128xf32, #tpu.memory_space<vmem>>
        %swap3A_632 = tpu.memref_squeeze %swap3A_631 : memref<1x128x128xf32, #tpu.memory_space<vmem>> -> memref<128x128xf32, #tpu.memory_space<vmem>>
        %swap3A_633 = arith.index_cast %scan3A_537 : i32 to index
        %swap3A_634 = arith.constant 64 : index
        %swap3A_635 = tpu.vector_load %swap3A_632[%swap3A_633, %swap3A_634] {strides = array<i32>} : memref<128x128xf32, #tpu.memory_space<vmem>>, vector<1x16xf32>,
        %swap3A_636 = vector.shape_cast %swap3A_635 : vector<1x16xf32> to vector<16xf32>
        %swap3A_637 = vector.shape_cast %mul3A_628 : vector<16xf32> to vector<1x16xf32>
        tpu.vector_store %swap3A_632[%swap3A_633, %swap3A_634], %swap3A_637 {strides = array<i32>} : memref<128x128xf32, #tpu.memory_space<vmem>>, vector<1x16xf32>,
        %get3A_638 = arith.constant 0 : i32
        %get3A_639 = arith.constant 0 : i32
        %get3A_640 = tpu.memref_slice %arg6[%scan3A_356, %get3A_638, %get3A_639] : memref<5x128x128xf32, #tpu.memory_space<vmem>> -> memref<1x128x128xf32, #tpu.memory_space<vmem>>
        %get3A_641 = tpu.memref_squeeze %get3A_640 : memref<1x128x128xf32, #tpu.memory_space<vmem>> -> memref<128x128xf32, #tpu.memory_space<vmem>>
        %get3A_642 = arith.index_cast %scan3A_537 : i32 to index
        %get3A_643 = arith.constant 80 : index
        %get3A_644 = tpu.vector_load %get3A_641[%get3A_642, %get3A_643] {strides = array<i32>} : memref<128x128xf32, #tpu.memory_space<vmem>>, vector<1x16xf32>,
        %get3A_645 = vector.shape_cast %get3A_644 : vector<1x16xf32> to vector<16xf32>
        %mul3A_646 = arith.constant 11.3137083 : f32
        %mul3A_647 = vector.broadcast %mul3A_646 : f32 to vector<16xf32>
        %mul3A_648 = arith.mulf %get3A_645, %mul3A_647 : vector<16xf32>
        %swap3A_649 = arith.constant 0 : i32
        %swap3A_650 = arith.constant 0 : i32
        %swap3A_651 = tpu.memref_slice %arg6[%scan3A_356, %swap3A_649, %swap3A_650] : memref<5x128x128xf32, #tpu.memory_space<vmem>> -> memref<1x128x128xf32, #tpu.memory_space<vmem>>
        %swap3A_652 = tpu.memref_squeeze %swap3A_651 : memref<1x128x128xf32, #tpu.memory_space<vmem>> -> memref<128x128xf32, #tpu.memory_space<vmem>>
        %swap3A_653 = arith.index_cast %scan3A_537 : i32 to index
        %swap3A_654 = arith.constant 80 : index
        %swap3A_655 = tpu.vector_load %swap3A_652[%swap3A_653, %swap3A_654] {strides = array<i32>} : memref<128x128xf32, #tpu.memory_space<vmem>>, vector<1x16xf32>,
        %swap3A_656 = vector.shape_cast %swap3A_655 : vector<1x16xf32> to vector<16xf32>
        %swap3A_657 = vector.shape_cast %mul3A_648 : vector<16xf32> to vector<1x16xf32>
        tpu.vector_store %swap3A_652[%swap3A_653, %swap3A_654], %swap3A_657 {strides = array<i32>} : memref<128x128xf32, #tpu.memory_space<vmem>>, vector<1x16xf32>,
        %get3A_658 = arith.constant 0 : i32
        %get3A_659 = arith.constant 0 : i32
        %get3A_660 = tpu.memref_slice %arg6[%scan3A_356, %get3A_658, %get3A_659] : memref<5x128x128xf32, #tpu.memory_space<vmem>> -> memref<1x128x128xf32, #tpu.memory_space<vmem>>
        %get3A_661 = tpu.memref_squeeze %get3A_660 : memref<1x128x128xf32, #tpu.memory_space<vmem>> -> memref<128x128xf32, #tpu.memory_space<vmem>>
        %get3A_662 = arith.index_cast %scan3A_537 : i32 to index
        %get3A_663 = arith.constant 96 : index
        %get3A_664 = tpu.vector_load %get3A_661[%get3A_662, %get3A_663] {strides = array<i32>} : memref<128x128xf32, #tpu.memory_space<vmem>>, vector<1x16xf32>,
        %get3A_665 = vector.shape_cast %get3A_664 : vector<1x16xf32> to vector<16xf32>
        %mul3A_666 = arith.constant 11.3137083 : f32
        %mul3A_667 = vector.broadcast %mul3A_666 : f32 to vector<16xf32>
        %mul3A_668 = arith.mulf %get3A_665, %mul3A_667 : vector<16xf32>
        %swap3A_669 = arith.constant 0 : i32
        %swap3A_670 = arith.constant 0 : i32
        %swap3A_671 = tpu.memref_slice %arg6[%scan3A_356, %swap3A_669, %swap3A_670] : memref<5x128x128xf32, #tpu.memory_space<vmem>> -> memref<1x128x128xf32, #tpu.memory_space<vmem>>
        %swap3A_672 = tpu.memref_squeeze %swap3A_671 : memref<1x128x128xf32, #tpu.memory_space<vmem>> -> memref<128x128xf32, #tpu.memory_space<vmem>>
        %swap3A_673 = arith.index_cast %scan3A_537 : i32 to index
        %swap3A_674 = arith.constant 96 : index
        %swap3A_675 = tpu.vector_load %swap3A_672[%swap3A_673, %swap3A_674] {strides = array<i32>} : memref<128x128xf32, #tpu.memory_space<vmem>>, vector<1x16xf32>,
        %swap3A_676 = vector.shape_cast %swap3A_675 : vector<1x16xf32> to vector<16xf32>
        %swap3A_677 = vector.shape_cast %mul3A_668 : vector<16xf32> to vector<1x16xf32>
        tpu.vector_store %swap3A_672[%swap3A_673, %swap3A_674], %swap3A_677 {strides = array<i32>} : memref<128x128xf32, #tpu.memory_space<vmem>>, vector<1x16xf32>,
        %get3A_678 = arith.constant 0 : i32
        %get3A_679 = arith.constant 0 : i32
        %get3A_680 = tpu.memref_slice %arg6[%scan3A_356, %get3A_678, %get3A_679] : memref<5x128x128xf32, #tpu.memory_space<vmem>> -> memref<1x128x128xf32, #tpu.memory_space<vmem>>
        %get3A_681 = tpu.memref_squeeze %get3A_680 : memref<1x128x128xf32, #tpu.memory_space<vmem>> -> memref<128x128xf32, #tpu.memory_space<vmem>>
        %get3A_682 = arith.index_cast %scan3A_537 : i32 to index
        %get3A_683 = arith.constant 112 : index
        %get3A_684 = tpu.vector_load %get3A_681[%get3A_682, %get3A_683] {strides = array<i32>} : memref<128x128xf32, #tpu.memory_space<vmem>>, vector<1x16xf32>,
        %get3A_685 = vector.shape_cast %get3A_684 : vector<1x16xf32> to vector<16xf32>
        %mul3A_686 = arith.constant 11.3137083 : f32
        %mul3A_687 = vector.broadcast %mul3A_686 : f32 to vector<16xf32>
        %mul3A_688 = arith.mulf %get3A_685, %mul3A_687 : vector<16xf32>
        %swap3A_689 = arith.constant 0 : i32
        %swap3A_690 = arith.constant 0 : i32
        %swap3A_691 = tpu.memref_slice %arg6[%scan3A_356, %swap3A_689, %swap3A_690] : memref<5x128x128xf32, #tpu.memory_space<vmem>> -> memref<1x128x128xf32, #tpu.memory_space<vmem>>
        %swap3A_692 = tpu.memref_squeeze %swap3A_691 : memref<1x128x128xf32, #tpu.memory_space<vmem>> -> memref<128x128xf32, #tpu.memory_space<vmem>>
        %swap3A_693 = arith.index_cast %scan3A_537 : i32 to index
        %swap3A_694 = arith.constant 112 : index
        %swap3A_695 = tpu.vector_load %swap3A_692[%swap3A_693, %swap3A_694] {strides = array<i32>} : memref<128x128xf32, #tpu.memory_space<vmem>>, vector<1x16xf32>,
        %swap3A_696 = vector.shape_cast %swap3A_695 : vector<1x16xf32> to vector<16xf32>
        %swap3A_697 = vector.shape_cast %mul3A_688 : vector<16xf32> to vector<1x16xf32>
        tpu.vector_store %swap3A_692[%swap3A_693, %swap3A_694], %swap3A_697 {strides = array<i32>} : memref<128x128xf32, #tpu.memory_space<vmem>>, vector<1x16xf32>,
      }
      %scan3A_361 = arith.constant 128 : i32
      %dma_start3A_362 = arith.constant 4 : i32
      %dma_start3A_363 = arith.constant 0 : i32
      %dma_start3A_364 = arith.constant 0 : i32
      %dma_start3A_365 = tpu.memref_slice %arg6[%dma_start3A_362, %dma_start3A_363, %dma_start3A_364] : memref<5x128x128xf32, #tpu.memory_space<vmem>> -> memref<1x128x128xf32, #tpu.memory_space<vmem>>
      %dma_start3A_366 = tpu.memref_squeeze %dma_start3A_365 : memref<1x128x128xf32, #tpu.memory_space<vmem>> -> memref<128x128xf32, #tpu.memory_space<vmem>>
      %dma_start3A_367 = arith.constant 0 : i32
      %dma_start3A_368 = tpu.memref_slice %arg4[%add3A_333, %mul3A_2, %dma_start3A_367] : memref<50x4096x128xf32, #tpu.memory_space<hbm>> -> memref<1x128x128xf32, #tpu.memory_space<hbm>>
      %dma_start3A_369 = tpu.memref_squeeze %dma_start3A_368 : memref<1x128x128xf32, #tpu.memory_space<hbm>> -> memref<128x128xf32, #tpu.memory_space<hbm>>
      %dma_start3A_370 = arith.constant 0 : i32
      %dma_start3A_371 = tpu.memref_slice %arg4[%add3A_333, %mul3A_2, %dma_start3A_370] : memref<50x4096x128xf32, #tpu.memory_space<hbm>> -> memref<1x128x128xf32, #tpu.memory_space<hbm>>
      %dma_start3A_372 = tpu.memref_squeeze %dma_start3A_371 : memref<1x128x128xf32, #tpu.memory_space<hbm>> -> memref<128x128xf32, #tpu.memory_space<hbm>>
      %dma_start3A_373 = arith.constant 0 : i32
      %dma_start3A_374 = arith.constant 0 : i32
      %dma_start3A_375 = tpu.memref_slice %arg6[%dma_start3A_362, %dma_start3A_373, %dma_start3A_374] : memref<5x128x128xf32, #tpu.memory_space<vmem>> -> memref<1x128x128xf32, #tpu.memory_space<vmem>>
      %dma_start3A_376 = tpu.memref_squeeze %dma_start3A_375 : memref<1x128x128xf32, #tpu.memory_space<vmem>> -> memref<128x128xf32, #tpu.memory_space<vmem>>
      tpu.enqueue_dma source(%dma_start3A_376 : memref<128x128xf32, #tpu.memory_space<vmem>>) target(%dma_start3A_372 : memref<128x128xf32, #tpu.memory_space<hbm>>) target_semaphore(%arg16 : memref<!tpu.dma_semaphore, #tpu.memory_space<semaphore_mem>>)
    }
    %scan3A_66 = arith.constant 10 : i32
    %dma_wait3A = arith.constant 0 : i32
    %dma_wait3A_67 = arith.constant 0 : i32
    %dma_wait3A_68 = arith.constant 0 : i32
    %dma_wait3A_69 = arith.constant 0 : i32
    %dma_wait3A_70 = tpu.memref_slice %arg6[%dma_wait3A, %dma_wait3A_68, %dma_wait3A_69] : memref<5x128x128xf32, #tpu.memory_space<vmem>> -> memref<1x128x128xf32, #tpu.memory_space<vmem>>
    %dma_wait3A_71 = tpu.memref_squeeze %dma_wait3A_70 : memref<1x128x128xf32, #tpu.memory_space<vmem>> -> memref<128x128xf32, #tpu.memory_space<vmem>>
    %dma_wait3A_72 = arith.constant 0 : i32
    %dma_wait3A_73 = tpu.memref_slice %arg4[%dma_wait3A_67, %mul3A_2, %dma_wait3A_72] : memref<50x4096x128xf32, #tpu.memory_space<hbm>> -> memref<1x128x128xf32, #tpu.memory_space<hbm>>
    %dma_wait3A_74 = tpu.memref_squeeze %dma_wait3A_73 : memref<1x128x128xf32, #tpu.memory_space<hbm>> -> memref<128x128xf32, #tpu.memory_space<hbm>>
    %dma_wait3A_75 = arith.constant 0 : i32
    %dma_wait3A_76 = tpu.memref_slice %arg4[%dma_wait3A_67, %mul3A_2, %dma_wait3A_75] : memref<50x4096x128xf32, #tpu.memory_space<hbm>> -> memref<1x128x128xf32, #tpu.memory_space<hbm>>
    %dma_wait3A_77 = tpu.memref_squeeze %dma_wait3A_76 : memref<1x128x128xf32, #tpu.memory_space<hbm>> -> memref<128x128xf32, #tpu.memory_space<hbm>>
    %dma_wait3A_78 = arith.constant 0 : i32
    %dma_wait3A_79 = arith.constant 0 : i32
    %dma_wait3A_80 = tpu.memref_slice %arg6[%dma_wait3A, %dma_wait3A_78, %dma_wait3A_79] : memref<5x128x128xf32, #tpu.memory_space<vmem>> -> memref<1x128x128xf32, #tpu.memory_space<vmem>>
    %dma_wait3A_81 = tpu.memref_squeeze %dma_wait3A_80 : memref<1x128x128xf32, #tpu.memory_space<vmem>> -> memref<128x128xf32, #tpu.memory_space<vmem>>
    tpu.wait_dma2 semaphore(%arg12 : memref<!tpu.dma_semaphore, #tpu.memory_space<semaphore_mem>>) src(%dma_wait3A_81 : memref<128x128xf32, #tpu.memory_space<vmem>>) dst(%dma_wait3A_77 : memref<128x128xf32, #tpu.memory_space<hbm>>)
    %dma_wait3A_82 = arith.constant 1 : i32
    %dma_wait3A_83 = arith.constant 0 : i32
    %dma_wait3A_84 = arith.constant 0 : i32
    %dma_wait3A_85 = arith.constant 0 : i32
    %dma_wait3A_86 = tpu.memref_slice %arg6[%dma_wait3A_82, %dma_wait3A_84, %dma_wait3A_85] : memref<5x128x128xf32, #tpu.memory_space<vmem>> -> memref<1x128x128xf32, #tpu.memory_space<vmem>>
    %dma_wait3A_87 = tpu.memref_squeeze %dma_wait3A_86 : memref<1x128x128xf32, #tpu.memory_space<vmem>> -> memref<128x128xf32, #tpu.memory_space<vmem>>
    %dma_wait3A_88 = arith.constant 0 : i32
    %dma_wait3A_89 = tpu.memref_slice %arg4[%dma_wait3A_83, %mul3A_2, %dma_wait3A_88] : memref<50x4096x128xf32, #tpu.memory_space<hbm>> -> memref<1x128x128xf32, #tpu.memory_space<hbm>>
    %dma_wait3A_90 = tpu.memref_squeeze %dma_wait3A_89 : memref<1x128x128xf32, #tpu.memory_space<hbm>> -> memref<128x128xf32, #tpu.memory_space<hbm>>
    %dma_wait3A_91 = arith.constant 0 : i32
    %dma_wait3A_92 = tpu.memref_slice %arg4[%dma_wait3A_83, %mul3A_2, %dma_wait3A_91] : memref<50x4096x128xf32, #tpu.memory_space<hbm>> -> memref<1x128x128xf32, #tpu.memory_space<hbm>>
    %dma_wait3A_93 = tpu.memref_squeeze %dma_wait3A_92 : memref<1x128x128xf32, #tpu.memory_space<hbm>> -> memref<128x128xf32, #tpu.memory_space<hbm>>
    %dma_wait3A_94 = arith.constant 0 : i32
    %dma_wait3A_95 = arith.constant 0 : i32
    %dma_wait3A_96 = tpu.memref_slice %arg6[%dma_wait3A_82, %dma_wait3A_94, %dma_wait3A_95] : memref<5x128x128xf32, #tpu.memory_space<vmem>> -> memref<1x128x128xf32, #tpu.memory_space<vmem>>
    %dma_wait3A_97 = tpu.memref_squeeze %dma_wait3A_96 : memref<1x128x128xf32, #tpu.memory_space<vmem>> -> memref<128x128xf32, #tpu.memory_space<vmem>>
    tpu.wait_dma2 semaphore(%arg13 : memref<!tpu.dma_semaphore, #tpu.memory_space<semaphore_mem>>) src(%dma_wait3A_97 : memref<128x128xf32, #tpu.memory_space<vmem>>) dst(%dma_wait3A_93 : memref<128x128xf32, #tpu.memory_space<hbm>>)
    %dma_wait3A_98 = arith.constant 2 : i32
    %dma_wait3A_99 = arith.constant 0 : i32
    %dma_wait3A_100 = arith.constant 0 : i32
    %dma_wait3A_101 = arith.constant 0 : i32
    %dma_wait3A_102 = tpu.memref_slice %arg6[%dma_wait3A_98, %dma_wait3A_100, %dma_wait3A_101] : memref<5x128x128xf32, #tpu.memory_space<vmem>> -> memref<1x128x128xf32, #tpu.memory_space<vmem>>
    %dma_wait3A_103 = tpu.memref_squeeze %dma_wait3A_102 : memref<1x128x128xf32, #tpu.memory_space<vmem>> -> memref<128x128xf32, #tpu.memory_space<vmem>>
    %dma_wait3A_104 = arith.constant 0 : i32
    %dma_wait3A_105 = tpu.memref_slice %arg4[%dma_wait3A_99, %mul3A_2, %dma_wait3A_104] : memref<50x4096x128xf32, #tpu.memory_space<hbm>> -> memref<1x128x128xf32, #tpu.memory_space<hbm>>
    %dma_wait3A_106 = tpu.memref_squeeze %dma_wait3A_105 : memref<1x128x128xf32, #tpu.memory_space<hbm>> -> memref<128x128xf32, #tpu.memory_space<hbm>>
    %dma_wait3A_107 = arith.constant 0 : i32
    %dma_wait3A_108 = tpu.memref_slice %arg4[%dma_wait3A_99, %mul3A_2, %dma_wait3A_107] : memref<50x4096x128xf32, #tpu.memory_space<hbm>> -> memref<1x128x128xf32, #tpu.memory_space<hbm>>
    %dma_wait3A_109 = tpu.memref_squeeze %dma_wait3A_108 : memref<1x128x128xf32, #tpu.memory_space<hbm>> -> memref<128x128xf32, #tpu.memory_space<hbm>>
    %dma_wait3A_110 = arith.constant 0 : i32
    %dma_wait3A_111 = arith.constant 0 : i32
    %dma_wait3A_112 = tpu.memref_slice %arg6[%dma_wait3A_98, %dma_wait3A_110, %dma_wait3A_111] : memref<5x128x128xf32, #tpu.memory_space<vmem>> -> memref<1x128x128xf32, #tpu.memory_space<vmem>>
    %dma_wait3A_113 = tpu.memref_squeeze %dma_wait3A_112 : memref<1x128x128xf32, #tpu.memory_space<vmem>> -> memref<128x128xf32, #tpu.memory_space<vmem>>
    tpu.wait_dma2 semaphore(%arg14 : memref<!tpu.dma_semaphore, #tpu.memory_space<semaphore_mem>>) src(%dma_wait3A_113 : memref<128x128xf32, #tpu.memory_space<vmem>>) dst(%dma_wait3A_109 : memref<128x128xf32, #tpu.memory_space<hbm>>)
    %dma_wait3A_114 = arith.constant 3 : i32
    %dma_wait3A_115 = arith.constant 0 : i32
    %dma_wait3A_116 = arith.constant 0 : i32
    %dma_wait3A_117 = arith.constant 0 : i32
    %dma_wait3A_118 = tpu.memref_slice %arg6[%dma_wait3A_114, %dma_wait3A_116, %dma_wait3A_117] : memref<5x128x128xf32, #tpu.memory_space<vmem>> -> memref<1x128x128xf32, #tpu.memory_space<vmem>>
    %dma_wait3A_119 = tpu.memref_squeeze %dma_wait3A_118 : memref<1x128x128xf32, #tpu.memory_space<vmem>> -> memref<128x128xf32, #tpu.memory_space<vmem>>
    %dma_wait3A_120 = arith.constant 0 : i32
    %dma_wait3A_121 = tpu.memref_slice %arg4[%dma_wait3A_115, %mul3A_2, %dma_wait3A_120] : memref<50x4096x128xf32, #tpu.memory_space<hbm>> -> memref<1x128x128xf32, #tpu.memory_space<hbm>>
    %dma_wait3A_122 = tpu.memref_squeeze %dma_wait3A_121 : memref<1x128x128xf32, #tpu.memory_space<hbm>> -> memref<128x128xf32, #tpu.memory_space<hbm>>
    %dma_wait3A_123 = arith.constant 0 : i32
    %dma_wait3A_124 = tpu.memref_slice %arg4[%dma_wait3A_115, %mul3A_2, %dma_wait3A_123] : memref<50x4096x128xf32, #tpu.memory_space<hbm>> -> memref<1x128x128xf32, #tpu.memory_space<hbm>>
    %dma_wait3A_125 = tpu.memref_squeeze %dma_wait3A_124 : memref<1x128x128xf32, #tpu.memory_space<hbm>> -> memref<128x128xf32, #tpu.memory_space<hbm>>
    %dma_wait3A_126 = arith.constant 0 : i32
    %dma_wait3A_127 = arith.constant 0 : i32
    %dma_wait3A_128 = tpu.memref_slice %arg6[%dma_wait3A_114, %dma_wait3A_126, %dma_wait3A_127] : memref<5x128x128xf32, #tpu.memory_space<vmem>> -> memref<1x128x128xf32, #tpu.memory_space<vmem>>
    %dma_wait3A_129 = tpu.memref_squeeze %dma_wait3A_128 : memref<1x128x128xf32, #tpu.memory_space<vmem>> -> memref<128x128xf32, #tpu.memory_space<vmem>>
    tpu.wait_dma2 semaphore(%arg15 : memref<!tpu.dma_semaphore, #tpu.memory_space<semaphore_mem>>) src(%dma_wait3A_129 : memref<128x128xf32, #tpu.memory_space<vmem>>) dst(%dma_wait3A_125 : memref<128x128xf32, #tpu.memory_space<hbm>>)
    %dma_wait3A_130 = arith.constant 4 : i32
    %dma_wait3A_131 = arith.constant 0 : i32
    %dma_wait3A_132 = arith.constant 0 : i32
    %dma_wait3A_133 = arith.constant 0 : i32
    %dma_wait3A_134 = tpu.memref_slice %arg6[%dma_wait3A_130, %dma_wait3A_132, %dma_wait3A_133] : memref<5x128x128xf32, #tpu.memory_space<vmem>> -> memref<1x128x128xf32, #tpu.memory_space<vmem>>
    %dma_wait3A_135 = tpu.memref_squeeze %dma_wait3A_134 : memref<1x128x128xf32, #tpu.memory_space<vmem>> -> memref<128x128xf32, #tpu.memory_space<vmem>>
    %dma_wait3A_136 = arith.constant 0 : i32
    %dma_wait3A_137 = tpu.memref_slice %arg4[%dma_wait3A_131, %mul3A_2, %dma_wait3A_136] : memref<50x4096x128xf32, #tpu.memory_space<hbm>> -> memref<1x128x128xf32, #tpu.memory_space<hbm>>
    %dma_wait3A_138 = tpu.memref_squeeze %dma_wait3A_137 : memref<1x128x128xf32, #tpu.memory_space<hbm>> -> memref<128x128xf32, #tpu.memory_space<hbm>>
    %dma_wait3A_139 = arith.constant 0 : i32
    %dma_wait3A_140 = tpu.memref_slice %arg4[%dma_wait3A_131, %mul3A_2, %dma_wait3A_139] : memref<50x4096x128xf32, #tpu.memory_space<hbm>> -> memref<1x128x128xf32, #tpu.memory_space<hbm>>
    %dma_wait3A_141 = tpu.memref_squeeze %dma_wait3A_140 : memref<1x128x128xf32, #tpu.memory_space<hbm>> -> memref<128x128xf32, #tpu.memory_space<hbm>>
    %dma_wait3A_142 = arith.constant 0 : i32
    %dma_wait3A_143 = arith.constant 0 : i32
    %dma_wait3A_144 = tpu.memref_slice %arg6[%dma_wait3A_130, %dma_wait3A_142, %dma_wait3A_143] : memref<5x128x128xf32, #tpu.memory_space<vmem>> -> memref<1x128x128xf32, #tpu.memory_space<vmem>>
    %dma_wait3A_145 = tpu.memref_squeeze %dma_wait3A_144 : memref<1x128x128xf32, #tpu.memory_space<vmem>> -> memref<128x128xf32, #tpu.memory_space<vmem>>
    tpu.wait_dma2 semaphore(%arg16 : memref<!tpu.dma_semaphore, #tpu.memory_space<semaphore_mem>>) src(%dma_wait3A_145 : memref<128x128xf32, #tpu.memory_space<vmem>>) dst(%dma_wait3A_141 : memref<128x128xf32, #tpu.memory_space<hbm>>)
    return
  }
}

</mosaic_0001>

<sc_bundles>
// kernel: _embed_scaled.3.cloned.1.call-start
scs
__scs_entry_jumppad:
0x0: {  	(pc) =	sbr.rel $0x88, $3  }
0x1: {  	(tag) =	ssettag $0x0;
	lr =	simm.s32 $0x1  }
0x2: {  	[smem:$0x3F9F] =	sst lr;
	_ =	strace $0xD0000000  }
0x3: {  	_ = 	snop  }
0x4: {  	_ = 	snop  }
0x5: {  	_ = 	snop  }
0x6: {  	_ = 	snop  }
0x7: {  	_ = 	snop  }
__scs_overlays_trampoline_lowered:
0x8: {  	[smem:$0x3FAE] =	sst s0  }
0x9: {  	[smem:$0x3FAF] =	sst s1  }
0xa: {  	[smem:$0x3FB0] =	sst s2  }
0xb: {  	[smem:$0x3FB1] =	sst s3  }
0xc: {  	[smem:$0x3FB2] =	sst s4  }
0xd: {  	[smem:$0x3FB3] =	sst s5  }
0xe: {  	[smem:$0x3FB4] =	sst s6  }
0xf: {  	[smem:$0x3FB5] =	sst s7  }
0x10: {  	[smem:$0x3FB6] =	sst s8  }
0x11: {  	[smem:$0x3FB7] =	sst s9;
	s0 =	simm.s32 @!p0 $0x0  }
0x12: {  	s1 =	sld [smem:$0x3F9D];
	s0 =	simm.s32 @p0 $0x1  }
0x13: {  	[smem:$0x3FB8] =	sst s0;
	s0 =	simm.s32 @!p1 $0x0  }
0x14: {  	s2 =	sld [smem:$0x3F9C];
	s0 =	simm.s32 @p1 $0x1  }
0x15: {  	[smem:$0x3FB9] =	sst s0;
	s0 =	simm.s32 @!p2 $0x0  }
0x16: {  	s3 =	sld [smem:$0x3FDB];
	s0 =	simm.s32 @p2 $0x1  }
0x17: {  	s4 =	simm.s32 $0x1BF5;
	[smem:$0x3FBB] =	sst s0  }
0x18: {  	s0 =	sld [smem:$0x3F9E];
	_ =	swait.ge [sflag:s4], $0x0  }
0x19: {  	s7 =	sld [smem:$0x3F9F]  }
0x1a: {  	s8 =	sadd.s32 $0xFFFFE003, lr  }
0x1b: {  	s9 =	sadd.s32 $0xFFFFFEF7, lr;
	s5 =	simm.s32 $0xFFFFFFFF;
	p2 =	slt.u32 s8, $0xFFFFF086  }
0x1c: {  	p1 =	slt.u32 s9, $0xF7A;
	s5 =	simm.s32 @!p2 $0x0  }
0x1d: {  	s5 =	simm.s32 @p1 $0x1;
	p0 =	seq.s32 s7, s2  }
0x1e: {  	s7 =	smul.u32 @!p0 $0xF7A, s2;
	p2 =	seq.s32 @!p0 s5, $0x0  }
0x1f: {  	s9 =	smul.u32 $0xF7A, s1;
	s8 =	simm.s32 @!p0 $0x1BF5;
	p2 =	por !p2, p0  }
0x20: {  	[sflag:s8] =	ssyncset.s32 @!p0 $0xFFFFF086;
	s6 =	sadd.s32 @!p0 s3, s7;
	s7 =	simm.s32 @!p0 $0x108  }
0x21: {  	s3 =	sadd.s32 s3, s9;
	s6 =	sadd.s32 @!p0 $0x88, s6;
	s7 =	simm.s32 @p2 $0x1082  }
0x22: {  	[simem:s7], [sflag:s8] =	dma.local @!p0 [hbm:s6], $0xF7A  }
0x23: {  	s9 =	sor.u32 $0xD0000000, s2;
	s6 =	simm.s32 $0x108;
	_ =	swait.ge @!p0 [sflag:s8], $0x0  }
0x24: {  	s3 =	sadd.s32 $0x88, s3;
	s6 =	simm.s32 @!p1 $0x1082;
	[sflag:s4] =	ssyncset.s32 $0xFFFFF086  }
0x25: {  	[simem:s6], [sflag:s4] =	dma.local [hbm:s3], $0xF7A  }
0x26: {  	[smem:$0x3F9F] =	sst s1;
	(tag) =	ssettag s2;
	_ =	strace s9  }
0x27: {  	s1 =	sld [smem:$0x3FAF]  }
0x28: {  	s2 =	sld [smem:$0x3FB0]  }
0x29: {  	s4 =	sld [smem:$0x3FB2]  }
0x2a: {  	p0 =	seq.s32 s5, $0x0;
	s5 =	sld [smem:$0x3FB3]  }
0x2b: {  	s6 =	sld [smem:$0x3FB4]  }
0x2c: {  	s7 =	sld [smem:$0x3FB5]  }
0x2d: {  	s3 =	simm.s32 $0x108;
	s8 =	sld [smem:$0x3FB6]  }
0x2e: {  	s3 =	simm.s32 @!p0 $0x1082;
	s9 =	sld [smem:$0x3FB7]  }
0x2f: {  	lr =	sadd.s32 s0, s3;
	s0 =	sld [smem:$0x3FAE]  }
0x30: {  	s3 =	sld [smem:$0x3FB1]  }
0x31: {  	[smem:$0x3FBA] =	sst s10  }
0x32: {  	s10 =	sld [smem:$0x3FB8];
	_ =	sdelay $0x3  }
0x33: {  	p0 =	seq.s32 s10, $0x1;
	s10 =	sld [smem:$0x3FBA];
	_ =	sdelay $0x3  }
0x34: {  	[smem:$0x3FBA] =	sst s10  }
0x35: {  	s10 =	sld [smem:$0x3FB9];
	_ =	sdelay $0x3  }
0x36: {  	p1 =	seq.s32 s10, $0x1;
	s10 =	sld [smem:$0x3FBA];
	_ =	sdelay $0x3  }
0x37: {  	[smem:$0x3FBA] =	sst s10  }
0x38: {  	s10 =	sld [smem:$0x3FBB]  }
0x39: {  	_ = 	snop;
	(pc) =	sbr.ind lr, $3  }
0x3a: {  	_ = 	snop  }
0x3b: {  	_ = 	snop  }
0x3c: {  	p2 =	seq.s32 s10, $0x1;
	s10 =	sld [smem:$0x3FBA]  }
0x3d: {  	_ =	shalt  }
0x3e: {  	_ =	shalt  }
0x3f: {  	_ =	shalt  }
0x40: {  	_ =	shalt  }
0x41: {  	_ =	shalt  }
0x42: {  	_ =	shalt  }
0x43: {  	_ =	shalt  }
0x44: {  	_ =	shalt  }
0x45: {  	_ =	shalt  }
0x46: {  	_ =	shalt  }
0x47: {  	_ =	shalt  }
0x48: {  	_ =	shalt  }
0x49: {  	_ =	shalt  }
0x4a: {  	_ =	shalt  }
0x4b: {  	_ =	shalt  }
0x4c: {  	_ =	shalt  }
0x4d: {  	_ =	shalt  }
0x4e: {  	_ =	shalt  }
0x4f: {  	_ =	shalt  }
0x50: {  	_ =	shalt  }
0x51: {  	_ =	shalt  }
0x52: {  	_ =	shalt  }
0x53: {  	_ =	shalt  }
0x54: {  	_ =	shalt  }
0x55: {  	_ =	shalt  }
0x56: {  	_ =	shalt  }
0x57: {  	_ =	shalt  }
0x58: {  	_ =	shalt  }
0x59: {  	_ =	shalt  }
0x5a: {  	_ =	shalt  }
0x5b: {  	_ =	shalt  }
0x5c: {  	_ =	shalt  }
0x5d: {  	_ =	shalt  }
0x5e: {  	_ =	shalt  }
0x5f: {  	_ =	shalt  }
0x60: {  	_ =	shalt  }
0x61: {  	_ =	shalt  }
0x62: {  	_ =	shalt  }
0x63: {  	_ =	shalt  }
0x64: {  	_ =	shalt  }
0x65: {  	_ =	shalt  }
0x66: {  	_ =	shalt  }
0x67: {  	_ =	shalt  }
0x68: {  	_ =	shalt  }
0x69: {  	_ =	shalt  }
0x6a: {  	_ =	shalt  }
0x6b: {  	_ =	shalt  }
0x6c: {  	_ =	shalt  }
0x6d: {  	_ =	shalt  }
0x6e: {  	_ =	shalt  }
0x6f: {  	_ =	shalt  }
0x70: {  	_ =	shalt  }
0x71: {  	_ =	shalt  }
0x72: {  	_ =	shalt  }
0x73: {  	_ =	shalt  }
0x74: {  	_ =	shalt  }
0x75: {  	_ =	shalt  }
0x76: {  	_ =	shalt  }
0x77: {  	_ =	shalt  }
0x78: {  	_ =	shalt  }
0x79: {  	_ =	shalt  }
0x7a: {  	_ =	shalt  }
0x7b: {  	_ =	shalt  }
0x7c: {  	_ =	shalt  }
0x7d: {  	_ =	shalt  }
0x7e: {  	_ =	shalt  }
0x7f: {  	_ =	shalt  }
0x80: {  	_ =	shalt  }
0x81: {  	_ =	shalt  }
0x82: {  	_ =	shalt  }
0x83: {  	_ =	shalt  }
0x84: {  	_ =	shalt  }
0x85: {  	_ =	shalt  }
0x86: {  	_ =	shalt  }
0x87: {  	_ =	shalt  }
.Lfunc_end0:
.L_simem_size_0:
called_computation_lowered:
.L_overlay_start_0:
0x88: {  	s2 =	sld [smem:$0x3FD9]  }
0x89: {  	s3 =	sld [smem:$0x3FFE];
	_ =	sdelay $0x1  }
0x8a: {  	s1 =	srdreg.scid  }
0x8b: {  	s0 =	sand.u32 $0x1, s1  }
0x8c: {  	s18 =	sshll.u32 s0, $0xA;
	s2 =	sadd.s32 s3, s2  }
0x8d: {  	s2 =	sadd.s32 s2, s18  }
0x8e: {  	[smem:$0x3FC6] =	sst s2  }
0x8f: {  	_ = 	snop  }
0x90: {  	s2 =	sld [smem:$0x3FC9]  }
0x91: {  	s19 =	sld [smem:$0x3FC8]  }
0x92: {  	s4 =	sld [smem:$0x3FD0];
	(tm) =	ssettm $0x1  }
0x93: {  	s5 =	sld [smem:$0x3FFB];
	_ =	sdelay $0x3  }
0x94: {  	_ =	strace s5  }
0x95: {  	s5 =	sld [smem:$0x3FFC];
	_ =	sdelay $0x3  }
0x96: {  	_ =	strace s5  }
0x97: {  	s5 =	sld [smem:$0x3FFD];
	_ =	sdelay $0x3  }
0x98: {  	_ =	strace s5  }
0x99: {  	_ =	strace $0x8FFFFFFF  }
0x9a: {  	s20 =	sld [smem:$0x3FDB];
	_ =	sdelay $0x1  }
0x9b: {  	s6 =	simm.s32 $_scs_section_size  }
0x9c: {  	s7 =	simm.s32 $_size__tile_overlayer_lowered;
	s8 =	simm.s32 $_tile_overlayer_lowered  }
0x9d: {  	s23 =	simm.s32 $0x1BFF;
	s22 =	sshll.u32 s8, $0x1;
	s5 =	sadd.s32 s6, s20  }
0x9e: {  	s9 =	simm.s32 $0x0;
	s21 =	sshll.u32 s7, $0x1;
	s7 =	sadd.s32 s22, s5  }
0x9f: {  	[timem:s9], [sflag:s23] =	dma.local [hbm:s7], s21  }
0xa0: {  	_ =	swait.ge [sflag:s23], s21  }
0xa1: {  	s6 =	ssub.s32 $0x0, s21;
	[sflag:s23] =	ssyncset.done $0x0  }
0xa2: {  	[sflag:s23] =	ssyncadd.s32 s6;
	_ =	sdelay $0x1  }
0xa3: {  	s24 =	simm.s32 $0x1B8B  }
0xa4: {  	_ =	swait.ge [sflag:s24], $0x1  }
0xa5: {  	[sflag:s24] =	ssyncset.done $0x0  }
0xa6: {  	s25 =	simm.s32 $0x1B8E;
	[sflag:s24] =	ssyncadd.s32 $0xFFFFFFFF  }
0xa7: {  	s26 =	simm.s32 $execute0_lowered;
	[smem:$0x3FD2] =	sst s25  }
0xa8: {  	s6 =	sshll.u32 s26, $0x1;
	_ =	strace $0x80000046;
	[dreg:$0x1] =	wrdreg $0xFFFFFFFF  }
0xa9: {  	s28 =	simm.s32 $_size_execute0_lowered;
	s5 =	sadd.s32 s5, s6;
	[dreg:$0x0] =	wrdreg $0x0  }
0xaa: {  	s6 =	sshll.u32 s28, $0x1;
	[dreg:$0x2] =	wrdreg s5  }
0xab: {  	[dreg:$0x3] =	wrdreg s6  }
0xac: {  	[dreg:$0x4] =	wrdreg $0xC0  }
0xad: {  	_ =	task [dreg:s9], $0x5FFFF  }
0xae: {  	[dreg:$0x1] =	wrdreg $0xFFFFFFFF  }
0xaf: {  	[dreg:$0x0] =	wrdreg $0x60  }
0xb0: {  	[dreg:$0x2] =	wrdreg s2  }
0xb1: {  	[dreg:$0x3] =	wrdreg s19  }
0xb2: {  	[dreg:$0x4] =	wrdreg s4  }
0xb3: {  	[dreg:$0x5] =	wrdreg $0x9  }
0xb4: {  	_ =	task.clear_ibuf [dreg:s9], $0x6FFFF;
	_ =	strace $0x90000046  }
0xb5: {  	s29 =	simm.s32 $0x9;
	_ =	strace $0x80000048  }
0xb6: {  	_ =	swait.ge [sflag:s29], $0x1  }
0xb7: {  	[sflag:s29] =	ssyncadd.s32 $0xFFFFFFFF  }
0xb8: {  	_ =	strace $0x90000048  }
0xb9: {  	_ =	sfence  }
0xba: {  	s30 =	sld [smem:$0x0];
	_ =	sdelay $0x2  }
0xbb: {  	s31 =	sshll.u32 s1, $0xD;
	s1 =	sshrl.u32 s1, $0x2  }
0xbc: {  	s3 =	sand.u32 $0x4000, s31;
	s1 =	sadd.s32 s1, s30  }
0xbd: {  	s0 =	sor.u32 s3, s0;
	s1 =	sshll.u32 s1, $0x11  }
0xbe: {  	s0 =	sor.u32 s1, s0  }
0xbf: {  	s0 =	sadd.s32 $0x8F2B, s0  }
0xc0: {  	[sflag:s0] =	ssyncadd.remote.s32 $0x1  }
0xc1: {  	_ =	sfence.sel $0xFFFF  }
0xc2: {  	[dreg:$0x0] =	wrdreg $0xFFFFFFFF;
	(pc) =	sbr.abs _section_cstart, $3  }
0xc3: {  	[dreg:$0x1] =	wrdreg $0xFFFFFFFF  }
0xc4: {  	_ =	task.clear_ibuf [dreg:s9], $0x2FFFF;
	_ =	strace $0x9FFFFFFF  }
0xc5: {  	(tm) =	ssettm $0x7FFFFFFF  }
tec
execute0_lowered:
.L_overlay_start_1:
0x0: {  	(tag) =	ssettag $0x1  }
0x1: {  	s0 =	rddreg [dreg:$0x0]  }
0x2: {  	s1 =	rddreg [dreg:$0x1]  }
0x3: {  	s3 =	rddreg [dreg:$0x2]  }
0x4: {  	s2 =	srdreg.scid;
	s4 =	simm.s32 $0x0;
	s5 =	stileid.u32  }
0x5: {  	s16 =	simm.s32 $0x80;
	s17 =	simm.s32 $0x1C00;
	s18 =	simm.s32 $0x5C00  }
0x6: {  	s20 =	simm.s32 $0x9C00;
	s22 =	simm.s32 $0xDC00;
	s24 =	simm.s32 $0x11C00  }
0x7: {  	s28 =	simm.s32 $0x3;
	s29 =	simm.s32 $0x4;
	s30 =	simm.s32 $0x5  }
0x8: {  	s31 =	simm.s32 $0x6;
	s12 =	simm.s32 $0x9;
	s13 =	simm.s32 $0xA  }
0x9: {  	s14 =	simm.s32 $0x0;
	s2 =	sand.u32 $0x1, s2;
	[smem:$0x7FF] =	sst s4  }
0xa: {  	s5 =	sshll.u32 s5, $0x8;
	s6 =	sshll.u32 s2, $0x7;
	s2 =	ssub.s32 $0x2, s2  }
0xb: {  	_ =	strace $0x80000047;
	s5 =	sor.u32 s6, s5;
	s7 =	sshrl.u32 s2, $0x1  }
0xc: {  	s8 =	sadd.s32 s0, s5;
	s6 =	sshll.u32 s5, $0x7;
	s25 =	ssub.s32 s2, s7  }
0xd: {  	s2 =	simm.s32 $0x8;
	[dreg:$0x4] =	wrdreg s8;
	s26 =	sadd.s32 $0x6000, s8  }
0xe: {  	s8 =	sor.u32 $0x80000, s6;
	s9 =	sor.u32 $0x100000, s6;
	s10 =	sor.u32 $0x180000, s6  }
0xf: {  	s0 =	smax.u32 s25, $0x1;
	s25 =	simm.s32 $0x1;
	[dreg:$0x5] =	wrdreg s26  }
0x10: {  	[dreg:$0x6] =	wrdreg s0;
	s26 =	simm.s32 $0x2;
	s0 =	simm.s32 $0x7  }
.LBB2_1:
0x11: {  	s5 =	rddreg [dreg:$0x4];
	s7 =	simm.s32 $0x400;
	s11 =	simm.s32 $0x8000  }
0x12: {  	[tilespmem:s4], [sflag:$0xB] =	stream.strided.gather [hbm4b:s5+s7], $0x1800, s11, s7, $0x38;
	[tilespmem:$0x15C00] =	vst v63  }
0x13: {  	s15 =	simm.s32 $0xB;
	s7 =	rddreg [dreg:$0x5];
	s11 =	simm.s32 $0x1800  }
0x14: {  	[tilespmem:s11], [sflag:$0xB] =	stream.linear.gather [hbm4b:s7+s4], $0x100, $0x38;
	[tilespmem:$0x15C00] =	vst v63  }
0x15: {  	_ =	swait.ge [sflag:s15], $0x1900  }
0x16: {  	[sflag:s15] =	ssyncset.done $0x0  }
0x17: {  	[sflag:s15] =	ssyncadd.s32 $0xFFFFE700  }
0x18: {  	[tilespmem:s17], [sflag:$0x1] =	stream.indirect.gather [hbm4b:s1+s16], $0x80, s4, s16, $0xb8;
	[tilespmem:$0x15C00] =	vst v63  }
0x19: {  	_ = 	snop  }
0x1a: {  	[tilespmem:s18], [sflag:$0x2] =	stream.indirect.gather [hbm4b:s1+s16], $0x80, s16, s16, $0xb8;
	[tilespmem:$0x15C00] =	vst v63  }
0x1b: {  	s19 =	simm.s32 $0x100  }
0x1c: {  	[tilespmem:s20], [sflag:$0x3] =	stream.indirect.gather [hbm4b:s1+s16], $0x80, s19, s16, $0xb8;
	[tilespmem:$0x15C00] =	vst v63  }
0x1d: {  	s21 =	simm.s32 $0x180  }
0x1e: {  	[tilespmem:s22], [sflag:$0x4] =	stream.indirect.gather [hbm4b:s1+s16], $0x80, s21, s16, $0xb8;
	[tilespmem:$0x15C00] =	vst v63  }
0x1f: {  	s23 =	simm.s32 $0x200;
	s19 =	simm.s32 $0x0  }
0x20: {  	[tilespmem:s24], [sflag:$0x5] =	stream.indirect.gather [hbm4b:s1+s16], $0x80, s23, s16, $0xb8;
	[tilespmem:$0x15C00] =	vst v63  }
.LBB2_2:
0x21: {  	s5 =	smul.u32 $0x5, s19;
	_ =	sdelay $0x1  }
0x22: {  	s7 =	sadd.s32 $0xFFFFFFFF, s5  }
0x23: {  	p0 =	sgt.u32 s7, $0x2C  }
0x24: {  	s7 =	simm.s32 @!p0 $0xA  }
0x25: {  	s21 =	sadd.s32 $0x4, s5;
	_ =	swait.ge @!p0 [sflag:s7], $0x4000  }
0x26: {  	s5 =	sshll.u32 @!p0 s21, $0x7;
	s11 =	simm.s32 @!p0 $0x11C00;
	[sflag:s7] =	ssyncset.done @!p0 $0x0  }
0x27: {  	s5 =	sand.u32 @!p0 $0x3FFFFF80, s5;
	[sflag:s7] =	ssyncadd.s32 @!p0 $0xFFFFC000;
	s7 =	simm.s32 @!p0 $0x80  }
0x28: {  	[tilespmem:s11], [sflag:$0x5] =	stream.indirect.gather @!p0 [hbm4b:s1+s7], $0x80, s5, s7, $0xb8;
	[tilespmem:$0x15C00] =	vst v63  }
0x29: {  	_ =	swait.ge [sflag:s25], $0x4000  }
0x2a: {  	[sflag:s25] =	ssyncset.done $0x0  }
0x2b: {  	s7 =	simm.s32 $0x1C80;
	[sflag:s25] =	ssyncadd.s32 $0xFFFFC000  }
0x2c: {  	v0 =	vld [tilespmem:s7+$0xFFFFFF80]  }
0x2d: {  	v1 =	vld [tilespmem:s7+$0xFFFFFF90]  }
0x2e: {  	v2 =	vld [tilespmem:s7+$0xFFFFFFA0]  }
0x2f: {  	v3 =	vld [tilespmem:s7+$0xFFFFFFB0]  }
0x30: {  	v4 =	vld [tilespmem:s7+$0xFFFFFFC0]  }
0x31: {  	v5 =	vld [tilespmem:s7+$0xFFFFFFD0];
	v0 =	vmul.f32 $1.131370830e+01, v0  }
0x32: {  	v6 =	vld [tilespmem:s7+$0xFFFFFFE0];
	v1 =	vmul.f32 $1.131370830e+01, v1  }
0x33: {  	[tilespmem:s7+$0xFFFFFF80] =	vst v0;
	v0 =	vmul.f32 $1.131370830e+01, v2;
	v2 =	vld [tilespmem:s7+$0x0]  }
0x34: {  	[tilespmem:s7+$0xFFFFFF90] =	vst v1;
	v1 =	vmul.f32 $1.131370830e+01, v3;
	v3 =	vld [tilespmem:s7+$0x10]  }
0x35: {  	[tilespmem:s7+$0xFFFFFFA0] =	vst v0;
	v0 =	vmul.f32 $1.131370830e+01, v4;
	v4 =	vld [tilespmem:s7+$0x20]  }
0x36: {  	v7 =	vld [tilespmem:s7+$0x30];
	[tilespmem:s7+$0xFFFFFFB0] =	vst v1;
	v1 =	vmul.f32 $1.131370830e+01, v5  }
0x37: {  	v5 =	vmul.f32 $1.131370830e+01, v6;
	[tilespmem:s7+$0xFFFFFFC0] =	vst v0;
	v0 =	vld [tilespmem:s7+$0x40]  }
0x38: {  	[tilespmem:s7+$0xFFFFFFD0] =	vst v1;
	v1 =	vmul.f32 $1.131370830e+01, v2;
	v2 =	vld [tilespmem:s7+$0x50]  }
0x39: {  	[tilespmem:s7+$0xFFFFFFE0] =	vst v5;
	v6 =	vmul.f32 $1.131370830e+01, v3;
	v3 =	vld [tilespmem:s7+$0x60]  }
0x3a: {  	[tilespmem:s7+$0x0] =	vst v1;
	v5 =	vmul.f32 $1.131370830e+01, v4;
	v4 =	vld [tilespmem:s7+$0x70]  }
0x3b: {  	s5 =	simm.s32 $0x0;
	s11 =	simm.s32 $0x1D80;
	v1 =	vld [tilespmem:s7+$0xFFFFFFF0];
	[tilespmem:s7+$0x10] =	vst v6;
	v6 =	vmul.f32 $1.131370830e+01, v7  }
.LBB2_3:
0x3c: {  	v7 =	vld [tilespmem:s11+$0xFFFFFF80];
	[tilespmem:s7+$0x20] =	vst v5;
	v0 =	vmul.f32 $1.131370830e+01, v0  }
0x3d: {  	v5 =	vld [tilespmem:s11+$0xFFFFFF90];
	[tilespmem:s7+$0x30] =	vst v6;
	v2 =	vmul.f32 $1.131370830e+01, v2  }
0x3e: {  	v6 =	vld [tilespmem:s11+$0xFFFFFFA0];
	[tilespmem:s7+$0x40] =	vst v0;
	v0 =	vmul.f32 $1.131370830e+01, v3  }
0x3f: {  	v3 =	vld [tilespmem:s11+$0xFFFFFFB0];
	[tilespmem:s7+$0x50] =	vst v2;
	v2 =	vmul.f32 $1.131370830e+01, v4  }
0x40: {  	v4 =	vld [tilespmem:s11+$0xFFFFFFC0];
	v1 =	vmul.f32 $1.131370830e+01, v1;
	[tilespmem:s7+$0x60] =	vst v0  }
0x41: {  	v0 =	vmul.f32 $1.131370830e+01, v7;
	v7 =	vld [tilespmem:s11+$0xFFFFFFD0];
	[tilespmem:s7+$0x70] =	vst v2  }
0x42: {  	v2 =	vmul.f32 $1.131370830e+01, v5;
	v5 =	vld [tilespmem:s11+$0xFFFFFFE0];
	[tilespmem:s7+$0xFFFFFFF0] =	vst v1;
	s7 =	smov.u32 s11  }
0x43: {  	[tilespmem:s11+$0xFFFFFF80] =	vst v0;
	v0 =	vmul.f32 $1.131370830e+01, v6;
	v1 =	vld [tilespmem:s11+$0x0]  }
0x44: {  	[tilespmem:s11+$0xFFFFFF90] =	vst v2;
	v2 =	vmul.f32 $1.131370830e+01, v3;
	v3 =	vld [tilespmem:s11+$0x10]  }
0x45: {  	s5 =	sadd.s32 $0x2, s5;
	[tilespmem:s11+$0xFFFFFFA0] =	vst v0;
	v0 =	vmul.f32 $1.131370830e+01, v4;
	v4 =	vld [tilespmem:s11+$0x20]  }
0x46: {  	p0 =	slt.u32 s5, $0x7E;
	[tilespmem:s11+$0xFFFFFFB0] =	vst v2;
	v2 =	vmul.f32 $1.131370830e+01, v7;
	v6 =	vld [tilespmem:s11+$0x30]  }
.Ltmp0:
0x47: {  	[tilespmem:s11+$0xFFFFFFC0] =	vst v0;
	v5 =	vmul.f32 $1.131370830e+01, v5;
	v0 =	vld [tilespmem:s11+$0x40];
	(pc) =	sbr.rel @p0 .LBB2_3-.Ltmp0, $4  }
0x48: {  	[tilespmem:s11+$0xFFFFFFD0] =	vst v2;
	v1 =	vmul.f32 $1.131370830e+01, v1;
	v2 =	vld [tilespmem:s11+$0x50]  }
0x49: {  	[tilespmem:s11+$0xFFFFFFE0] =	vst v5;
	v7 =	vmul.f32 $1.131370830e+01, v3;
	v3 =	vld [tilespmem:s11+$0x60]  }
0x4a: {  	[tilespmem:s11+$0x0] =	vst v1;
	v5 =	vmul.f32 $1.131370830e+01, v4;
	v4 =	vld [tilespmem:s11+$0x70]  }
0x4b: {  	s11 =	sadd.s32 $0x100, s11;
	v1 =	vld [tilespmem:s7+$0xFFFFFFF0];
	[tilespmem:s7+$0x10] =	vst v7;
	v6 =	vmul.f32 $1.131370830e+01, v6  }
0x4c: {  	[tilespmem:s7+$0x20] =	vst v5;
	v0 =	vmul.f32 $1.131370830e+01, v0  }
0x4d: {  	[tilespmem:s7+$0x30] =	vst v6;
	v2 =	vmul.f32 $1.131370830e+01, v2  }
0x4e: {  	s23 =	smul.u32 $0x280000, s19;
	[tilespmem:s7+$0x40] =	vst v0;
	v0 =	vmul.f32 $1.131370830e+01, v3  }
0x4f: {  	[tilespmem:s7+$0x50] =	vst v2;
	v2 =	vmul.f32 $1.131370830e+01, v4  }
0x50: {  	s5 =	sor.u32 s6, s23;
	v1 =	vmul.f32 $1.131370830e+01, v1;
	[tilespmem:s7+$0x60] =	vst v0  }
0x51: {  	s5 =	sshrl.u32 s5, $0x3;
	[tilespmem:s7+$0x70] =	vst v2  }
0x52: {  	p0 =	seq.s32 s19, $0x9;
	s5 =	sadd.s32 s3, s5;
	[tilespmem:s7+$0xFFFFFFF0] =	vst v1  }
0x53: {  	[hbm4b:s5+s4] =	stream.linear.scatter [tilespmem:s17], [sflag:$0x6], $0x4000, $0x38;
	[tilespmem:$0x15C00] =	vst v63  }
0x54: {  	s7 =	smul.u32 @!p0 $0xA00, s19;
	s5 =	simm.s32 @!p0 $0x6  }
0x55: {  	_ =	swait.ge @!p0 [sflag:s5], $0x4000  }
0x56: {  	s11 =	simm.s32 @!p0 $0x80;
	s7 =	sshra.s32 @!p0 s7, $0x2;
	[sflag:s5] =	ssyncset.done @!p0 $0x0  }
0x57: {  	s15 =	simm.s32 @!p0 $0x1C00;
	[sflag:s5] =	ssyncadd.s32 @!p0 $0xFFFFC000;
	s5 =	sadd.s32 @!p0 $0x280, s7  }
0x58: {  	[tilespmem:s15], [sflag:$0x1] =	stream.indirect.gather @!p0 [hbm4b:s1+s11], $0x80, s5, s11, $0xb8;
	[tilespmem:$0x15C00] =	vst v63  }
0x59: {  	_ =	swait.ge [sflag:s26], $0x4000  }
0x5a: {  	[sflag:s26] =	ssyncset.done $0x0  }
0x5b: {  	s11 =	simm.s32 $0x5C00;
	[sflag:s26] =	ssyncadd.s32 $0xFFFFC000  }
0x5c: {  	v1 =	vld [tilespmem:s11+$0xA0]  }
0x5d: {  	v2 =	vld [tilespmem:s11+$0x40]  }
0x5e: {  	v3 =	vld [tilespmem:s11+$0xE0]  }
0x5f: {  	v4 =	vld [tilespmem:s11+$0xD0]  }
0x60: {  	v5 =	vld [tilespmem:s11+$0x20]  }
0x61: {  	v0 =	vld [tilespmem:s11+$0x90]  }
0x62: {  	v8 =	vld [tilespmem:s11+$0xC0]  }
0x63: {  	v7 =	vld [tilespmem:s11+$0x10]  }
0x64: {  	v9 =	vld [tilespmem:s11+$0x0];
	v1 =	vmul.f32 $1.131370830e+01, v1  }
0x65: {  	v11 =	vld [tilespmem:s11+$0x50];
	v4 =	vmul.f32 $1.131370830e+01, v4  }
0x66: {  	v10 =	vld [tilespmem:s11+$0xB0];
	v12 =	vmul.f32 $1.131370830e+01, v5;
	[tilespmem:s11+$0xA0] =	vst v1  }
0x67: {  	v6 =	vld [tilespmem:s11+$0xF0];
	v13 =	vmul.f32 $1.131370830e+01, v8;
	[tilespmem:s11+$0xD0] =	vst v4  }
0x68: {  	v1 =	vmul.f32 $1.131370830e+01, v2;
	v2 =	vmul.f32 $1.131370830e+01, v3;
	v3 =	vld [tilespmem:s11+$0x80];
	[tilespmem:s11+$0x20] =	vst v12  }
0x69: {  	v4 =	vld [tilespmem:s11+$0x70];
	[tilespmem:s11+$0xC0] =	vst v13  }
0x6a: {  	v8 =	vmul.f32 $1.131370830e+01, v9;
	v5 =	vld [tilespmem:s11+$0x60];
	v9 =	vmul.f32 $1.131370830e+01, v11;
	[tilespmem:s11+$0x40] =	vst v1  }
0x6b: {  	s5 =	simm.s32 $0x0;
	s15 =	simm.s32 $0x5D00;
	[tilespmem:s11+$0xE0] =	vst v2;
	v1 =	vmul.f32 $1.131370830e+01, v7;
	v7 =	vld [tilespmem:s11+$0x30];
	v2 =	vmul.f32 $1.131370830e+01, v10  }
.LBB2_5:
0x6c: {  	v10 =	vld [tilespmem:s15+$0xA0];
	s5 =	sadd.s32 $0x2, s5;
	[tilespmem:s11+$0x0] =	vst v8;
	v0 =	vmul.f32 $1.131370830e+01, v0;
	v6 =	vmul.f32 $1.131370830e+01, v6  }
0x6d: {  	v8 =	vld [tilespmem:s15+$0x40];
	p1 =	slt.u32 s5, $0x7E;
	[tilespmem:s11+$0x50] =	vst v9;
	v3 =	vmul.f32 $1.131370830e+01, v3  }
0x6e: {  	v9 =	vld [tilespmem:s15+$0xE0];
	v4 =	vmul.f32 $1.131370830e+01, v4;
	[tilespmem:s11+$0xF0] =	vst v6  }
0x6f: {  	v11 =	vld [tilespmem:s15+$0x20];
	v5 =	vmul.f32 $1.131370830e+01, v5;
	[tilespmem:s11+$0x80] =	vst v3  }
0x70: {  	v3 =	vld [tilespmem:s15+$0xD0];
	v6 =	vmul.f32 $1.131370830e+01, v7;
	[tilespmem:s11+$0x90] =	vst v0  }
0x71: {  	v0 =	vld [tilespmem:s15+$0x90];
	v7 =	vmul.f32 $1.131370830e+01, v10;
	[tilespmem:s11+$0x10] =	vst v1  }
0x72: {  	v1 =	vld [tilespmem:s15+$0x10];
	[tilespmem:s11+$0x30] =	vst v6  }
0x73: {  	v10 =	vld [tilespmem:s15+$0xC0];
	v9 =	vmul.f32 $1.131370830e+01, v9;
	[tilespmem:s11+$0xB0] =	vst v2  }
0x74: {  	v2 =	vld [tilespmem:s15+$0x0];
	[tilespmem:s11+$0x70] =	vst v4  }
0x75: {  	v12 =	vld [tilespmem:s15+$0xB0];
	v3 =	vmul.f32 $1.131370830e+01, v3;
	[tilespmem:s11+$0x60] =	vst v5;
	s11 =	smov.u32 s15  }
0x76: {  	v13 =	vld [tilespmem:s15+$0x50];
	[tilespmem:s15+$0xA0] =	vst v7  }
.Ltmp1:
0x77: {  	v4 =	vmul.f32 $1.131370830e+01, v8;
	[tilespmem:s15+$0xD0] =	vst v3;
	v6 =	vld [tilespmem:s15+$0xF0];
	(pc) =	sbr.rel @p1 .LBB2_5-.Ltmp1, $4  }
0x78: {  	v3 =	vld [tilespmem:s15+$0x80];
	v7 =	vmul.f32 $1.131370830e+01, v10;
	[tilespmem:s15+$0xE0] =	vst v9  }
0x79: {  	v9 =	vmul.f32 $1.131370830e+01, v11;
	[tilespmem:s15+$0x40] =	vst v4;
	v4 =	vld [tilespmem:s15+$0x70]  }
0x7a: {  	v1 =	vmul.f32 $1.131370830e+01, v1;
	v8 =	vmul.f32 $1.131370830e+01, v2;
	v5 =	vld [tilespmem:s15+$0x60];
	[tilespmem:s15+$0xC0] =	vst v7  }
0x7b: {  	v2 =	vmul.f32 $1.131370830e+01, v12;
	s15 =	sadd.s32 $0x100, s15;
	[tilespmem:s11+$0x20] =	vst v9;
	v7 =	vld [tilespmem:s11+$0x30];
	v9 =	vmul.f32 $1.131370830e+01, v13  }
0x7c: {  	[tilespmem:s11+$0x0] =	vst v8  }
0x7d: {  	[tilespmem:s11+$0x10] =	vst v1  }
0x7e: {  	v6 =	vmul.f32 $1.131370830e+01, v6;
	[tilespmem:s11+$0x50] =	vst v9  }
0x7f: {  	v0 =	vmul.f32 $1.131370830e+01, v0;
	[tilespmem:s11+$0xB0] =	vst v2  }
0x80: {  	v3 =	vmul.f32 $1.131370830e+01, v3;
	[tilespmem:s11+$0xF0] =	vst v6  }
0x81: {  	[tilespmem:s11+$0x90] =	vst v0;
	v0 =	vmul.f32 $1.131370830e+01, v4  }
0x82: {  	[tilespmem:s11+$0x80] =	vst v3;
	v1 =	vmul.f32 $1.131370830e+01, v5  }
0x83: {  	s5 =	sadd.s32 s8, s23;
	v3 =	vmul.f32 $1.131370830e+01, v7;
	[tilespmem:s11+$0x70] =	vst v0  }
0x84: {  	s5 =	sshrl.u32 s5, $0x3;
	[tilespmem:s11+$0x60] =	vst v1  }
0x85: {  	s5 =	sadd.s32 s3, s5;
	[tilespmem:s11+$0x30] =	vst v3  }
0x86: {  	[hbm4b:s5+s4] =	stream.linear.scatter [tilespmem:s18], [sflag:$0x7], $0x4000, $0x38;
	[tilespmem:$0x15C00] =	vst v63  }
0x87: {  	s5 =	simm.s32 @!p0 $0x7  }
0x88: {  	_ =	swait.ge @!p0 [sflag:s5], $0x4000  }
0x89: {  	s15 =	simm.s32 @!p0 $0x5C00;
	[sflag:s5] =	ssyncset.done @!p0 $0x0  }
0x8a: {  	s11 =	simm.s32 @!p0 $0x80;
	[sflag:s5] =	ssyncadd.s32 @!p0 $0xFFFFC000;
	s5 =	sadd.s32 @!p0 $0x300, s7  }
0x8b: {  	[tilespmem:s15], [sflag:$0x2] =	stream.indirect.gather @!p0 [hbm4b:s1+s11], $0x80, s5, s11, $0xb8;
	[tilespmem:$0x15C00] =	vst v63  }
0x8c: {  	_ =	swait.ge [sflag:s28], $0x4000  }
0x8d: {  	[sflag:s28] =	ssyncset.done $0x0  }
0x8e: {  	s11 =	simm.s32 $0x9C00;
	[sflag:s28] =	ssyncadd.s32 $0xFFFFC000  }
0x8f: {  	v1 =	vld [tilespmem:s11+$0xA0]  }
0x90: {  	v2 =	vld [tilespmem:s11+$0x40]  }
0x91: {  	v3 =	vld [tilespmem:s11+$0xE0]  }
0x92: {  	v4 =	vld [tilespmem:s11+$0xD0]  }
0x93: {  	v5 =	vld [tilespmem:s11+$0x20]  }
0x94: {  	v0 =	vld [tilespmem:s11+$0x90]  }
0x95: {  	v8 =	vld [tilespmem:s11+$0xC0]  }
0x96: {  	v7 =	vld [tilespmem:s11+$0x10]  }
0x97: {  	v9 =	vld [tilespmem:s11+$0x0];
	v1 =	vmul.f32 $1.131370830e+01, v1  }
0x98: {  	v11 =	vld [tilespmem:s11+$0x50];
	v4 =	vmul.f32 $1.131370830e+01, v4  }
0x99: {  	v10 =	vld [tilespmem:s11+$0xB0];
	v12 =	vmul.f32 $1.131370830e+01, v5;
	[tilespmem:s11+$0xA0] =	vst v1  }
0x9a: {  	v6 =	vld [tilespmem:s11+$0xF0];
	v13 =	vmul.f32 $1.131370830e+01, v8;
	[tilespmem:s11+$0xD0] =	vst v4  }
0x9b: {  	v1 =	vmul.f32 $1.131370830e+01, v2;
	v2 =	vmul.f32 $1.131370830e+01, v3;
	v3 =	vld [tilespmem:s11+$0x80];
	[tilespmem:s11+$0x20] =	vst v12  }
0x9c: {  	v4 =	vld [tilespmem:s11+$0x70];
	[tilespmem:s11+$0xC0] =	vst v13  }
0x9d: {  	v8 =	vmul.f32 $1.131370830e+01, v9;
	v5 =	vld [tilespmem:s11+$0x60];
	v9 =	vmul.f32 $1.131370830e+01, v11;
	[tilespmem:s11+$0x40] =	vst v1  }
0x9e: {  	s5 =	simm.s32 $0x0;
	s15 =	simm.s32 $0x9D00;
	[tilespmem:s11+$0xE0] =	vst v2;
	v1 =	vmul.f32 $1.131370830e+01, v7;
	v7 =	vld [tilespmem:s11+$0x30];
	v2 =	vmul.f32 $1.131370830e+01, v10  }
.LBB2_7:
0x9f: {  	v10 =	vld [tilespmem:s15+$0xA0];
	s5 =	sadd.s32 $0x2, s5;
	[tilespmem:s11+$0x0] =	vst v8;
	v0 =	vmul.f32 $1.131370830e+01, v0;
	v6 =	vmul.f32 $1.131370830e+01, v6  }
0xa0: {  	v8 =	vld [tilespmem:s15+$0x40];
	p1 =	slt.u32 s5, $0x7E;
	[tilespmem:s11+$0x50] =	vst v9;
	v3 =	vmul.f32 $1.131370830e+01, v3  }
0xa1: {  	v9 =	vld [tilespmem:s15+$0xE0];
	v4 =	vmul.f32 $1.131370830e+01, v4;
	[tilespmem:s11+$0xF0] =	vst v6  }
0xa2: {  	v11 =	vld [tilespmem:s15+$0x20];
	v5 =	vmul.f32 $1.131370830e+01, v5;
	[tilespmem:s11+$0x80] =	vst v3  }
0xa3: {  	v3 =	vld [tilespmem:s15+$0xD0];
	v6 =	vmul.f32 $1.131370830e+01, v7;
	[tilespmem:s11+$0x90] =	vst v0  }
0xa4: {  	v0 =	vld [tilespmem:s15+$0x90];
	v7 =	vmul.f32 $1.131370830e+01, v10;
	[tilespmem:s11+$0x10] =	vst v1  }
0xa5: {  	v1 =	vld [tilespmem:s15+$0x10];
	[tilespmem:s11+$0x30] =	vst v6  }
0xa6: {  	v10 =	vld [tilespmem:s15+$0xC0];
	v9 =	vmul.f32 $1.131370830e+01, v9;
	[tilespmem:s11+$0xB0] =	vst v2  }
0xa7: {  	v2 =	vld [tilespmem:s15+$0x0];
	[tilespmem:s11+$0x70] =	vst v4  }
0xa8: {  	v12 =	vld [tilespmem:s15+$0xB0];
	v3 =	vmul.f32 $1.131370830e+01, v3;
	[tilespmem:s11+$0x60] =	vst v5;
	s11 =	smov.u32 s15  }
0xa9: {  	v13 =	vld [tilespmem:s15+$0x50];
	[tilespmem:s15+$0xA0] =	vst v7  }
.Ltmp2:
0xaa: {  	v4 =	vmul.f32 $1.131370830e+01, v8;
	[tilespmem:s15+$0xD0] =	vst v3;
	v6 =	vld [tilespmem:s15+$0xF0];
	(pc) =	sbr.rel @p1 .LBB2_7-.Ltmp2, $4  }
0xab: {  	v3 =	vld [tilespmem:s15+$0x80];
	v7 =	vmul.f32 $1.131370830e+01, v10;
	[tilespmem:s15+$0xE0] =	vst v9  }
0xac: {  	v9 =	vmul.f32 $1.131370830e+01, v11;
	[tilespmem:s15+$0x40] =	vst v4;
	v4 =	vld [tilespmem:s15+$0x70]  }
0xad: {  	v1 =	vmul.f32 $1.131370830e+01, v1;
	v8 =	vmul.f32 $1.131370830e+01, v2;
	v5 =	vld [tilespmem:s15+$0x60];
	[tilespmem:s15+$0xC0] =	vst v7  }
0xae: {  	v2 =	vmul.f32 $1.131370830e+01, v12;
	s15 =	sadd.s32 $0x100, s15;
	[tilespmem:s11+$0x20] =	vst v9;
	v7 =	vld [tilespmem:s11+$0x30];
	v9 =	vmul.f32 $1.131370830e+01, v13  }
0xaf: {  	[tilespmem:s11+$0x0] =	vst v8  }
0xb0: {  	[tilespmem:s11+$0x10] =	vst v1  }
0xb1: {  	v6 =	vmul.f32 $1.131370830e+01, v6;
	[tilespmem:s11+$0x50] =	vst v9  }
0xb2: {  	v0 =	vmul.f32 $1.131370830e+01, v0;
	[tilespmem:s11+$0xB0] =	vst v2  }
0xb3: {  	v3 =	vmul.f32 $1.131370830e+01, v3;
	[tilespmem:s11+$0xF0] =	vst v6  }
0xb4: {  	[tilespmem:s11+$0x90] =	vst v0;
	v0 =	vmul.f32 $1.131370830e+01, v4  }
0xb5: {  	[tilespmem:s11+$0x80] =	vst v3;
	v1 =	vmul.f32 $1.131370830e+01, v5  }
0xb6: {  	s5 =	sadd.s32 s9, s23;
	v3 =	vmul.f32 $1.131370830e+01, v7;
	[tilespmem:s11+$0x70] =	vst v0  }
0xb7: {  	s5 =	sshrl.u32 s5, $0x3;
	[tilespmem:s11+$0x60] =	vst v1  }
0xb8: {  	s5 =	sadd.s32 s3, s5;
	[tilespmem:s11+$0x30] =	vst v3  }
0xb9: {  	[hbm4b:s5+s4] =	stream.linear.scatter [tilespmem:s20], [sflag:$0x8], $0x4000, $0x38;
	[tilespmem:$0x15C00] =	vst v63  }
0xba: {  	s5 =	simm.s32 @!p0 $0x8  }
0xbb: {  	_ =	swait.ge @!p0 [sflag:s5], $0x4000  }
0xbc: {  	s15 =	simm.s32 @!p0 $0x9C00;
	[sflag:s5] =	ssyncset.done @!p0 $0x0  }
0xbd: {  	s11 =	simm.s32 @!p0 $0x80;
	[sflag:s5] =	ssyncadd.s32 @!p0 $0xFFFFC000;
	s5 =	sadd.s32 @!p0 $0x380, s7  }
0xbe: {  	[tilespmem:s15], [sflag:$0x3] =	stream.indirect.gather @!p0 [hbm4b:s1+s11], $0x80, s5, s11, $0xb8;
	[tilespmem:$0x15C00] =	vst v63  }
0xbf: {  	_ =	swait.ge [sflag:s29], $0x4000  }
0xc0: {  	[sflag:s29] =	ssyncset.done $0x0  }
0xc1: {  	s11 =	simm.s32 $0xDC00;
	[sflag:s29] =	ssyncadd.s32 $0xFFFFC000  }
0xc2: {  	v1 =	vld [tilespmem:s11+$0xA0]  }
0xc3: {  	v2 =	vld [tilespmem:s11+$0x40]  }
0xc4: {  	v3 =	vld [tilespmem:s11+$0xE0]  }
0xc5: {  	v4 =	vld [tilespmem:s11+$0xD0]  }
0xc6: {  	v5 =	vld [tilespmem:s11+$0x20]  }
0xc7: {  	v0 =	vld [tilespmem:s11+$0x90]  }
0xc8: {  	v8 =	vld [tilespmem:s11+$0xC0]  }
0xc9: {  	v7 =	vld [tilespmem:s11+$0x10]  }
0xca: {  	v9 =	vld [tilespmem:s11+$0x0];
	v1 =	vmul.f32 $1.131370830e+01, v1  }
0xcb: {  	v11 =	vld [tilespmem:s11+$0x50];
	v4 =	vmul.f32 $1.131370830e+01, v4  }
0xcc: {  	v10 =	vld [tilespmem:s11+$0xB0];
	v12 =	vmul.f32 $1.131370830e+01, v5;
	[tilespmem:s11+$0xA0] =	vst v1  }
0xcd: {  	v6 =	vld [tilespmem:s11+$0xF0];
	v13 =	vmul.f32 $1.131370830e+01, v8;
	[tilespmem:s11+$0xD0] =	vst v4  }
0xce: {  	v1 =	vmul.f32 $1.131370830e+01, v2;
	v2 =	vmul.f32 $1.131370830e+01, v3;
	v3 =	vld [tilespmem:s11+$0x80];
	[tilespmem:s11+$0x20] =	vst v12  }
0xcf: {  	v4 =	vld [tilespmem:s11+$0x70];
	[tilespmem:s11+$0xC0] =	vst v13  }
0xd0: {  	v8 =	vmul.f32 $1.131370830e+01, v9;
	v5 =	vld [tilespmem:s11+$0x60];
	v9 =	vmul.f32 $1.131370830e+01, v11;
	[tilespmem:s11+$0x40] =	vst v1  }
0xd1: {  	s5 =	simm.s32 $0x0;
	s15 =	simm.s32 $0xDD00;
	[tilespmem:s11+$0xE0] =	vst v2;
	v1 =	vmul.f32 $1.131370830e+01, v7;
	v7 =	vld [tilespmem:s11+$0x30];
	v2 =	vmul.f32 $1.131370830e+01, v10  }
.LBB2_9:
0xd2: {  	v10 =	vld [tilespmem:s15+$0xA0];
	s5 =	sadd.s32 $0x2, s5;
	[tilespmem:s11+$0x0] =	vst v8;
	v0 =	vmul.f32 $1.131370830e+01, v0;
	v6 =	vmul.f32 $1.131370830e+01, v6  }
0xd3: {  	v8 =	vld [tilespmem:s15+$0x40];
	p1 =	slt.u32 s5, $0x7E;
	[tilespmem:s11+$0x50] =	vst v9;
	v3 =	vmul.f32 $1.131370830e+01, v3  }
0xd4: {  	v9 =	vld [tilespmem:s15+$0xE0];
	v4 =	vmul.f32 $1.131370830e+01, v4;
	[tilespmem:s11+$0xF0] =	vst v6  }
0xd5: {  	v11 =	vld [tilespmem:s15+$0x20];
	v5 =	vmul.f32 $1.131370830e+01, v5;
	[tilespmem:s11+$0x80] =	vst v3  }
0xd6: {  	v3 =	vld [tilespmem:s15+$0xD0];
	v6 =	vmul.f32 $1.131370830e+01, v7;
	[tilespmem:s11+$0x90] =	vst v0  }
0xd7: {  	v0 =	vld [tilespmem:s15+$0x90];
	v7 =	vmul.f32 $1.131370830e+01, v10;
	[tilespmem:s11+$0x10] =	vst v1  }
0xd8: {  	v1 =	vld [tilespmem:s15+$0x10];
	[tilespmem:s11+$0x30] =	vst v6  }
0xd9: {  	v10 =	vld [tilespmem:s15+$0xC0];
	v9 =	vmul.f32 $1.131370830e+01, v9;
	[tilespmem:s11+$0xB0] =	vst v2  }
0xda: {  	v2 =	vld [tilespmem:s15+$0x0];
	[tilespmem:s11+$0x70] =	vst v4  }
0xdb: {  	v12 =	vld [tilespmem:s15+$0xB0];
	v3 =	vmul.f32 $1.131370830e+01, v3;
	[tilespmem:s11+$0x60] =	vst v5;
	s11 =	smov.u32 s15  }
0xdc: {  	v13 =	vld [tilespmem:s15+$0x50];
	[tilespmem:s15+$0xA0] =	vst v7  }
.Ltmp3:
0xdd: {  	v4 =	vmul.f32 $1.131370830e+01, v8;
	[tilespmem:s15+$0xD0] =	vst v3;
	v6 =	vld [tilespmem:s15+$0xF0];
	(pc) =	sbr.rel @p1 .LBB2_9-.Ltmp3, $4  }
0xde: {  	v3 =	vld [tilespmem:s15+$0x80];
	v7 =	vmul.f32 $1.131370830e+01, v10;
	[tilespmem:s15+$0xE0] =	vst v9  }
0xdf: {  	v9 =	vmul.f32 $1.131370830e+01, v11;
	[tilespmem:s15+$0x40] =	vst v4;
	v4 =	vld [tilespmem:s15+$0x70]  }
0xe0: {  	v1 =	vmul.f32 $1.131370830e+01, v1;
	v8 =	vmul.f32 $1.131370830e+01, v2;
	v5 =	vld [tilespmem:s15+$0x60];
	[tilespmem:s15+$0xC0] =	vst v7  }
0xe1: {  	v2 =	vmul.f32 $1.131370830e+01, v12;
	s15 =	sadd.s32 $0x100, s15;
	[tilespmem:s11+$0x20] =	vst v9;
	v7 =	vld [tilespmem:s11+$0x30];
	v9 =	vmul.f32 $1.131370830e+01, v13  }
0xe2: {  	[tilespmem:s11+$0x0] =	vst v8  }
0xe3: {  	[tilespmem:s11+$0x10] =	vst v1  }
0xe4: {  	v6 =	vmul.f32 $1.131370830e+01, v6;
	[tilespmem:s11+$0x50] =	vst v9  }
0xe5: {  	v0 =	vmul.f32 $1.131370830e+01, v0;
	[tilespmem:s11+$0xB0] =	vst v2  }
0xe6: {  	v3 =	vmul.f32 $1.131370830e+01, v3;
	[tilespmem:s11+$0xF0] =	vst v6  }
0xe7: {  	[tilespmem:s11+$0x90] =	vst v0;
	v0 =	vmul.f32 $1.131370830e+01, v4  }
0xe8: {  	[tilespmem:s11+$0x80] =	vst v3;
	v1 =	vmul.f32 $1.131370830e+01, v5  }
0xe9: {  	s5 =	sadd.s32 s10, s23;
	v3 =	vmul.f32 $1.131370830e+01, v7;
	[tilespmem:s11+$0x70] =	vst v0  }
0xea: {  	s5 =	sshrl.u32 s5, $0x3;
	[tilespmem:s11+$0x60] =	vst v1  }
0xeb: {  	s5 =	sadd.s32 s3, s5;
	[tilespmem:s11+$0x30] =	vst v3  }
0xec: {  	[hbm4b:s5+s4] =	stream.linear.scatter [tilespmem:s22], [sflag:$0x9], $0x4000, $0x38;
	[tilespmem:$0x15C00] =	vst v63  }
0xed: {  	s5 =	simm.s32 @!p0 $0x9  }
0xee: {  	_ =	swait.ge @!p0 [sflag:s5], $0x4000  }
0xef: {  	s11 =	simm.s32 @!p0 $0xDC00;
	[sflag:s5] =	ssyncset.done @!p0 $0x0  }
0xf0: {  	[sflag:s5] =	ssyncadd.s32 @!p0 $0xFFFFC000;
	s5 =	sadd.s32 @!p0 $0x400, s7;
	s7 =	simm.s32 @!p0 $0x80  }
0xf1: {  	[tilespmem:s11], [sflag:$0x4] =	stream.indirect.gather @!p0 [hbm4b:s1+s7], $0x80, s5, s7, $0xb8;
	[tilespmem:$0x15C00] =	vst v63  }
0xf2: {  	_ =	swait.ge [sflag:s30], $0x4000  }
0xf3: {  	[sflag:s30] =	ssyncset.done $0x0  }
0xf4: {  	s7 =	simm.s32 $0x11C00;
	[sflag:s30] =	ssyncadd.s32 $0xFFFFC000  }
0xf5: {  	v1 =	vld [tilespmem:s7+$0xA0]  }
0xf6: {  	v2 =	vld [tilespmem:s7+$0x40]  }
0xf7: {  	v3 =	vld [tilespmem:s7+$0xE0]  }
0xf8: {  	v4 =	vld [tilespmem:s7+$0xD0]  }
0xf9: {  	v5 =	vld [tilespmem:s7+$0x20]  }
0xfa: {  	v0 =	vld [tilespmem:s7+$0x90]  }
0xfb: {  	v8 =	vld [tilespmem:s7+$0xC0]  }
0xfc: {  	v7 =	vld [tilespmem:s7+$0x10]  }
0xfd: {  	v9 =	vld [tilespmem:s7+$0x0];
	v1 =	vmul.f32 $1.131370830e+01, v1  }
0xfe: {  	v11 =	vld [tilespmem:s7+$0x50];
	v4 =	vmul.f32 $1.131370830e+01, v4  }
0xff: {  	v10 =	vld [tilespmem:s7+$0xB0];
	v12 =	vmul.f32 $1.131370830e+01, v5;
	[tilespmem:s7+$0xA0] =	vst v1  }
0x100: {  	v6 =	vld [tilespmem:s7+$0xF0];
	v13 =	vmul.f32 $1.131370830e+01, v8;
	[tilespmem:s7+$0xD0] =	vst v4  }
0x101: {  	v1 =	vmul.f32 $1.131370830e+01, v2;
	v2 =	vmul.f32 $1.131370830e+01, v3;
	v3 =	vld [tilespmem:s7+$0x80];
	[tilespmem:s7+$0x20] =	vst v12  }
0x102: {  	v4 =	vld [tilespmem:s7+$0x70];
	[tilespmem:s7+$0xC0] =	vst v13  }
0x103: {  	v8 =	vmul.f32 $1.131370830e+01, v9;
	v5 =	vld [tilespmem:s7+$0x60];
	v9 =	vmul.f32 $1.131370830e+01, v11;
	[tilespmem:s7+$0x40] =	vst v1  }
0x104: {  	s5 =	simm.s32 $0x0;
	s11 =	simm.s32 $0x11D00;
	[tilespmem:s7+$0xE0] =	vst v2;
	v1 =	vmul.f32 $1.131370830e+01, v7;
	v7 =	vld [tilespmem:s7+$0x30];
	v2 =	vmul.f32 $1.131370830e+01, v10  }
.LBB2_11:
0x105: {  	v10 =	vld [tilespmem:s11+$0xA0];
	s5 =	sadd.s32 $0x2, s5;
	[tilespmem:s7+$0x0] =	vst v8;
	v0 =	vmul.f32 $1.131370830e+01, v0;
	v6 =	vmul.f32 $1.131370830e+01, v6  }
0x106: {  	v8 =	vld [tilespmem:s11+$0x40];
	p0 =	slt.u32 s5, $0x7E;
	[tilespmem:s7+$0x50] =	vst v9;
	v3 =	vmul.f32 $1.131370830e+01, v3  }
0x107: {  	v9 =	vld [tilespmem:s11+$0xE0];
	v4 =	vmul.f32 $1.131370830e+01, v4;
	[tilespmem:s7+$0xF0] =	vst v6  }
0x108: {  	v11 =	vld [tilespmem:s11+$0x20];
	v5 =	vmul.f32 $1.131370830e+01, v5;
	[tilespmem:s7+$0x80] =	vst v3  }
0x109: {  	v3 =	vld [tilespmem:s11+$0xD0];
	v6 =	vmul.f32 $1.131370830e+01, v7;
	[tilespmem:s7+$0x90] =	vst v0  }
0x10a: {  	v0 =	vld [tilespmem:s11+$0x90];
	v7 =	vmul.f32 $1.131370830e+01, v10;
	[tilespmem:s7+$0x10] =	vst v1  }
0x10b: {  	v1 =	vld [tilespmem:s11+$0x10];
	[tilespmem:s7+$0x30] =	vst v6  }
0x10c: {  	v10 =	vld [tilespmem:s11+$0xC0];
	v9 =	vmul.f32 $1.131370830e+01, v9;
	[tilespmem:s7+$0xB0] =	vst v2  }
0x10d: {  	v2 =	vld [tilespmem:s11+$0x0];
	[tilespmem:s7+$0x70] =	vst v4  }
0x10e: {  	v12 =	vld [tilespmem:s11+$0xB0];
	v3 =	vmul.f32 $1.131370830e+01, v3;
	[tilespmem:s7+$0x60] =	vst v5;
	s7 =	smov.u32 s11  }
0x10f: {  	v13 =	vld [tilespmem:s11+$0x50];
	[tilespmem:s11+$0xA0] =	vst v7  }
.Ltmp4:
0x110: {  	v4 =	vmul.f32 $1.131370830e+01, v8;
	[tilespmem:s11+$0xD0] =	vst v3;
	v6 =	vld [tilespmem:s11+$0xF0];
	(pc) =	sbr.rel @p0 .LBB2_11-.Ltmp4, $4  }
0x111: {  	v3 =	vld [tilespmem:s11+$0x80];
	v7 =	vmul.f32 $1.131370830e+01, v10;
	[tilespmem:s11+$0xE0] =	vst v9  }
0x112: {  	v9 =	vmul.f32 $1.131370830e+01, v11;
	[tilespmem:s11+$0x40] =	vst v4;
	v4 =	vld [tilespmem:s11+$0x70]  }
0x113: {  	v1 =	vmul.f32 $1.131370830e+01, v1;
	v8 =	vmul.f32 $1.131370830e+01, v2;
	v5 =	vld [tilespmem:s11+$0x60];
	[tilespmem:s11+$0xC0] =	vst v7  }
0x114: {  	v2 =	vmul.f32 $1.131370830e+01, v12;
	s11 =	sadd.s32 $0x100, s11;
	[tilespmem:s7+$0x20] =	vst v9;
	v7 =	vld [tilespmem:s7+$0x30];
	v9 =	vmul.f32 $1.131370830e+01, v13  }
0x115: {  	[tilespmem:s7+$0x0] =	vst v8  }
0x116: {  	[tilespmem:s7+$0x10] =	vst v1  }
0x117: {  	v6 =	vmul.f32 $1.131370830e+01, v6;
	[tilespmem:s7+$0x50] =	vst v9  }
0x118: {  	v0 =	vmul.f32 $1.131370830e+01, v0;
	[tilespmem:s7+$0xB0] =	vst v2  }
0x119: {  	s19 =	sadd.s32 $0x1, s19;
	v3 =	vmul.f32 $1.131370830e+01, v3;
	[tilespmem:s7+$0xF0] =	vst v6  }
0x11a: {  	p0 =	sne.s32 s19, $0xA;
	[tilespmem:s7+$0x90] =	vst v0;
	v62 =	vmul.f32 $1.131370830e+01, v4  }
.Ltmp5:
0x11b: {  	s5 =	sshll.u32 s21, $0x13;
	[tilespmem:s7+$0x80] =	vst v3;
	v63 =	vmul.f32 $1.131370830e+01, v5;
	(pc) =	sbr.rel @p0 .LBB2_2-.Ltmp5, $4  }
0x11c: {  	s5 =	sor.u32 s6, s5;
	v61 =	vmul.f32 $1.131370830e+01, v7;
	[tilespmem:s7+$0x70] =	vst v62  }
0x11d: {  	s5 =	sshrl.u32 s5, $0x3;
	[tilespmem:s7+$0x60] =	vst v63  }
0x11e: {  	s5 =	sadd.s32 s3, s5;
	[tilespmem:s7+$0x30] =	vst v61  }
0x11f: {  	[hbm4b:s5+s4] =	stream.linear.scatter [tilespmem:s24], [sflag:$0xA], $0x4000, $0x38;
	[tilespmem:$0x15C00] =	vst v63  }
0x120: {  	_ =	swait.ge [sflag:s31], $0x4000  }
0x121: {  	[sflag:s31] =	ssyncset.done $0x0  }
0x122: {  	[sflag:s31] =	ssyncadd.s32 $0xFFFFC000  }
0x123: {  	_ =	swait.ge [sflag:s0], $0x4000  }
0x124: {  	[sflag:s0] =	ssyncset.done $0x0  }
0x125: {  	[sflag:s0] =	ssyncadd.s32 $0xFFFFC000  }
0x126: {  	_ =	swait.ge [sflag:s2], $0x4000  }
0x127: {  	[sflag:s2] =	ssyncset.done $0x0  }
0x128: {  	[sflag:s2] =	ssyncadd.s32 $0xFFFFC000  }
0x129: {  	_ =	swait.ge [sflag:s12], $0x4000  }
0x12a: {  	[sflag:s12] =	ssyncset.done $0x0  }
0x12b: {  	[sflag:s12] =	ssyncadd.s32 $0xFFFFC000  }
0x12c: {  	_ =	swait.ge [sflag:s13], $0x4000  }
0x12d: {  	s14 =	sadd.s32 $0x1, s14;
	s5 =	rddreg [dreg:$0x6]  }
0x12e: {  	p0 =	sne.s32 s14, s5  }
.Ltmp6:
0x12f: {  	_ = 	snop;
	(pc) =	sbr.rel @p0 .LBB2_1-.Ltmp6, $3  }
0x130: {  	_ =	sdelay $0x1  }
0x131: {  	[sflag:s13] =	ssyncset.done $0x0  }
0x132: {  	[sflag:s13] =	ssyncadd.s32 $0xFFFFC000  }
0x133: {  	_ =	sfence.sel $0x180000  }
0x134: {  	[bflag:$0x0] =	sbarrier.arrive $0xFFFF  }
0x135: {  	_ =	strace $0x90000047  }
0x136: {  	s0 =	stileid.u32;
	[bflag:$0x2] =	sbarrier.arrive $0xFFFF  }
0x137: {  	p0 =	sne.s32 s0, $0x0;
	s0 =	rddreg [dreg:$0x3]  }
0x138: {  	s0 =	sadd.s32 @!p0 $0x100000, s0  }
0x139: {  	[sflag:s0] =	ssyncadd.tile.s32 @!p0 $0x1;
	_ =	shalt  }
.Lfunc_end2:
_tile_overlayer_lowered:
.L_overlay_start_2:
0x13a: {  	(tag) =	ssettag $0x2  }
0x13b: {  	s0 =	rddreg [dreg:$0x0];
	s2 =	stileid.u32  }
0x13c: {  	s1 =	rddreg [dreg:$0x1];
	p0 =	sne.s32 s2, $0x0  }
0x13d: {  	s3 =	rddreg [dreg:$0x2];
	[bflag:$0x3] =	sbarrier.arrive $0xFFFF;
	s2 =	simm.s32 @!p0 $0x1C0B  }
0x13e: {  	[timem:s3], [sflag:s2] =	dma.local @!p0 [hbm:s0], s1  }
0x13f: {  	s0 =	simm.s32 @!p0 $0xB  }
0x140: {  	_ =	swait.ge @!p0 [sflag:s0], s1  }
0x141: {  	s1 =	ssub.s32 @!p0 $0x0, s1;
	[sflag:s0] =	ssyncset.done @!p0 $0x0  }
0x142: {  	[sflag:s0] =	ssyncadd.s32 @!p0 s1  }
0x143: {  	[bflag:$0x3] =	sbarrier.arrive $0xFFFF  }
0x144: {  	_ =	shalt  }

</sc_bundles>
